<compile_context>
chip_gen: v7x
topology: tpu7x:2x2x1
jax: 0.10.2.dev20260603
libtpu: 0.0.44.dev20260713+nightly
codegen_flags: <defaults>
</compile_context>

<pallas_src>
import functools

import jax
import jax.numpy as jnp
from jax import lax
from jax.experimental import pallas as pl
from jax.experimental.pallas import tpu as pltpu
from jax.experimental.pallas import tpu_sc as plsc

N = 50000
E = 800000
B = 1000
IN_F = 82
H = 128
D = 256

NC = 2
NS = 16
NW = NC * NS
FC = 32
NCHUNK = H // FC
K = 128
N_PAD = 50048
ROWS_SUB = N_PAD // NS
E_PAD = NW * 196 * K
STEPS = E_PAD // (NW * K)
B_PAD = 1024
RB = N_PAD // 128


def _make_sc_scatter(nchunks, gather):
    mesh = plsc.VectorSubcoreMesh(core_axis_name="c", subcore_axis_name="s")

    @functools.partial(
        pl.kernel,
        mesh=mesh,
        out_type=jax.ShapeDtypeStruct((NC, nchunks, N_PAD, FC), jnp.float32),
        scratch_types=[
            pltpu.VMEM((K,), jnp.int32),
            pltpu.VMEM((K,), jnp.int32),
            pltpu.VMEM((K, FC), jnp.float32),
            pltpu.VMEM_SHARED((N_PAD, FC), jnp.float32),
            pltpu.SemaphoreType.DMA,
        ],
        compiler_params=pltpu.CompilerParams(use_tc_tiling_on_sc=False),
    )
    def sc_kernel(src_hbm, dst_hbm, zeros_hbm, ones_hbm, *rest):
        g_refs = rest[:nchunks]
        out_hbm = rest[nchunks]
        srcv, dstv, rows, acc, sem = rest[nchunks + 1:]
        cid = lax.axis_index("c")
        sid = lax.axis_index("s")
        wid = sid * NC + cid
        ebase = wid * (STEPS * K)
        if not gather:
            pltpu.sync_copy(ones_hbm, rows)
        for fc in range(nchunks):
            pltpu.sync_copy(
                zeros_hbm, acc.at[pl.ds(sid * ROWS_SUB, ROWS_SUB)])
            plsc.subcore_barrier()

            def body(i, _, fc=fc):
                off = ebase + i * K
                pltpu.sync_copy(dst_hbm.at[pl.ds(off, K)], dstv)
                if gather:
                    pltpu.sync_copy(src_hbm.at[pl.ds(off, K)], srcv)
                    pltpu.async_copy(g_refs[fc].at[srcv], rows, sem).wait()
                pltpu.sync_copy(rows, acc.at[dstv], add=True)
                return 0

            lax.fori_loop(0, STEPS, body, 0)
            plsc.subcore_barrier()
            pltpu.sync_copy(
                acc.at[pl.ds(sid * ROWS_SUB, ROWS_SUB)],
                out_hbm.at[cid, fc, pl.ds(sid * ROWS_SUB, ROWS_SUB)])
            plsc.subcore_barrier()

    return sc_kernel


_sc_spmm = _make_sc_scatter(NCHUNK, gather=True)
_sc_deg = _make_sc_scatter(1, gather=False)


def _k_pre(x_ref, w_ref, degt_ref, o_ref):
    dinv = jax.lax.rsqrt(degt_ref[:, 0:1] + 1.0)
    o_ref[...] = dinv * jnp.dot(
        x_ref[...], w_ref[...], preferred_element_type=jnp.float32)


def _pre(xp, w, degt):
    return pl.pallas_call(
        _k_pre,
        grid=(RB,),
        in_specs=[
            pl.BlockSpec((128, 128), lambda i: (i, 0)),
            pl.BlockSpec((128, 128), lambda i: (0, 0)),
            pl.BlockSpec((128, 128), lambda i: (i, 0)),
        ],
        out_specs=pl.BlockSpec((128, 128), lambda i: (i, 0)),
        out_shape=jax.ShapeDtypeStruct((N_PAD, 128), jnp.float32),
    )(xp, w, degt)


def _k_mid(y_ref, g_ref, degt_ref, b_ref, w_ref, o_ref):
    dinv = jax.lax.rsqrt(degt_ref[:, 0:1] + 1.0)
    h = jnp.maximum(dinv * (y_ref[...] + g_ref[...]) + b_ref[0:1, :], 0.0)
    o_ref[...] = dinv * jnp.dot(
        h, w_ref[...], preferred_element_type=jnp.float32)


def _mid(y, g, degt, b, w):
    b8 = jnp.broadcast_to(b.reshape(1, 128), (8, 128))
    return pl.pallas_call(
        _k_mid,
        grid=(RB,),
        in_specs=[
            pl.BlockSpec((128, 128), lambda i: (i, 0)),
            pl.BlockSpec((128, 128), lambda i: (i, 0)),
            pl.BlockSpec((128, 128), lambda i: (i, 0)),
            pl.BlockSpec((8, 128), lambda i: (0, 0)),
            pl.BlockSpec((128, 128), lambda i: (0, 0)),
        ],
        out_specs=pl.BlockSpec((128, 128), lambda i: (i, 0)),
        out_shape=jax.ShapeDtypeStruct((N_PAD, 128), jnp.float32),
    )(y, g, degt, b8, w)


def _k_post(y_ref, g_ref, degt_ref, b_ref, wg_ref, h_ref, gate_ref):
    dinv = jax.lax.rsqrt(degt_ref[:, 0:1] + 1.0)
    h = jnp.maximum(dinv * (y_ref[...] + g_ref[...]) + b_ref[0:1, :], 0.0)
    h_ref[...] = h
    gate = jnp.dot(h, wg_ref[...], preferred_element_type=jnp.float32)
    gate_ref[...] = jnp.broadcast_to(gate, (128, 128))


def _post(y, g, degt, b, wg):
    b8 = jnp.broadcast_to(b.reshape(1, 128), (8, 128))
    return pl.pallas_call(
        _k_post,
        grid=(RB,),
        in_specs=[
            pl.BlockSpec((128, 128), lambda i: (i, 0)),
            pl.BlockSpec((128, 128), lambda i: (i, 0)),
            pl.BlockSpec((128, 128), lambda i: (i, 0)),
            pl.BlockSpec((8, 128), lambda i: (0, 0)),
            pl.BlockSpec((128, 1), lambda i: (0, 0)),
        ],
        out_specs=[
            pl.BlockSpec((128, 128), lambda i: (i, 0)),
            pl.BlockSpec((128, 128), lambda i: (i, 0)),
        ],
        out_shape=[
            jax.ShapeDtypeStruct((N_PAD, 128), jnp.float32),
            jax.ShapeDtypeStruct((N_PAD, 128), jnp.float32),
        ],
    )(y, g, degt, b8, wg)


def _k_segmax(gate_ref, batcht_ref, o_ref):
    i = pl.program_id(0)
    bt = batcht_ref[:, 0:1]
    lane = lax.broadcasted_iota(jnp.int32, (128, B_PAD), 1)
    oh = bt == lane
    gcol = gate_ref[:, 0:1]
    masked = jnp.where(oh, jnp.broadcast_to(gcol, (128, B_PAD)), -3e38)
    m = jnp.max(masked, axis=0, keepdims=True)
    m8 = jnp.broadcast_to(m, (8, B_PAD))

    @pl.when(i == 0)
    def _():
        o_ref[...] = m8

    @pl.when(i > 0)
    def _():
        o_ref[...] = jnp.maximum(o_ref[...], m8)


def _segmax(gate, batcht):
    return pl.pallas_call(
        _k_segmax,
        grid=(RB,),
        in_specs=[
            pl.BlockSpec((128, 128), lambda i: (i, 0)),
            pl.BlockSpec((128, 128), lambda i: (i, 0)),
        ],
        out_specs=pl.BlockSpec((8, B_PAD), lambda i: (0, 0)),
        out_shape=jax.ShapeDtypeStruct((8, B_PAD), jnp.float32),
    )(gate, batcht)


def _k_segsum(gate_ref, h_ref, batcht_ref, batchr_ref, smax_ref,
              num_ref, den_ref):
    i = pl.program_id(0)
    bt = batcht_ref[:, 0:1]
    lane = lax.broadcasted_iota(jnp.int32, (128, B_PAD), 1)
    oh = (bt == lane).astype(jnp.float32)
    br = batchr_ref[...].reshape(1, 128)
    sub = lax.broadcasted_iota(jnp.int32, (B_PAD, 128), 0)
    oht = (sub == br).astype(jnp.float32)
    smax_col = smax_ref[:, 0:1]
    gmax = jnp.dot(oh, smax_col, preferred_element_type=jnp.float32)
    e = jnp.exp(gate_ref[:, 0:1] - gmax)
    num = jnp.dot(oht, e * h_ref[...], preferred_element_type=jnp.float32)
    den = jnp.dot(oht, jnp.broadcast_to(e, (128, 128)),
                  preferred_element_type=jnp.float32)

    @pl.when(i == 0)
    def _():
        num_ref[...] = num
        den_ref[...] = den

    @pl.when(i > 0)
    def _():
        num_ref[...] += num
        den_ref[...] += den


def _segsum(gate, h, batcht, batchr3, smax8):
    smaxb = jnp.broadcast_to(smax8[0][:, None], (B_PAD, 128))
    return pl.pallas_call(
        _k_segsum,
        grid=(RB,),
        in_specs=[
            pl.BlockSpec((128, 128), lambda i: (i, 0)),
            pl.BlockSpec((128, 128), lambda i: (i, 0)),
            pl.BlockSpec((128, 128), lambda i: (i, 0)),
            pl.BlockSpec((1, 1, 128), lambda i: (i, 0, 0)),
            pl.BlockSpec((B_PAD, 128), lambda i: (0, 0)),
        ],
        out_specs=[
            pl.BlockSpec((B_PAD, 128), lambda i: (0, 0)),
            pl.BlockSpec((B_PAD, 128), lambda i: (0, 0)),
        ],
        out_shape=[
            jax.ShapeDtypeStruct((B_PAD, 128), jnp.float32),
            jax.ShapeDtypeStruct((B_PAD, 128), jnp.float32),
        ],
    )(gate, h, batcht, batchr3, smaxb)


def _k_proj(num_ref, den_ref, wp_ref, bp_ref, o_ref):
    den = den_ref[...]
    pooled = num_ref[...] / jnp.where(den > 0.0, den, 1.0)
    o_ref[...] = jnp.dot(
        pooled, wp_ref[...], preferred_element_type=jnp.float32) + bp_ref[0:1, :]


def _proj(num, den, wp, bp):
    bp8 = jnp.broadcast_to(bp.reshape(1, D), (8, D))
    return pl.pallas_call(
        _k_proj,
        grid=(8,),
        in_specs=[
            pl.BlockSpec((128, 128), lambda i: (i, 0)),
            pl.BlockSpec((128, 128), lambda i: (i, 0)),
            pl.BlockSpec((128, D), lambda i: (0, 0)),
            pl.BlockSpec((8, D), lambda i: (0, 0)),
        ],
        out_specs=pl.BlockSpec((128, D), lambda i: (i, 0)),
        out_shape=jax.ShapeDtypeStruct((B_PAD, D), jnp.float32),
    )(num, den, wp, bp8)


def _sc_pass(src_p, dst_p, zeros_sub, ones_k, g):
    chunks = [g[:, i * FC:(i + 1) * FC] for i in range(NCHUNK)]
    parts = _sc_spmm(src_p, dst_p, zeros_sub, ones_k, *chunks)
    y = parts[0] + parts[1]
    return y.transpose(1, 0, 2).reshape(N_PAD, H)


@jax.jit
def kernel(x, edge_index, batch, W0, b0, W1, b1, W2, b2, Wg, bg, Wp, bp):
    pad_e = E_PAD - E
    src_p = jnp.concatenate(
        [edge_index[0], jnp.full((pad_e,), N, jnp.int32)])
    dst_p = jnp.concatenate(
        [edge_index[1], jnp.full((pad_e,), N, jnp.int32)])
    xp = jnp.zeros((N_PAD, 128), jnp.float32).at[:N, :IN_F].set(x)
    w0p = jnp.zeros((128, H), jnp.float32).at[:IN_F].set(W0)
    zeros_sub = jnp.zeros((ROWS_SUB, FC), jnp.float32)
    ones_k = jnp.ones((K, FC), jnp.float32)
    dummy_g = jnp.zeros((N_PAD, FC), jnp.float32)

    deg_parts = _sc_deg(src_p, dst_p, zeros_sub, ones_k, dummy_g)
    deg = deg_parts[0, 0, :, 0] + deg_parts[1, 0, :, 0]
    degt = jnp.broadcast_to(deg[:, None], (N_PAD, 128))

    g = _pre(xp, w0p, degt)
    y = _sc_pass(src_p, dst_p, zeros_sub, ones_k, g)
    g = _mid(y, g, degt, b0, W1)
    y = _sc_pass(src_p, dst_p, zeros_sub, ones_k, g)
    g = _mid(y, g, degt, b1, W2)
    y = _sc_pass(src_p, dst_p, zeros_sub, ones_k, g)
    h3, gate = _post(y, g, degt, b2, Wg)

    batch_p = jnp.concatenate(
        [batch, jnp.full((N_PAD - N,), B, jnp.int32)])
    batcht = jnp.broadcast_to(batch_p[:, None], (N_PAD, 128))
    batchr3 = batch_p.reshape(RB, 1, 128)
    smax = _segmax(gate, batcht)
    num, den = _segsum(gate, h3, batcht, batchr3, smax)
    out = _proj(num, den, Wp, bp)
    return out[:B]

# --- scband reference (transcript-rebuilt; emitter-appended) ---
"""Pipeline reference for scband-mol-graph-encoder-84834194031132 (READ-ONLY COPY).

The authoritative reference and input builder live on the scoring server;
editing this copy changes nothing except your own understanding.
"""

import jax, jax.numpy as jnp
import numpy as np

N = 50000
E = 800000
B = 1000
IN_F = 82
H = 128
D = 256


def setup_inputs(seed: int = 0) -> dict:
    key = jax.random.key(seed)
    ks = jax.random.split(key, 13)
    x = jax.random.normal(ks[0], (N, IN_F), dtype=jnp.float32)
    edge_index = jax.random.randint(ks[1], (2, E), 0, N, dtype=jnp.int32)
    batch = jnp.sort(jax.random.randint(ks[2], (N,), 0, B, dtype=jnp.int32))
    def lin(k, fan_in, fan_out):
        bound = 1.0 / np.sqrt(fan_in)
        kw, kb = jax.random.split(k)
        W = jax.random.uniform(kw, (fan_in, fan_out), minval=-bound, maxval=bound, dtype=jnp.float32)
        b = jax.random.uniform(kb, (fan_out,), minval=-bound, maxval=bound, dtype=jnp.float32)
        return W, b
    W0, b0 = lin(ks[3], IN_F, H)
    W1, b1 = lin(ks[4], H, H)
    W2, b2 = lin(ks[5], H, H)
    Wg, bg = lin(ks[6], H, 1)
    Wp, bp = lin(ks[7], H, D)
    return {"x": x, "edge_index": edge_index, "batch": batch,
            "W0": W0, "b0": b0, "W1": W1, "b1": b1, "W2": W2, "b2": b2,
            "Wg": Wg, "bg": bg, "Wp": Wp, "bp": bp}


def _gcn_conv(x, edge_index, W, b):
    # PyG GCNConv: D^{-1/2} (A + I) D^{-1/2} X W + b
    src = edge_index[0]
    dst = edge_index[1]
    loop = jnp.arange(N, dtype=edge_index.dtype)
    src = jnp.concatenate([src, loop])
    dst = jnp.concatenate([dst, loop])
    deg = jnp.zeros((N,), jnp.float32).at[dst].add(1.0)
    dinv = jnp.where(deg > 0, 1.0 / jnp.sqrt(deg), 0.0)
    norm = dinv[src] * dinv[dst]
    h = x @ W
    msg = h[src] * norm[:, None]
    agg = jnp.zeros((N, W.shape[1]), jnp.float32).at[dst].add(msg)
    return agg + b


def reference(x, edge_index, batch, W0, b0, W1, b1, W2, b2, Wg, bg, Wp, bp):
    h = jax.nn.relu(_gcn_conv(x, edge_index, W0, b0))
    h = jax.nn.relu(_gcn_conv(h, edge_index, W1, b1))
    h = jax.nn.relu(_gcn_conv(h, edge_index, W2, b2))
    # GlobalAttention pooling: softmax(gate_nn(h), batch), then scatter-add of gate*h
    gate = (h @ Wg + bg)[:, 0]
    seg_max = jax.ops.segment_max(gate, batch, num_segments=B)
    seg_max = jnp.where(jnp.isfinite(seg_max), seg_max, 0.0)
    e = jnp.exp(gate - seg_max[batch])
    denom = jax.ops.segment_sum(e, batch, num_segments=B)
    alpha = e / jnp.where(denom > 0, denom, 1.0)[batch]
    pooled = jax.ops.segment_sum(alpha[:, None] * h, batch, num_segments=B)
    return pooled @ Wp + bp

if __name__ == "__main__":
    import jax
    _d = setup_inputs()
    print(jax.jit(kernel)(*tuple(_d.values())))

</pallas_src>

<mosaic_0001>
#map = affine_map<(d0, d1) -> (0)>
#map1 = affine_map<(d0, d1) -> (0, 0)>
#map2 = affine_map<(d0, d1) -> (0, 0, 0, 0)>
module attributes {stable_mosaic.version = 14 : i64} {
  func.func @sc_kernel(%arg0: i32, %arg1: i32, %arg2: memref<802816xi32, #tpu.memory_space<hbm>>, %arg3: memref<802816xi32, #tpu.memory_space<hbm>>, %arg4: memref<3128x32xf32, #tpu.memory_space<hbm>>, %arg5: memref<128x32xf32, #tpu.memory_space<hbm>>, %arg6: memref<50048x32xf32, #tpu.memory_space<hbm>>, %arg7: memref<50048x32xf32, #tpu.memory_space<hbm>>, %arg8: memref<50048x32xf32, #tpu.memory_space<hbm>>, %arg9: memref<50048x32xf32, #tpu.memory_space<hbm>>, %arg10: memref<2x4x50048x32xf32, #tpu.memory_space<hbm>>, %arg11: memref<128xi32, #tpu.memory_space<vmem>>, %arg12: memref<128xi32, #tpu.memory_space<vmem>>, %arg13: memref<128x32xf32, #tpu.memory_space<vmem>>, %arg14: memref<50048x32xf32, #tpu.memory_space<vmem_shared>>, %arg15: memref<!tpu.dma_semaphore, #tpu.memory_space<semaphore_mem>>) attributes {dimension_semantics = [#tpu.dimension_semantics<core_parallel>, #tpu.dimension_semantics<subcore_parallel>], iteration_bounds = array<i64: 2, 16>, scalar_prefetch = 0 : i64, scratch_operands = 5 : i64, tpu.core_type = #tpu.core_type<sc_vector_subcore>, window_params = [{transform_indices = #map}, {transform_indices = #map}, {transform_indices = #map1}, {transform_indices = #map1}, {transform_indices = #map1}, {transform_indices = #map1}, {transform_indices = #map1}, {transform_indices = #map1}, {transform_indices = #map2}]} {
    %mul3A = arith.constant 2 : i32
    %mul3A_0 = arith.muli %arg1, %mul3A : i32
    %add3A = arith.addi %mul3A_0, %arg0 : i32
    %mul3A_1 = arith.constant 25088 : i32
    %mul3A_2 = arith.muli %add3A, %mul3A_1 : i32
    %mul3A_3 = arith.constant 3128 : i32
    %mul3A_4 = arith.muli %arg1, %mul3A_3 : i32
    "tpu.region"() ({
      %run_scoped3A_68 = tpu.sem_alloc : memref<!tpu.dma_semaphore, #tpu.memory_space<semaphore_mem>>
      %dma_start3A = arith.constant 0 : i32
      %dma_start3A_69 = tpu.memref_slice %arg14[%mul3A_4, %dma_start3A] : memref<50048x32xf32, #tpu.memory_space<vmem_shared>> -> memref<3128x32xf32, #tpu.memory_space<vmem_shared>>
      tpu.enqueue_dma source(%arg4 : memref<3128x32xf32, #tpu.memory_space<hbm>>) target(%dma_start3A_69 : memref<3128x32xf32, #tpu.memory_space<vmem_shared>>) target_semaphore(%run_scoped3A_68 : memref<!tpu.dma_semaphore, #tpu.memory_space<semaphore_mem>>)
      %dma_wait3A = arith.constant 0 : i32
      %dma_wait3A_70 = tpu.memref_slice %arg14[%mul3A_4, %dma_wait3A] : memref<50048x32xf32, #tpu.memory_space<vmem_shared>> -> memref<3128x32xf32, #tpu.memory_space<vmem_shared>>
      tpu.wait_dma2 semaphore(%run_scoped3A_68 : memref<!tpu.dma_semaphore, #tpu.memory_space<semaphore_mem>>) src(%arg4 : memref<3128x32xf32, #tpu.memory_space<hbm>>) dst(%dma_wait3A_70 : memref<3128x32xf32, #tpu.memory_space<vmem_shared>>)
      tpu.yield
    }) : () -> ()
    %barrier3A = arith.constant 0 : index
    tpu.barrier barrier_id(%barrier3A)
    %scan3A = arith.constant 0 : i32
    %scan3A_5 = arith.constant 0 : i32
    %scan3A_6 = arith.constant 196 : i32
    %scan3A_7 = arith.addi %scan3A_5, %scan3A_6 : i32
    %scan3A_8 = arith.constant 1 : i32
    %scan3A_9 = scf.for %scan3A_68 = %scan3A_5 to %scan3A_7 step %scan3A_8 iter_args(%scan3A_69 = %scan3A) -> (i32)  : i32 {
      %mul3A_70 = arith.constant 128 : i32
      %mul3A_71 = arith.muli %scan3A_68, %mul3A_70 : i32
      %add3A_72 = arith.addi %mul3A_2, %mul3A_71 : i32
      "tpu.region"() ({
        %run_scoped3A_78 = tpu.sem_alloc : memref<!tpu.dma_semaphore, #tpu.memory_space<semaphore_mem>>
        %dma_start3A_79 = tpu.memref_slice %arg3[%add3A_72] : memref<802816xi32, #tpu.memory_space<hbm>> -> memref<128xi32, #tpu.memory_space<hbm>>
        %dma_start3A_80 = tpu.memref_slice %arg3[%add3A_72] : memref<802816xi32, #tpu.memory_space<hbm>> -> memref<128xi32, #tpu.memory_space<hbm>>
        tpu.enqueue_dma source(%dma_start3A_80 : memref<128xi32, #tpu.memory_space<hbm>>) target(%arg12 : memref<128xi32, #tpu.memory_space<vmem>>) target_semaphore(%run_scoped3A_78 : memref<!tpu.dma_semaphore, #tpu.memory_space<semaphore_mem>>)
        %dma_wait3A_81 = tpu.memref_slice %arg3[%add3A_72] : memref<802816xi32, #tpu.memory_space<hbm>> -> memref<128xi32, #tpu.memory_space<hbm>>
        %dma_wait3A_82 = tpu.memref_slice %arg3[%add3A_72] : memref<802816xi32, #tpu.memory_space<hbm>> -> memref<128xi32, #tpu.memory_space<hbm>>
        tpu.wait_dma2 semaphore(%run_scoped3A_78 : memref<!tpu.dma_semaphore, #tpu.memory_space<semaphore_mem>>) src(%dma_wait3A_82 : memref<128xi32, #tpu.memory_space<hbm>>) dst(%arg12 : memref<128xi32, #tpu.memory_space<vmem>>)
        tpu.yield
      }) : () -> ()
      "tpu.region"() ({
        %run_scoped3A_78 = tpu.sem_alloc : memref<!tpu.dma_semaphore, #tpu.memory_space<semaphore_mem>>
        %dma_start3A_79 = tpu.memref_slice %arg2[%add3A_72] : memref<802816xi32, #tpu.memory_space<hbm>> -> memref<128xi32, #tpu.memory_space<hbm>>
        %dma_start3A_80 = tpu.memref_slice %arg2[%add3A_72] : memref<802816xi32, #tpu.memory_space<hbm>> -> memref<128xi32, #tpu.memory_space<hbm>>
        tpu.enqueue_dma source(%dma_start3A_80 : memref<128xi32, #tpu.memory_space<hbm>>) target(%arg11 : memref<128xi32, #tpu.memory_space<vmem>>) target_semaphore(%run_scoped3A_78 : memref<!tpu.dma_semaphore, #tpu.memory_space<semaphore_mem>>)
        %dma_wait3A_81 = tpu.memref_slice %arg2[%add3A_72] : memref<802816xi32, #tpu.memory_space<hbm>> -> memref<128xi32, #tpu.memory_space<hbm>>
        %dma_wait3A_82 = tpu.memref_slice %arg2[%add3A_72] : memref<802816xi32, #tpu.memory_space<hbm>> -> memref<128xi32, #tpu.memory_space<hbm>>
        tpu.wait_dma2 semaphore(%run_scoped3A_78 : memref<!tpu.dma_semaphore, #tpu.memory_space<semaphore_mem>>) src(%dma_wait3A_82 : memref<128xi32, #tpu.memory_space<hbm>>) dst(%arg11 : memref<128xi32, #tpu.memory_space<vmem>>)
        tpu.yield
      }) : () -> ()
      %dma_start3A = arith.constant 0 : i32
      %dma_start3A_73 = arith.constant 0 : i32
      %dma_start3A_74 = tpu.memref_slice %arg6[%dma_start3A, %dma_start3A_73] : memref<50048x32xf32, #tpu.memory_space<hbm>> -> memref<50048x32xf32, #tpu.memory_space<hbm>>
      tpu.enqueue_indirect_dma source(%dma_start3A_74 : memref<50048x32xf32, #tpu.memory_space<hbm>>) target(%arg13 : memref<128x32xf32, #tpu.memory_space<vmem>>) offsets(%arg11 : memref<128xi32, #tpu.memory_space<vmem>>) semaphore(%arg15 : memref<!tpu.dma_semaphore, #tpu.memory_space<semaphore_mem>>)
      %dma_wait3A = arith.constant 0 : i32
      %dma_wait3A_75 = arith.constant 0 : i32
      %dma_wait3A_76 = tpu.memref_slice %arg6[%dma_wait3A, %dma_wait3A_75] : memref<50048x32xf32, #tpu.memory_space<hbm>> -> memref<50048x32xf32, #tpu.memory_space<hbm>>
      tpu.wait_indirect_dma semaphore(%arg15 : memref<!tpu.dma_semaphore, #tpu.memory_space<semaphore_mem>>) src(%dma_wait3A_76 : memref<50048x32xf32, #tpu.memory_space<hbm>>) dst(%arg13 : memref<128x32xf32, #tpu.memory_space<vmem>>)
      "tpu.region"() ({
        %run_scoped3A_78 = tpu.sem_alloc : memref<!tpu.dma_semaphore, #tpu.memory_space<semaphore_mem>>
        %dma_start3A_79 = arith.constant 0 : i32
        %dma_start3A_80 = arith.constant 0 : i32
        %dma_start3A_81 = tpu.memref_slice %arg14[%dma_start3A_79, %dma_start3A_80] : memref<50048x32xf32, #tpu.memory_space<vmem_shared>> -> memref<50048x32xf32, #tpu.memory_space<vmem_shared>>
        tpu.enqueue_indirect_dma source(%arg13 : memref<128x32xf32, #tpu.memory_space<vmem>>) target(%dma_start3A_81 : memref<50048x32xf32, #tpu.memory_space<vmem_shared>>) offsets(%arg12 : memref<128xi32, #tpu.memory_space<vmem>>) semaphore(%run_scoped3A_78 : memref<!tpu.dma_semaphore, #tpu.memory_space<semaphore_mem>>) {add = true}
        %dma_wait3A_82 = arith.constant 0 : i32
        %dma_wait3A_83 = arith.constant 0 : i32
        %dma_wait3A_84 = tpu.memref_slice %arg14[%dma_wait3A_82, %dma_wait3A_83] : memref<50048x32xf32, #tpu.memory_space<vmem_shared>> -> memref<50048x32xf32, #tpu.memory_space<vmem_shared>>
        tpu.wait_indirect_dma semaphore(%run_scoped3A_78 : memref<!tpu.dma_semaphore, #tpu.memory_space<semaphore_mem>>) src(%arg13 : memref<128x32xf32, #tpu.memory_space<vmem>>) dst(%dma_wait3A_84 : memref<50048x32xf32, #tpu.memory_space<vmem_shared>>)
        tpu.yield
      }) : () -> ()
      %scan3A_77 = arith.constant 0 : i32
      scf.yield %scan3A_77 : i32
    }
    %scan3A_10 = arith.constant 196 : i32
    %barrier3A_11 = arith.constant 0 : index
    tpu.barrier barrier_id(%barrier3A_11)
    %mul3A_12 = arith.constant 3128 : i32
    %mul3A_13 = arith.muli %arg1, %mul3A_12 : i32
    %mul3A_14 = arith.constant 3128 : i32
    %mul3A_15 = arith.muli %arg1, %mul3A_14 : i32
    %run_scoped3A = arith.constant 0 : i32
    "tpu.region"() ({
      %run_scoped3A_68 = tpu.sem_alloc : memref<!tpu.dma_semaphore, #tpu.memory_space<semaphore_mem>>
      %dma_start3A = arith.constant 0 : i32
      %dma_start3A_69 = tpu.memref_slice %arg10[%arg0, %run_scoped3A, %mul3A_15, %dma_start3A] : memref<2x4x50048x32xf32, #tpu.memory_space<hbm>> -> memref<1x1x3128x32xf32, #tpu.memory_space<hbm>>
      %dma_start3A_70 = tpu.memref_squeeze %dma_start3A_69 : memref<1x1x3128x32xf32, #tpu.memory_space<hbm>> -> memref<3128x32xf32, #tpu.memory_space<hbm>>
      %dma_start3A_71 = arith.constant 0 : i32
      %dma_start3A_72 = tpu.memref_slice %arg14[%mul3A_13, %dma_start3A_71] : memref<50048x32xf32, #tpu.memory_space<vmem_shared>> -> memref<3128x32xf32, #tpu.memory_space<vmem_shared>>
      tpu.enqueue_dma source(%dma_start3A_72 : memref<3128x32xf32, #tpu.memory_space<vmem_shared>>) target(%dma_start3A_70 : memref<3128x32xf32, #tpu.memory_space<hbm>>) target_semaphore(%run_scoped3A_68 : memref<!tpu.dma_semaphore, #tpu.memory_space<semaphore_mem>>)
      %dma_wait3A = arith.constant 0 : i32
      %dma_wait3A_73 = tpu.memref_slice %arg10[%arg0, %run_scoped3A, %mul3A_15, %dma_wait3A] : memref<2x4x50048x32xf32, #tpu.memory_space<hbm>> -> memref<1x1x3128x32xf32, #tpu.memory_space<hbm>>
      %dma_wait3A_74 = tpu.memref_squeeze %dma_wait3A_73 : memref<1x1x3128x32xf32, #tpu.memory_space<hbm>> -> memref<3128x32xf32, #tpu.memory_space<hbm>>
      %dma_wait3A_75 = arith.constant 0 : i32
      %dma_wait3A_76 = tpu.memref_slice %arg14[%mul3A_13, %dma_wait3A_75] : memref<50048x32xf32, #tpu.memory_space<vmem_shared>> -> memref<3128x32xf32, #tpu.memory_space<vmem_shared>>
      tpu.wait_dma2 semaphore(%run_scoped3A_68 : memref<!tpu.dma_semaphore, #tpu.memory_space<semaphore_mem>>) src(%dma_wait3A_76 : memref<3128x32xf32, #tpu.memory_space<vmem_shared>>) dst(%dma_wait3A_74 : memref<3128x32xf32, #tpu.memory_space<hbm>>)
      tpu.yield
    }) : () -> ()
    %barrier3A_16 = arith.constant 0 : index
    tpu.barrier barrier_id(%barrier3A_16)
    %mul3A_17 = arith.constant 3128 : i32
    %mul3A_18 = arith.muli %arg1, %mul3A_17 : i32
    "tpu.region"() ({
      %run_scoped3A_68 = tpu.sem_alloc : memref<!tpu.dma_semaphore, #tpu.memory_space<semaphore_mem>>
      %dma_start3A = arith.constant 0 : i32
      %dma_start3A_69 = tpu.memref_slice %arg14[%mul3A_18, %dma_start3A] : memref<50048x32xf32, #tpu.memory_space<vmem_shared>> -> memref<3128x32xf32, #tpu.memory_space<vmem_shared>>
      tpu.enqueue_dma source(%arg4 : memref<3128x32xf32, #tpu.memory_space<hbm>>) target(%dma_start3A_69 : memref<3128x32xf32, #tpu.memory_space<vmem_shared>>) target_semaphore(%run_scoped3A_68 : memref<!tpu.dma_semaphore, #tpu.memory_space<semaphore_mem>>)
      %dma_wait3A = arith.constant 0 : i32
      %dma_wait3A_70 = tpu.memref_slice %arg14[%mul3A_18, %dma_wait3A] : memref<50048x32xf32, #tpu.memory_space<vmem_shared>> -> memref<3128x32xf32, #tpu.memory_space<vmem_shared>>
      tpu.wait_dma2 semaphore(%run_scoped3A_68 : memref<!tpu.dma_semaphore, #tpu.memory_space<semaphore_mem>>) src(%arg4 : memref<3128x32xf32, #tpu.memory_space<hbm>>) dst(%dma_wait3A_70 : memref<3128x32xf32, #tpu.memory_space<vmem_shared>>)
      tpu.yield
    }) : () -> ()
    %barrier3A_19 = arith.constant 0 : index
    tpu.barrier barrier_id(%barrier3A_19)
    %scan3A_20 = arith.constant 0 : i32
    %scan3A_21 = arith.constant 0 : i32
    %scan3A_22 = arith.constant 196 : i32
    %scan3A_23 = arith.addi %scan3A_21, %scan3A_22 : i32
    %scan3A_24 = arith.constant 1 : i32
    %scan3A_25 = scf.for %scan3A_68 = %scan3A_21 to %scan3A_23 step %scan3A_24 iter_args(%scan3A_69 = %scan3A_20) -> (i32)  : i32 {
      %mul3A_70 = arith.constant 128 : i32
      %mul3A_71 = arith.muli %scan3A_68, %mul3A_70 : i32
      %add3A_72 = arith.addi %mul3A_2, %mul3A_71 : i32
      "tpu.region"() ({
        %run_scoped3A_78 = tpu.sem_alloc : memref<!tpu.dma_semaphore, #tpu.memory_space<semaphore_mem>>
        %dma_start3A_79 = tpu.memref_slice %arg3[%add3A_72] : memref<802816xi32, #tpu.memory_space<hbm>> -> memref<128xi32, #tpu.memory_space<hbm>>
        %dma_start3A_80 = tpu.memref_slice %arg3[%add3A_72] : memref<802816xi32, #tpu.memory_space<hbm>> -> memref<128xi32, #tpu.memory_space<hbm>>
        tpu.enqueue_dma source(%dma_start3A_80 : memref<128xi32, #tpu.memory_space<hbm>>) target(%arg12 : memref<128xi32, #tpu.memory_space<vmem>>) target_semaphore(%run_scoped3A_78 : memref<!tpu.dma_semaphore, #tpu.memory_space<semaphore_mem>>)
        %dma_wait3A_81 = tpu.memref_slice %arg3[%add3A_72] : memref<802816xi32, #tpu.memory_space<hbm>> -> memref<128xi32, #tpu.memory_space<hbm>>
        %dma_wait3A_82 = tpu.memref_slice %arg3[%add3A_72] : memref<802816xi32, #tpu.memory_space<hbm>> -> memref<128xi32, #tpu.memory_space<hbm>>
        tpu.wait_dma2 semaphore(%run_scoped3A_78 : memref<!tpu.dma_semaphore, #tpu.memory_space<semaphore_mem>>) src(%dma_wait3A_82 : memref<128xi32, #tpu.memory_space<hbm>>) dst(%arg12 : memref<128xi32, #tpu.memory_space<vmem>>)
        tpu.yield
      }) : () -> ()
      "tpu.region"() ({
        %run_scoped3A_78 = tpu.sem_alloc : memref<!tpu.dma_semaphore, #tpu.memory_space<semaphore_mem>>
        %dma_start3A_79 = tpu.memref_slice %arg2[%add3A_72] : memref<802816xi32, #tpu.memory_space<hbm>> -> memref<128xi32, #tpu.memory_space<hbm>>
        %dma_start3A_80 = tpu.memref_slice %arg2[%add3A_72] : memref<802816xi32, #tpu.memory_space<hbm>> -> memref<128xi32, #tpu.memory_space<hbm>>
        tpu.enqueue_dma source(%dma_start3A_80 : memref<128xi32, #tpu.memory_space<hbm>>) target(%arg11 : memref<128xi32, #tpu.memory_space<vmem>>) target_semaphore(%run_scoped3A_78 : memref<!tpu.dma_semaphore, #tpu.memory_space<semaphore_mem>>)
        %dma_wait3A_81 = tpu.memref_slice %arg2[%add3A_72] : memref<802816xi32, #tpu.memory_space<hbm>> -> memref<128xi32, #tpu.memory_space<hbm>>
        %dma_wait3A_82 = tpu.memref_slice %arg2[%add3A_72] : memref<802816xi32, #tpu.memory_space<hbm>> -> memref<128xi32, #tpu.memory_space<hbm>>
        tpu.wait_dma2 semaphore(%run_scoped3A_78 : memref<!tpu.dma_semaphore, #tpu.memory_space<semaphore_mem>>) src(%dma_wait3A_82 : memref<128xi32, #tpu.memory_space<hbm>>) dst(%arg11 : memref<128xi32, #tpu.memory_space<vmem>>)
        tpu.yield
      }) : () -> ()
      %dma_start3A = arith.constant 0 : i32
      %dma_start3A_73 = arith.constant 0 : i32
      %dma_start3A_74 = tpu.memref_slice %arg7[%dma_start3A, %dma_start3A_73] : memref<50048x32xf32, #tpu.memory_space<hbm>> -> memref<50048x32xf32, #tpu.memory_space<hbm>>
      tpu.enqueue_indirect_dma source(%dma_start3A_74 : memref<50048x32xf32, #tpu.memory_space<hbm>>) target(%arg13 : memref<128x32xf32, #tpu.memory_space<vmem>>) offsets(%arg11 : memref<128xi32, #tpu.memory_space<vmem>>) semaphore(%arg15 : memref<!tpu.dma_semaphore, #tpu.memory_space<semaphore_mem>>)
      %dma_wait3A = arith.constant 0 : i32
      %dma_wait3A_75 = arith.constant 0 : i32
      %dma_wait3A_76 = tpu.memref_slice %arg7[%dma_wait3A, %dma_wait3A_75] : memref<50048x32xf32, #tpu.memory_space<hbm>> -> memref<50048x32xf32, #tpu.memory_space<hbm>>
      tpu.wait_indirect_dma semaphore(%arg15 : memref<!tpu.dma_semaphore, #tpu.memory_space<semaphore_mem>>) src(%dma_wait3A_76 : memref<50048x32xf32, #tpu.memory_space<hbm>>) dst(%arg13 : memref<128x32xf32, #tpu.memory_space<vmem>>)
      "tpu.region"() ({
        %run_scoped3A_78 = tpu.sem_alloc : memref<!tpu.dma_semaphore, #tpu.memory_space<semaphore_mem>>
        %dma_start3A_79 = arith.constant 0 : i32
        %dma_start3A_80 = arith.constant 0 : i32
        %dma_start3A_81 = tpu.memref_slice %arg14[%dma_start3A_79, %dma_start3A_80] : memref<50048x32xf32, #tpu.memory_space<vmem_shared>> -> memref<50048x32xf32, #tpu.memory_space<vmem_shared>>
        tpu.enqueue_indirect_dma source(%arg13 : memref<128x32xf32, #tpu.memory_space<vmem>>) target(%dma_start3A_81 : memref<50048x32xf32, #tpu.memory_space<vmem_shared>>) offsets(%arg12 : memref<128xi32, #tpu.memory_space<vmem>>) semaphore(%run_scoped3A_78 : memref<!tpu.dma_semaphore, #tpu.memory_space<semaphore_mem>>) {add = true}
        %dma_wait3A_82 = arith.constant 0 : i32
        %dma_wait3A_83 = arith.constant 0 : i32
        %dma_wait3A_84 = tpu.memref_slice %arg14[%dma_wait3A_82, %dma_wait3A_83] : memref<50048x32xf32, #tpu.memory_space<vmem_shared>> -> memref<50048x32xf32, #tpu.memory_space<vmem_shared>>
        tpu.wait_indirect_dma semaphore(%run_scoped3A_78 : memref<!tpu.dma_semaphore, #tpu.memory_space<semaphore_mem>>) src(%arg13 : memref<128x32xf32, #tpu.memory_space<vmem>>) dst(%dma_wait3A_84 : memref<50048x32xf32, #tpu.memory_space<vmem_shared>>)
        tpu.yield
      }) : () -> ()
      %scan3A_77 = arith.constant 0 : i32
      scf.yield %scan3A_77 : i32
    }
    %scan3A_26 = arith.constant 196 : i32
    %barrier3A_27 = arith.constant 0 : index
    tpu.barrier barrier_id(%barrier3A_27)
    %mul3A_28 = arith.constant 3128 : i32
    %mul3A_29 = arith.muli %arg1, %mul3A_28 : i32
    %mul3A_30 = arith.constant 3128 : i32
    %mul3A_31 = arith.muli %arg1, %mul3A_30 : i32
    %run_scoped3A_32 = arith.constant 1 : i32
    "tpu.region"() ({
      %run_scoped3A_68 = tpu.sem_alloc : memref<!tpu.dma_semaphore, #tpu.memory_space<semaphore_mem>>
      %dma_start3A = arith.constant 0 : i32
      %dma_start3A_69 = tpu.memref_slice %arg10[%arg0, %run_scoped3A_32, %mul3A_31, %dma_start3A] : memref<2x4x50048x32xf32, #tpu.memory_space<hbm>> -> memref<1x1x3128x32xf32, #tpu.memory_space<hbm>>
      %dma_start3A_70 = tpu.memref_squeeze %dma_start3A_69 : memref<1x1x3128x32xf32, #tpu.memory_space<hbm>> -> memref<3128x32xf32, #tpu.memory_space<hbm>>
      %dma_start3A_71 = arith.constant 0 : i32
      %dma_start3A_72 = tpu.memref_slice %arg14[%mul3A_29, %dma_start3A_71] : memref<50048x32xf32, #tpu.memory_space<vmem_shared>> -> memref<3128x32xf32, #tpu.memory_space<vmem_shared>>
      tpu.enqueue_dma source(%dma_start3A_72 : memref<3128x32xf32, #tpu.memory_space<vmem_shared>>) target(%dma_start3A_70 : memref<3128x32xf32, #tpu.memory_space<hbm>>) target_semaphore(%run_scoped3A_68 : memref<!tpu.dma_semaphore, #tpu.memory_space<semaphore_mem>>)
      %dma_wait3A = arith.constant 0 : i32
      %dma_wait3A_73 = tpu.memref_slice %arg10[%arg0, %run_scoped3A_32, %mul3A_31, %dma_wait3A] : memref<2x4x50048x32xf32, #tpu.memory_space<hbm>> -> memref<1x1x3128x32xf32, #tpu.memory_space<hbm>>
      %dma_wait3A_74 = tpu.memref_squeeze %dma_wait3A_73 : memref<1x1x3128x32xf32, #tpu.memory_space<hbm>> -> memref<3128x32xf32, #tpu.memory_space<hbm>>
      %dma_wait3A_75 = arith.constant 0 : i32
      %dma_wait3A_76 = tpu.memref_slice %arg14[%mul3A_29, %dma_wait3A_75] : memref<50048x32xf32, #tpu.memory_space<vmem_shared>> -> memref<3128x32xf32, #tpu.memory_space<vmem_shared>>
      tpu.wait_dma2 semaphore(%run_scoped3A_68 : memref<!tpu.dma_semaphore, #tpu.memory_space<semaphore_mem>>) src(%dma_wait3A_76 : memref<3128x32xf32, #tpu.memory_space<vmem_shared>>) dst(%dma_wait3A_74 : memref<3128x32xf32, #tpu.memory_space<hbm>>)
      tpu.yield
    }) : () -> ()
    %barrier3A_33 = arith.constant 0 : index
    tpu.barrier barrier_id(%barrier3A_33)
    %mul3A_34 = arith.constant 3128 : i32
    %mul3A_35 = arith.muli %arg1, %mul3A_34 : i32
    "tpu.region"() ({
      %run_scoped3A_68 = tpu.sem_alloc : memref<!tpu.dma_semaphore, #tpu.memory_space<semaphore_mem>>
      %dma_start3A = arith.constant 0 : i32
      %dma_start3A_69 = tpu.memref_slice %arg14[%mul3A_35, %dma_start3A] : memref<50048x32xf32, #tpu.memory_space<vmem_shared>> -> memref<3128x32xf32, #tpu.memory_space<vmem_shared>>
      tpu.enqueue_dma source(%arg4 : memref<3128x32xf32, #tpu.memory_space<hbm>>) target(%dma_start3A_69 : memref<3128x32xf32, #tpu.memory_space<vmem_shared>>) target_semaphore(%run_scoped3A_68 : memref<!tpu.dma_semaphore, #tpu.memory_space<semaphore_mem>>)
      %dma_wait3A = arith.constant 0 : i32
      %dma_wait3A_70 = tpu.memref_slice %arg14[%mul3A_35, %dma_wait3A] : memref<50048x32xf32, #tpu.memory_space<vmem_shared>> -> memref<3128x32xf32, #tpu.memory_space<vmem_shared>>
      tpu.wait_dma2 semaphore(%run_scoped3A_68 : memref<!tpu.dma_semaphore, #tpu.memory_space<semaphore_mem>>) src(%arg4 : memref<3128x32xf32, #tpu.memory_space<hbm>>) dst(%dma_wait3A_70 : memref<3128x32xf32, #tpu.memory_space<vmem_shared>>)
      tpu.yield
    }) : () -> ()
    %barrier3A_36 = arith.constant 0 : index
    tpu.barrier barrier_id(%barrier3A_36)
    %scan3A_37 = arith.constant 0 : i32
    %scan3A_38 = arith.constant 0 : i32
    %scan3A_39 = arith.constant 196 : i32
    %scan3A_40 = arith.addi %scan3A_38, %scan3A_39 : i32
    %scan3A_41 = arith.constant 1 : i32
    %scan3A_42 = scf.for %scan3A_68 = %scan3A_38 to %scan3A_40 step %scan3A_41 iter_args(%scan3A_69 = %scan3A_37) -> (i32)  : i32 {
      %mul3A_70 = arith.constant 128 : i32
      %mul3A_71 = arith.muli %scan3A_68, %mul3A_70 : i32
      %add3A_72 = arith.addi %mul3A_2, %mul3A_71 : i32
      "tpu.region"() ({
        %run_scoped3A_78 = tpu.sem_alloc : memref<!tpu.dma_semaphore, #tpu.memory_space<semaphore_mem>>
        %dma_start3A_79 = tpu.memref_slice %arg3[%add3A_72] : memref<802816xi32, #tpu.memory_space<hbm>> -> memref<128xi32, #tpu.memory_space<hbm>>
        %dma_start3A_80 = tpu.memref_slice %arg3[%add3A_72] : memref<802816xi32, #tpu.memory_space<hbm>> -> memref<128xi32, #tpu.memory_space<hbm>>
        tpu.enqueue_dma source(%dma_start3A_80 : memref<128xi32, #tpu.memory_space<hbm>>) target(%arg12 : memref<128xi32, #tpu.memory_space<vmem>>) target_semaphore(%run_scoped3A_78 : memref<!tpu.dma_semaphore, #tpu.memory_space<semaphore_mem>>)
        %dma_wait3A_81 = tpu.memref_slice %arg3[%add3A_72] : memref<802816xi32, #tpu.memory_space<hbm>> -> memref<128xi32, #tpu.memory_space<hbm>>
        %dma_wait3A_82 = tpu.memref_slice %arg3[%add3A_72] : memref<802816xi32, #tpu.memory_space<hbm>> -> memref<128xi32, #tpu.memory_space<hbm>>
        tpu.wait_dma2 semaphore(%run_scoped3A_78 : memref<!tpu.dma_semaphore, #tpu.memory_space<semaphore_mem>>) src(%dma_wait3A_82 : memref<128xi32, #tpu.memory_space<hbm>>) dst(%arg12 : memref<128xi32, #tpu.memory_space<vmem>>)
        tpu.yield
      }) : () -> ()
      "tpu.region"() ({
        %run_scoped3A_78 = tpu.sem_alloc : memref<!tpu.dma_semaphore, #tpu.memory_space<semaphore_mem>>
        %dma_start3A_79 = tpu.memref_slice %arg2[%add3A_72] : memref<802816xi32, #tpu.memory_space<hbm>> -> memref<128xi32, #tpu.memory_space<hbm>>
        %dma_start3A_80 = tpu.memref_slice %arg2[%add3A_72] : memref<802816xi32, #tpu.memory_space<hbm>> -> memref<128xi32, #tpu.memory_space<hbm>>
        tpu.enqueue_dma source(%dma_start3A_80 : memref<128xi32, #tpu.memory_space<hbm>>) target(%arg11 : memref<128xi32, #tpu.memory_space<vmem>>) target_semaphore(%run_scoped3A_78 : memref<!tpu.dma_semaphore, #tpu.memory_space<semaphore_mem>>)
        %dma_wait3A_81 = tpu.memref_slice %arg2[%add3A_72] : memref<802816xi32, #tpu.memory_space<hbm>> -> memref<128xi32, #tpu.memory_space<hbm>>
        %dma_wait3A_82 = tpu.memref_slice %arg2[%add3A_72] : memref<802816xi32, #tpu.memory_space<hbm>> -> memref<128xi32, #tpu.memory_space<hbm>>
        tpu.wait_dma2 semaphore(%run_scoped3A_78 : memref<!tpu.dma_semaphore, #tpu.memory_space<semaphore_mem>>) src(%dma_wait3A_82 : memref<128xi32, #tpu.memory_space<hbm>>) dst(%arg11 : memref<128xi32, #tpu.memory_space<vmem>>)
        tpu.yield
      }) : () -> ()
      %dma_start3A = arith.constant 0 : i32
      %dma_start3A_73 = arith.constant 0 : i32
      %dma_start3A_74 = tpu.memref_slice %arg8[%dma_start3A, %dma_start3A_73] : memref<50048x32xf32, #tpu.memory_space<hbm>> -> memref<50048x32xf32, #tpu.memory_space<hbm>>
      tpu.enqueue_indirect_dma source(%dma_start3A_74 : memref<50048x32xf32, #tpu.memory_space<hbm>>) target(%arg13 : memref<128x32xf32, #tpu.memory_space<vmem>>) offsets(%arg11 : memref<128xi32, #tpu.memory_space<vmem>>) semaphore(%arg15 : memref<!tpu.dma_semaphore, #tpu.memory_space<semaphore_mem>>)
      %dma_wait3A = arith.constant 0 : i32
      %dma_wait3A_75 = arith.constant 0 : i32
      %dma_wait3A_76 = tpu.memref_slice %arg8[%dma_wait3A, %dma_wait3A_75] : memref<50048x32xf32, #tpu.memory_space<hbm>> -> memref<50048x32xf32, #tpu.memory_space<hbm>>
      tpu.wait_indirect_dma semaphore(%arg15 : memref<!tpu.dma_semaphore, #tpu.memory_space<semaphore_mem>>) src(%dma_wait3A_76 : memref<50048x32xf32, #tpu.memory_space<hbm>>) dst(%arg13 : memref<128x32xf32, #tpu.memory_space<vmem>>)
      "tpu.region"() ({
        %run_scoped3A_78 = tpu.sem_alloc : memref<!tpu.dma_semaphore, #tpu.memory_space<semaphore_mem>>
        %dma_start3A_79 = arith.constant 0 : i32
        %dma_start3A_80 = arith.constant 0 : i32
        %dma_start3A_81 = tpu.memref_slice %arg14[%dma_start3A_79, %dma_start3A_80] : memref<50048x32xf32, #tpu.memory_space<vmem_shared>> -> memref<50048x32xf32, #tpu.memory_space<vmem_shared>>
        tpu.enqueue_indirect_dma source(%arg13 : memref<128x32xf32, #tpu.memory_space<vmem>>) target(%dma_start3A_81 : memref<50048x32xf32, #tpu.memory_space<vmem_shared>>) offsets(%arg12 : memref<128xi32, #tpu.memory_space<vmem>>) semaphore(%run_scoped3A_78 : memref<!tpu.dma_semaphore, #tpu.memory_space<semaphore_mem>>) {add = true}
        %dma_wait3A_82 = arith.constant 0 : i32
        %dma_wait3A_83 = arith.constant 0 : i32
        %dma_wait3A_84 = tpu.memref_slice %arg14[%dma_wait3A_82, %dma_wait3A_83] : memref<50048x32xf32, #tpu.memory_space<vmem_shared>> -> memref<50048x32xf32, #tpu.memory_space<vmem_shared>>
        tpu.wait_indirect_dma semaphore(%run_scoped3A_78 : memref<!tpu.dma_semaphore, #tpu.memory_space<semaphore_mem>>) src(%arg13 : memref<128x32xf32, #tpu.memory_space<vmem>>) dst(%dma_wait3A_84 : memref<50048x32xf32, #tpu.memory_space<vmem_shared>>)
        tpu.yield
      }) : () -> ()
      %scan3A_77 = arith.constant 0 : i32
      scf.yield %scan3A_77 : i32
    }
    %scan3A_43 = arith.constant 196 : i32
    %barrier3A_44 = arith.constant 0 : index
    tpu.barrier barrier_id(%barrier3A_44)
    %mul3A_45 = arith.constant 3128 : i32
    %mul3A_46 = arith.muli %arg1, %mul3A_45 : i32
    %mul3A_47 = arith.constant 3128 : i32
    %mul3A_48 = arith.muli %arg1, %mul3A_47 : i32
    %run_scoped3A_49 = arith.constant 2 : i32
    "tpu.region"() ({
      %run_scoped3A_68 = tpu.sem_alloc : memref<!tpu.dma_semaphore, #tpu.memory_space<semaphore_mem>>
      %dma_start3A = arith.constant 0 : i32
      %dma_start3A_69 = tpu.memref_slice %arg10[%arg0, %run_scoped3A_49, %mul3A_48, %dma_start3A] : memref<2x4x50048x32xf32, #tpu.memory_space<hbm>> -> memref<1x1x3128x32xf32, #tpu.memory_space<hbm>>
      %dma_start3A_70 = tpu.memref_squeeze %dma_start3A_69 : memref<1x1x3128x32xf32, #tpu.memory_space<hbm>> -> memref<3128x32xf32, #tpu.memory_space<hbm>>
      %dma_start3A_71 = arith.constant 0 : i32
      %dma_start3A_72 = tpu.memref_slice %arg14[%mul3A_46, %dma_start3A_71] : memref<50048x32xf32, #tpu.memory_space<vmem_shared>> -> memref<3128x32xf32, #tpu.memory_space<vmem_shared>>
      tpu.enqueue_dma source(%dma_start3A_72 : memref<3128x32xf32, #tpu.memory_space<vmem_shared>>) target(%dma_start3A_70 : memref<3128x32xf32, #tpu.memory_space<hbm>>) target_semaphore(%run_scoped3A_68 : memref<!tpu.dma_semaphore, #tpu.memory_space<semaphore_mem>>)
      %dma_wait3A = arith.constant 0 : i32
      %dma_wait3A_73 = tpu.memref_slice %arg10[%arg0, %run_scoped3A_49, %mul3A_48, %dma_wait3A] : memref<2x4x50048x32xf32, #tpu.memory_space<hbm>> -> memref<1x1x3128x32xf32, #tpu.memory_space<hbm>>
      %dma_wait3A_74 = tpu.memref_squeeze %dma_wait3A_73 : memref<1x1x3128x32xf32, #tpu.memory_space<hbm>> -> memref<3128x32xf32, #tpu.memory_space<hbm>>
      %dma_wait3A_75 = arith.constant 0 : i32
      %dma_wait3A_76 = tpu.memref_slice %arg14[%mul3A_46, %dma_wait3A_75] : memref<50048x32xf32, #tpu.memory_space<vmem_shared>> -> memref<3128x32xf32, #tpu.memory_space<vmem_shared>>
      tpu.wait_dma2 semaphore(%run_scoped3A_68 : memref<!tpu.dma_semaphore, #tpu.memory_space<semaphore_mem>>) src(%dma_wait3A_76 : memref<3128x32xf32, #tpu.memory_space<vmem_shared>>) dst(%dma_wait3A_74 : memref<3128x32xf32, #tpu.memory_space<hbm>>)
      tpu.yield
    }) : () -> ()
    %barrier3A_50 = arith.constant 0 : index
    tpu.barrier barrier_id(%barrier3A_50)
    %mul3A_51 = arith.constant 3128 : i32
    %mul3A_52 = arith.muli %arg1, %mul3A_51 : i32
    "tpu.region"() ({
      %run_scoped3A_68 = tpu.sem_alloc : memref<!tpu.dma_semaphore, #tpu.memory_space<semaphore_mem>>
      %dma_start3A = arith.constant 0 : i32
      %dma_start3A_69 = tpu.memref_slice %arg14[%mul3A_52, %dma_start3A] : memref<50048x32xf32, #tpu.memory_space<vmem_shared>> -> memref<3128x32xf32, #tpu.memory_space<vmem_shared>>
      tpu.enqueue_dma source(%arg4 : memref<3128x32xf32, #tpu.memory_space<hbm>>) target(%dma_start3A_69 : memref<3128x32xf32, #tpu.memory_space<vmem_shared>>) target_semaphore(%run_scoped3A_68 : memref<!tpu.dma_semaphore, #tpu.memory_space<semaphore_mem>>)
      %dma_wait3A = arith.constant 0 : i32
      %dma_wait3A_70 = tpu.memref_slice %arg14[%mul3A_52, %dma_wait3A] : memref<50048x32xf32, #tpu.memory_space<vmem_shared>> -> memref<3128x32xf32, #tpu.memory_space<vmem_shared>>
      tpu.wait_dma2 semaphore(%run_scoped3A_68 : memref<!tpu.dma_semaphore, #tpu.memory_space<semaphore_mem>>) src(%arg4 : memref<3128x32xf32, #tpu.memory_space<hbm>>) dst(%dma_wait3A_70 : memref<3128x32xf32, #tpu.memory_space<vmem_shared>>)
      tpu.yield
    }) : () -> ()
    %barrier3A_53 = arith.constant 0 : index
    tpu.barrier barrier_id(%barrier3A_53)
    %scan3A_54 = arith.constant 0 : i32
    %scan3A_55 = arith.constant 0 : i32
    %scan3A_56 = arith.constant 196 : i32
    %scan3A_57 = arith.addi %scan3A_55, %scan3A_56 : i32
    %scan3A_58 = arith.constant 1 : i32
    %scan3A_59 = scf.for %scan3A_68 = %scan3A_55 to %scan3A_57 step %scan3A_58 iter_args(%scan3A_69 = %scan3A_54) -> (i32)  : i32 {
      %mul3A_70 = arith.constant 128 : i32
      %mul3A_71 = arith.muli %scan3A_68, %mul3A_70 : i32
      %add3A_72 = arith.addi %mul3A_2, %mul3A_71 : i32
      "tpu.region"() ({
        %run_scoped3A_78 = tpu.sem_alloc : memref<!tpu.dma_semaphore, #tpu.memory_space<semaphore_mem>>
        %dma_start3A_79 = tpu.memref_slice %arg3[%add3A_72] : memref<802816xi32, #tpu.memory_space<hbm>> -> memref<128xi32, #tpu.memory_space<hbm>>
        %dma_start3A_80 = tpu.memref_slice %arg3[%add3A_72] : memref<802816xi32, #tpu.memory_space<hbm>> -> memref<128xi32, #tpu.memory_space<hbm>>
        tpu.enqueue_dma source(%dma_start3A_80 : memref<128xi32, #tpu.memory_space<hbm>>) target(%arg12 : memref<128xi32, #tpu.memory_space<vmem>>) target_semaphore(%run_scoped3A_78 : memref<!tpu.dma_semaphore, #tpu.memory_space<semaphore_mem>>)
        %dma_wait3A_81 = tpu.memref_slice %arg3[%add3A_72] : memref<802816xi32, #tpu.memory_space<hbm>> -> memref<128xi32, #tpu.memory_space<hbm>>
        %dma_wait3A_82 = tpu.memref_slice %arg3[%add3A_72] : memref<802816xi32, #tpu.memory_space<hbm>> -> memref<128xi32, #tpu.memory_space<hbm>>
        tpu.wait_dma2 semaphore(%run_scoped3A_78 : memref<!tpu.dma_semaphore, #tpu.memory_space<semaphore_mem>>) src(%dma_wait3A_82 : memref<128xi32, #tpu.memory_space<hbm>>) dst(%arg12 : memref<128xi32, #tpu.memory_space<vmem>>)
        tpu.yield
      }) : () -> ()
      "tpu.region"() ({
        %run_scoped3A_78 = tpu.sem_alloc : memref<!tpu.dma_semaphore, #tpu.memory_space<semaphore_mem>>
        %dma_start3A_79 = tpu.memref_slice %arg2[%add3A_72] : memref<802816xi32, #tpu.memory_space<hbm>> -> memref<128xi32, #tpu.memory_space<hbm>>
        %dma_start3A_80 = tpu.memref_slice %arg2[%add3A_72] : memref<802816xi32, #tpu.memory_space<hbm>> -> memref<128xi32, #tpu.memory_space<hbm>>
        tpu.enqueue_dma source(%dma_start3A_80 : memref<128xi32, #tpu.memory_space<hbm>>) target(%arg11 : memref<128xi32, #tpu.memory_space<vmem>>) target_semaphore(%run_scoped3A_78 : memref<!tpu.dma_semaphore, #tpu.memory_space<semaphore_mem>>)
        %dma_wait3A_81 = tpu.memref_slice %arg2[%add3A_72] : memref<802816xi32, #tpu.memory_space<hbm>> -> memref<128xi32, #tpu.memory_space<hbm>>
        %dma_wait3A_82 = tpu.memref_slice %arg2[%add3A_72] : memref<802816xi32, #tpu.memory_space<hbm>> -> memref<128xi32, #tpu.memory_space<hbm>>
        tpu.wait_dma2 semaphore(%run_scoped3A_78 : memref<!tpu.dma_semaphore, #tpu.memory_space<semaphore_mem>>) src(%dma_wait3A_82 : memref<128xi32, #tpu.memory_space<hbm>>) dst(%arg11 : memref<128xi32, #tpu.memory_space<vmem>>)
        tpu.yield
      }) : () -> ()
      %dma_start3A = arith.constant 0 : i32
      %dma_start3A_73 = arith.constant 0 : i32
      %dma_start3A_74 = tpu.memref_slice %arg9[%dma_start3A, %dma_start3A_73] : memref<50048x32xf32, #tpu.memory_space<hbm>> -> memref<50048x32xf32, #tpu.memory_space<hbm>>
      tpu.enqueue_indirect_dma source(%dma_start3A_74 : memref<50048x32xf32, #tpu.memory_space<hbm>>) target(%arg13 : memref<128x32xf32, #tpu.memory_space<vmem>>) offsets(%arg11 : memref<128xi32, #tpu.memory_space<vmem>>) semaphore(%arg15 : memref<!tpu.dma_semaphore, #tpu.memory_space<semaphore_mem>>)
      %dma_wait3A = arith.constant 0 : i32
      %dma_wait3A_75 = arith.constant 0 : i32
      %dma_wait3A_76 = tpu.memref_slice %arg9[%dma_wait3A, %dma_wait3A_75] : memref<50048x32xf32, #tpu.memory_space<hbm>> -> memref<50048x32xf32, #tpu.memory_space<hbm>>
      tpu.wait_indirect_dma semaphore(%arg15 : memref<!tpu.dma_semaphore, #tpu.memory_space<semaphore_mem>>) src(%dma_wait3A_76 : memref<50048x32xf32, #tpu.memory_space<hbm>>) dst(%arg13 : memref<128x32xf32, #tpu.memory_space<vmem>>)
      "tpu.region"() ({
        %run_scoped3A_78 = tpu.sem_alloc : memref<!tpu.dma_semaphore, #tpu.memory_space<semaphore_mem>>
        %dma_start3A_79 = arith.constant 0 : i32
        %dma_start3A_80 = arith.constant 0 : i32
        %dma_start3A_81 = tpu.memref_slice %arg14[%dma_start3A_79, %dma_start3A_80] : memref<50048x32xf32, #tpu.memory_space<vmem_shared>> -> memref<50048x32xf32, #tpu.memory_space<vmem_shared>>
        tpu.enqueue_indirect_dma source(%arg13 : memref<128x32xf32, #tpu.memory_space<vmem>>) target(%dma_start3A_81 : memref<50048x32xf32, #tpu.memory_space<vmem_shared>>) offsets(%arg12 : memref<128xi32, #tpu.memory_space<vmem>>) semaphore(%run_scoped3A_78 : memref<!tpu.dma_semaphore, #tpu.memory_space<semaphore_mem>>) {add = true}
        %dma_wait3A_82 = arith.constant 0 : i32
        %dma_wait3A_83 = arith.constant 0 : i32
        %dma_wait3A_84 = tpu.memref_slice %arg14[%dma_wait3A_82, %dma_wait3A_83] : memref<50048x32xf32, #tpu.memory_space<vmem_shared>> -> memref<50048x32xf32, #tpu.memory_space<vmem_shared>>
        tpu.wait_indirect_dma semaphore(%run_scoped3A_78 : memref<!tpu.dma_semaphore, #tpu.memory_space<semaphore_mem>>) src(%arg13 : memref<128x32xf32, #tpu.memory_space<vmem>>) dst(%dma_wait3A_84 : memref<50048x32xf32, #tpu.memory_space<vmem_shared>>)
        tpu.yield
      }) : () -> ()
      %scan3A_77 = arith.constant 0 : i32
      scf.yield %scan3A_77 : i32
    }
    %scan3A_60 = arith.constant 196 : i32
    %barrier3A_61 = arith.constant 0 : index
    tpu.barrier barrier_id(%barrier3A_61)
    %mul3A_62 = arith.constant 3128 : i32
    %mul3A_63 = arith.muli %arg1, %mul3A_62 : i32
    %mul3A_64 = arith.constant 3128 : i32
    %mul3A_65 = arith.muli %arg1, %mul3A_64 : i32
    %run_scoped3A_66 = arith.constant 3 : i32
    "tpu.region"() ({
      %run_scoped3A_68 = tpu.sem_alloc : memref<!tpu.dma_semaphore, #tpu.memory_space<semaphore_mem>>
      %dma_start3A = arith.constant 0 : i32
      %dma_start3A_69 = tpu.memref_slice %arg10[%arg0, %run_scoped3A_66, %mul3A_65, %dma_start3A] : memref<2x4x50048x32xf32, #tpu.memory_space<hbm>> -> memref<1x1x3128x32xf32, #tpu.memory_space<hbm>>
      %dma_start3A_70 = tpu.memref_squeeze %dma_start3A_69 : memref<1x1x3128x32xf32, #tpu.memory_space<hbm>> -> memref<3128x32xf32, #tpu.memory_space<hbm>>
      %dma_start3A_71 = arith.constant 0 : i32
      %dma_start3A_72 = tpu.memref_slice %arg14[%mul3A_63, %dma_start3A_71] : memref<50048x32xf32, #tpu.memory_space<vmem_shared>> -> memref<3128x32xf32, #tpu.memory_space<vmem_shared>>
      tpu.enqueue_dma source(%dma_start3A_72 : memref<3128x32xf32, #tpu.memory_space<vmem_shared>>) target(%dma_start3A_70 : memref<3128x32xf32, #tpu.memory_space<hbm>>) target_semaphore(%run_scoped3A_68 : memref<!tpu.dma_semaphore, #tpu.memory_space<semaphore_mem>>)
      %dma_wait3A = arith.constant 0 : i32
      %dma_wait3A_73 = tpu.memref_slice %arg10[%arg0, %run_scoped3A_66, %mul3A_65, %dma_wait3A] : memref<2x4x50048x32xf32, #tpu.memory_space<hbm>> -> memref<1x1x3128x32xf32, #tpu.memory_space<hbm>>
      %dma_wait3A_74 = tpu.memref_squeeze %dma_wait3A_73 : memref<1x1x3128x32xf32, #tpu.memory_space<hbm>> -> memref<3128x32xf32, #tpu.memory_space<hbm>>
      %dma_wait3A_75 = arith.constant 0 : i32
      %dma_wait3A_76 = tpu.memref_slice %arg14[%mul3A_63, %dma_wait3A_75] : memref<50048x32xf32, #tpu.memory_space<vmem_shared>> -> memref<3128x32xf32, #tpu.memory_space<vmem_shared>>
      tpu.wait_dma2 semaphore(%run_scoped3A_68 : memref<!tpu.dma_semaphore, #tpu.memory_space<semaphore_mem>>) src(%dma_wait3A_76 : memref<3128x32xf32, #tpu.memory_space<vmem_shared>>) dst(%dma_wait3A_74 : memref<3128x32xf32, #tpu.memory_space<hbm>>)
      tpu.yield
    }) : () -> ()
    %barrier3A_67 = arith.constant 0 : index
    tpu.barrier barrier_id(%barrier3A_67)
    return
  }
}

#map = affine_map<(d0, d1) -> (0)>
#map1 = affine_map<(d0, d1) -> (0, 0)>
#map2 = affine_map<(d0, d1) -> (0, 0, 0, 0)>
module attributes {stable_mosaic.version = 14 : i64} {
  func.func @sc_kernel(%arg0: i32, %arg1: i32, %arg2: memref<802816xi32, #tpu.memory_space<hbm>>, %arg3: memref<802816xi32, #tpu.memory_space<hbm>>, %arg4: memref<3128x32xf32, #tpu.memory_space<hbm>>, %arg5: memref<128x32xf32, #tpu.memory_space<hbm>>, %arg6: memref<50048x32xf32, #tpu.memory_space<hbm>>, %arg7: memref<2x1x50048x32xf32, #tpu.memory_space<hbm>>, %arg8: memref<128xi32, #tpu.memory_space<vmem>>, %arg9: memref<128xi32, #tpu.memory_space<vmem>>, %arg10: memref<128x32xf32, #tpu.memory_space<vmem>>, %arg11: memref<50048x32xf32, #tpu.memory_space<vmem_shared>>, %arg12: memref<!tpu.dma_semaphore, #tpu.memory_space<semaphore_mem>>) attributes {dimension_semantics = [#tpu.dimension_semantics<core_parallel>, #tpu.dimension_semantics<subcore_parallel>], iteration_bounds = array<i64: 2, 16>, scalar_prefetch = 0 : i64, scratch_operands = 5 : i64, tpu.core_type = #tpu.core_type<sc_vector_subcore>, window_params = [{transform_indices = #map}, {transform_indices = #map}, {transform_indices = #map1}, {transform_indices = #map1}, {transform_indices = #map1}, {transform_indices = #map2}]} {
    %mul3A = arith.constant 2 : i32
    %mul3A_0 = arith.muli %arg1, %mul3A : i32
    %add3A = arith.addi %mul3A_0, %arg0 : i32
    %mul3A_1 = arith.constant 25088 : i32
    %mul3A_2 = arith.muli %add3A, %mul3A_1 : i32
    "tpu.region"() ({
      %run_scoped3A_17 = tpu.sem_alloc : memref<!tpu.dma_semaphore, #tpu.memory_space<semaphore_mem>>
      tpu.enqueue_dma source(%arg5 : memref<128x32xf32, #tpu.memory_space<hbm>>) target(%arg10 : memref<128x32xf32, #tpu.memory_space<vmem>>) target_semaphore(%run_scoped3A_17 : memref<!tpu.dma_semaphore, #tpu.memory_space<semaphore_mem>>)
      tpu.wait_dma2 semaphore(%run_scoped3A_17 : memref<!tpu.dma_semaphore, #tpu.memory_space<semaphore_mem>>) src(%arg5 : memref<128x32xf32, #tpu.memory_space<hbm>>) dst(%arg10 : memref<128x32xf32, #tpu.memory_space<vmem>>)
      tpu.yield
    }) : () -> ()
    %mul3A_3 = arith.constant 3128 : i32
    %mul3A_4 = arith.muli %arg1, %mul3A_3 : i32
    "tpu.region"() ({
      %run_scoped3A_17 = tpu.sem_alloc : memref<!tpu.dma_semaphore, #tpu.memory_space<semaphore_mem>>
      %dma_start3A = arith.constant 0 : i32
      %dma_start3A_18 = tpu.memref_slice %arg11[%mul3A_4, %dma_start3A] : memref<50048x32xf32, #tpu.memory_space<vmem_shared>> -> memref<3128x32xf32, #tpu.memory_space<vmem_shared>>
      tpu.enqueue_dma source(%arg4 : memref<3128x32xf32, #tpu.memory_space<hbm>>) target(%dma_start3A_18 : memref<3128x32xf32, #tpu.memory_space<vmem_shared>>) target_semaphore(%run_scoped3A_17 : memref<!tpu.dma_semaphore, #tpu.memory_space<semaphore_mem>>)
      %dma_wait3A = arith.constant 0 : i32
      %dma_wait3A_19 = tpu.memref_slice %arg11[%mul3A_4, %dma_wait3A] : memref<50048x32xf32, #tpu.memory_space<vmem_shared>> -> memref<3128x32xf32, #tpu.memory_space<vmem_shared>>
      tpu.wait_dma2 semaphore(%run_scoped3A_17 : memref<!tpu.dma_semaphore, #tpu.memory_space<semaphore_mem>>) src(%arg4 : memref<3128x32xf32, #tpu.memory_space<hbm>>) dst(%dma_wait3A_19 : memref<3128x32xf32, #tpu.memory_space<vmem_shared>>)
      tpu.yield
    }) : () -> ()
    %barrier3A = arith.constant 0 : index
    tpu.barrier barrier_id(%barrier3A)
    %scan3A = arith.constant 0 : i32
    %scan3A_5 = arith.constant 0 : i32
    %scan3A_6 = arith.constant 196 : i32
    %scan3A_7 = arith.addi %scan3A_5, %scan3A_6 : i32
    %scan3A_8 = arith.constant 1 : i32
    %scan3A_9 = scf.for %scan3A_17 = %scan3A_5 to %scan3A_7 step %scan3A_8 iter_args(%scan3A_18 = %scan3A) -> (i32)  : i32 {
      %mul3A_19 = arith.constant 128 : i32
      %mul3A_20 = arith.muli %scan3A_17, %mul3A_19 : i32
      %add3A_21 = arith.addi %mul3A_2, %mul3A_20 : i32
      "tpu.region"() ({
        %run_scoped3A_23 = tpu.sem_alloc : memref<!tpu.dma_semaphore, #tpu.memory_space<semaphore_mem>>
        %dma_start3A = tpu.memref_slice %arg3[%add3A_21] : memref<802816xi32, #tpu.memory_space<hbm>> -> memref<128xi32, #tpu.memory_space<hbm>>
        %dma_start3A_24 = tpu.memref_slice %arg3[%add3A_21] : memref<802816xi32, #tpu.memory_space<hbm>> -> memref<128xi32, #tpu.memory_space<hbm>>
        tpu.enqueue_dma source(%dma_start3A_24 : memref<128xi32, #tpu.memory_space<hbm>>) target(%arg9 : memref<128xi32, #tpu.memory_space<vmem>>) target_semaphore(%run_scoped3A_23 : memref<!tpu.dma_semaphore, #tpu.memory_space<semaphore_mem>>)
        %dma_wait3A = tpu.memref_slice %arg3[%add3A_21] : memref<802816xi32, #tpu.memory_space<hbm>> -> memref<128xi32, #tpu.memory_space<hbm>>
        %dma_wait3A_25 = tpu.memref_slice %arg3[%add3A_21] : memref<802816xi32, #tpu.memory_space<hbm>> -> memref<128xi32, #tpu.memory_space<hbm>>
        tpu.wait_dma2 semaphore(%run_scoped3A_23 : memref<!tpu.dma_semaphore, #tpu.memory_space<semaphore_mem>>) src(%dma_wait3A_25 : memref<128xi32, #tpu.memory_space<hbm>>) dst(%arg9 : memref<128xi32, #tpu.memory_space<vmem>>)
        tpu.yield
      }) : () -> ()
      "tpu.region"() ({
        %run_scoped3A_23 = tpu.sem_alloc : memref<!tpu.dma_semaphore, #tpu.memory_space<semaphore_mem>>
        %dma_start3A = arith.constant 0 : i32
        %dma_start3A_24 = arith.constant 0 : i32
        %dma_start3A_25 = tpu.memref_slice %arg11[%dma_start3A, %dma_start3A_24] : memref<50048x32xf32, #tpu.memory_space<vmem_shared>> -> memref<50048x32xf32, #tpu.memory_space<vmem_shared>>
        tpu.enqueue_indirect_dma source(%arg10 : memref<128x32xf32, #tpu.memory_space<vmem>>) target(%dma_start3A_25 : memref<50048x32xf32, #tpu.memory_space<vmem_shared>>) offsets(%arg9 : memref<128xi32, #tpu.memory_space<vmem>>) semaphore(%run_scoped3A_23 : memref<!tpu.dma_semaphore, #tpu.memory_space<semaphore_mem>>) {add = true}
        %dma_wait3A = arith.constant 0 : i32
        %dma_wait3A_26 = arith.constant 0 : i32
        %dma_wait3A_27 = tpu.memref_slice %arg11[%dma_wait3A, %dma_wait3A_26] : memref<50048x32xf32, #tpu.memory_space<vmem_shared>> -> memref<50048x32xf32, #tpu.memory_space<vmem_shared>>
        tpu.wait_indirect_dma semaphore(%run_scoped3A_23 : memref<!tpu.dma_semaphore, #tpu.memory_space<semaphore_mem>>) src(%arg10 : memref<128x32xf32, #tpu.memory_space<vmem>>) dst(%dma_wait3A_27 : memref<50048x32xf32, #tpu.memory_space<vmem_shared>>)
        tpu.yield
      }) : () -> ()
      %scan3A_22 = arith.constant 0 : i32
      scf.yield %scan3A_22 : i32
    }
    %scan3A_10 = arith.constant 196 : i32
    %barrier3A_11 = arith.constant 0 : index
    tpu.barrier barrier_id(%barrier3A_11)
    %mul3A_12 = arith.constant 3128 : i32
    %mul3A_13 = arith.muli %arg1, %mul3A_12 : i32
    %mul3A_14 = arith.constant 3128 : i32
    %mul3A_15 = arith.muli %arg1, %mul3A_14 : i32
    %run_scoped3A = arith.constant 0 : i32
    "tpu.region"() ({
      %run_scoped3A_17 = tpu.sem_alloc : memref<!tpu.dma_semaphore, #tpu.memory_space<semaphore_mem>>
      %dma_start3A = arith.constant 0 : i32
      %dma_start3A_18 = tpu.memref_slice %arg7[%arg0, %run_scoped3A, %mul3A_15, %dma_start3A] : memref<2x1x50048x32xf32, #tpu.memory_space<hbm>> -> memref<1x1x3128x32xf32, #tpu.memory_space<hbm>>
      %dma_start3A_19 = tpu.memref_squeeze %dma_start3A_18 : memref<1x1x3128x32xf32, #tpu.memory_space<hbm>> -> memref<3128x32xf32, #tpu.memory_space<hbm>>
      %dma_start3A_20 = arith.constant 0 : i32
      %dma_start3A_21 = tpu.memref_slice %arg11[%mul3A_13, %dma_start3A_20] : memref<50048x32xf32, #tpu.memory_space<vmem_shared>> -> memref<3128x32xf32, #tpu.memory_space<vmem_shared>>
      tpu.enqueue_dma source(%dma_start3A_21 : memref<3128x32xf32, #tpu.memory_space<vmem_shared>>) target(%dma_start3A_19 : memref<3128x32xf32, #tpu.memory_space<hbm>>) target_semaphore(%run_scoped3A_17 : memref<!tpu.dma_semaphore, #tpu.memory_space<semaphore_mem>>)
      %dma_wait3A = arith.constant 0 : i32
      %dma_wait3A_22 = tpu.memref_slice %arg7[%arg0, %run_scoped3A, %mul3A_15, %dma_wait3A] : memref<2x1x50048x32xf32, #tpu.memory_space<hbm>> -> memref<1x1x3128x32xf32, #tpu.memory_space<hbm>>
      %dma_wait3A_23 = tpu.memref_squeeze %dma_wait3A_22 : memref<1x1x3128x32xf32, #tpu.memory_space<hbm>> -> memref<3128x32xf32, #tpu.memory_space<hbm>>
      %dma_wait3A_24 = arith.constant 0 : i32
      %dma_wait3A_25 = tpu.memref_slice %arg11[%mul3A_13, %dma_wait3A_24] : memref<50048x32xf32, #tpu.memory_space<vmem_shared>> -> memref<3128x32xf32, #tpu.memory_space<vmem_shared>>
      tpu.wait_dma2 semaphore(%run_scoped3A_17 : memref<!tpu.dma_semaphore, #tpu.memory_space<semaphore_mem>>) src(%dma_wait3A_25 : memref<3128x32xf32, #tpu.memory_space<vmem_shared>>) dst(%dma_wait3A_23 : memref<3128x32xf32, #tpu.memory_space<hbm>>)
      tpu.yield
    }) : () -> ()
    %barrier3A_16 = arith.constant 0 : index
    tpu.barrier barrier_id(%barrier3A_16)
    return
  }
}

#map = affine_map<(d0, d1) -> (0)>
#map1 = affine_map<(d0, d1) -> (0, 0)>
#map2 = affine_map<(d0, d1) -> (0, 0, 0, 0)>
module attributes {stable_mosaic.version = 14 : i64} {
  func.func @sc_kernel(%arg0: i32, %arg1: i32, %arg2: memref<802816xi32, #tpu.memory_space<hbm>>, %arg3: memref<802816xi32, #tpu.memory_space<hbm>>, %arg4: memref<3128x32xf32, #tpu.memory_space<hbm>>, %arg5: memref<128x32xf32, #tpu.memory_space<hbm>>, %arg6: memref<50048x32xf32, #tpu.memory_space<hbm>>, %arg7: memref<50048x32xf32, #tpu.memory_space<hbm>>, %arg8: memref<50048x32xf32, #tpu.memory_space<hbm>>, %arg9: memref<50048x32xf32, #tpu.memory_space<hbm>>, %arg10: memref<2x4x50048x32xf32, #tpu.memory_space<hbm>>, %arg11: memref<128xi32, #tpu.memory_space<vmem>>, %arg12: memref<128xi32, #tpu.memory_space<vmem>>, %arg13: memref<128x32xf32, #tpu.memory_space<vmem>>, %arg14: memref<50048x32xf32, #tpu.memory_space<vmem_shared>>, %arg15: memref<!tpu.dma_semaphore, #tpu.memory_space<semaphore_mem>>) attributes {dimension_semantics = [#tpu.dimension_semantics<core_parallel>, #tpu.dimension_semantics<subcore_parallel>], iteration_bounds = array<i64: 2, 16>, scalar_prefetch = 0 : i64, scratch_operands = 5 : i64, tpu.core_type = #tpu.core_type<sc_vector_subcore>, window_params = [{transform_indices = #map}, {transform_indices = #map}, {transform_indices = #map1}, {transform_indices = #map1}, {transform_indices = #map1}, {transform_indices = #map1}, {transform_indices = #map1}, {transform_indices = #map1}, {transform_indices = #map2}]} {
    %mul3A = arith.constant 2 : i32
    %mul3A_0 = arith.muli %arg1, %mul3A : i32
    %add3A = arith.addi %mul3A_0, %arg0 : i32
    %mul3A_1 = arith.constant 25088 : i32
    %mul3A_2 = arith.muli %add3A, %mul3A_1 : i32
    %mul3A_3 = arith.constant 3128 : i32
    %mul3A_4 = arith.muli %arg1, %mul3A_3 : i32
    "tpu.region"() ({
      %run_scoped3A_68 = tpu.sem_alloc : memref<!tpu.dma_semaphore, #tpu.memory_space<semaphore_mem>>
      %dma_start3A = arith.constant 0 : i32
      %dma_start3A_69 = tpu.memref_slice %arg14[%mul3A_4, %dma_start3A] : memref<50048x32xf32, #tpu.memory_space<vmem_shared>> -> memref<3128x32xf32, #tpu.memory_space<vmem_shared>>
      tpu.enqueue_dma source(%arg4 : memref<3128x32xf32, #tpu.memory_space<hbm>>) target(%dma_start3A_69 : memref<3128x32xf32, #tpu.memory_space<vmem_shared>>) target_semaphore(%run_scoped3A_68 : memref<!tpu.dma_semaphore, #tpu.memory_space<semaphore_mem>>)
      %dma_wait3A = arith.constant 0 : i32
      %dma_wait3A_70 = tpu.memref_slice %arg14[%mul3A_4, %dma_wait3A] : memref<50048x32xf32, #tpu.memory_space<vmem_shared>> -> memref<3128x32xf32, #tpu.memory_space<vmem_shared>>
      tpu.wait_dma2 semaphore(%run_scoped3A_68 : memref<!tpu.dma_semaphore, #tpu.memory_space<semaphore_mem>>) src(%arg4 : memref<3128x32xf32, #tpu.memory_space<hbm>>) dst(%dma_wait3A_70 : memref<3128x32xf32, #tpu.memory_space<vmem_shared>>)
      tpu.yield
    }) : () -> ()
    %barrier3A = arith.constant 0 : index
    tpu.barrier barrier_id(%barrier3A)
    %scan3A = arith.constant 0 : i32
    %scan3A_5 = arith.constant 0 : i32
    %scan3A_6 = arith.constant 196 : i32
    %scan3A_7 = arith.addi %scan3A_5, %scan3A_6 : i32
    %scan3A_8 = arith.constant 1 : i32
    %scan3A_9 = scf.for %scan3A_68 = %scan3A_5 to %scan3A_7 step %scan3A_8 iter_args(%scan3A_69 = %scan3A) -> (i32)  : i32 {
      %mul3A_70 = arith.constant 128 : i32
      %mul3A_71 = arith.muli %scan3A_68, %mul3A_70 : i32
      %add3A_72 = arith.addi %mul3A_2, %mul3A_71 : i32
      "tpu.region"() ({
        %run_scoped3A_78 = tpu.sem_alloc : memref<!tpu.dma_semaphore, #tpu.memory_space<semaphore_mem>>
        %dma_start3A_79 = tpu.memref_slice %arg3[%add3A_72] : memref<802816xi32, #tpu.memory_space<hbm>> -> memref<128xi32, #tpu.memory_space<hbm>>
        %dma_start3A_80 = tpu.memref_slice %arg3[%add3A_72] : memref<802816xi32, #tpu.memory_space<hbm>> -> memref<128xi32, #tpu.memory_space<hbm>>
        tpu.enqueue_dma source(%dma_start3A_80 : memref<128xi32, #tpu.memory_space<hbm>>) target(%arg12 : memref<128xi32, #tpu.memory_space<vmem>>) target_semaphore(%run_scoped3A_78 : memref<!tpu.dma_semaphore, #tpu.memory_space<semaphore_mem>>)
        %dma_wait3A_81 = tpu.memref_slice %arg3[%add3A_72] : memref<802816xi32, #tpu.memory_space<hbm>> -> memref<128xi32, #tpu.memory_space<hbm>>
        %dma_wait3A_82 = tpu.memref_slice %arg3[%add3A_72] : memref<802816xi32, #tpu.memory_space<hbm>> -> memref<128xi32, #tpu.memory_space<hbm>>
        tpu.wait_dma2 semaphore(%run_scoped3A_78 : memref<!tpu.dma_semaphore, #tpu.memory_space<semaphore_mem>>) src(%dma_wait3A_82 : memref<128xi32, #tpu.memory_space<hbm>>) dst(%arg12 : memref<128xi32, #tpu.memory_space<vmem>>)
        tpu.yield
      }) : () -> ()
      "tpu.region"() ({
        %run_scoped3A_78 = tpu.sem_alloc : memref<!tpu.dma_semaphore, #tpu.memory_space<semaphore_mem>>
        %dma_start3A_79 = tpu.memref_slice %arg2[%add3A_72] : memref<802816xi32, #tpu.memory_space<hbm>> -> memref<128xi32, #tpu.memory_space<hbm>>
        %dma_start3A_80 = tpu.memref_slice %arg2[%add3A_72] : memref<802816xi32, #tpu.memory_space<hbm>> -> memref<128xi32, #tpu.memory_space<hbm>>
        tpu.enqueue_dma source(%dma_start3A_80 : memref<128xi32, #tpu.memory_space<hbm>>) target(%arg11 : memref<128xi32, #tpu.memory_space<vmem>>) target_semaphore(%run_scoped3A_78 : memref<!tpu.dma_semaphore, #tpu.memory_space<semaphore_mem>>)
        %dma_wait3A_81 = tpu.memref_slice %arg2[%add3A_72] : memref<802816xi32, #tpu.memory_space<hbm>> -> memref<128xi32, #tpu.memory_space<hbm>>
        %dma_wait3A_82 = tpu.memref_slice %arg2[%add3A_72] : memref<802816xi32, #tpu.memory_space<hbm>> -> memref<128xi32, #tpu.memory_space<hbm>>
        tpu.wait_dma2 semaphore(%run_scoped3A_78 : memref<!tpu.dma_semaphore, #tpu.memory_space<semaphore_mem>>) src(%dma_wait3A_82 : memref<128xi32, #tpu.memory_space<hbm>>) dst(%arg11 : memref<128xi32, #tpu.memory_space<vmem>>)
        tpu.yield
      }) : () -> ()
      %dma_start3A = arith.constant 0 : i32
      %dma_start3A_73 = arith.constant 0 : i32
      %dma_start3A_74 = tpu.memref_slice %arg6[%dma_start3A, %dma_start3A_73] : memref<50048x32xf32, #tpu.memory_space<hbm>> -> memref<50048x32xf32, #tpu.memory_space<hbm>>
      tpu.enqueue_indirect_dma source(%dma_start3A_74 : memref<50048x32xf32, #tpu.memory_space<hbm>>) target(%arg13 : memref<128x32xf32, #tpu.memory_space<vmem>>) offsets(%arg11 : memref<128xi32, #tpu.memory_space<vmem>>) semaphore(%arg15 : memref<!tpu.dma_semaphore, #tpu.memory_space<semaphore_mem>>)
      %dma_wait3A = arith.constant 0 : i32
      %dma_wait3A_75 = arith.constant 0 : i32
      %dma_wait3A_76 = tpu.memref_slice %arg6[%dma_wait3A, %dma_wait3A_75] : memref<50048x32xf32, #tpu.memory_space<hbm>> -> memref<50048x32xf32, #tpu.memory_space<hbm>>
      tpu.wait_indirect_dma semaphore(%arg15 : memref<!tpu.dma_semaphore, #tpu.memory_space<semaphore_mem>>) src(%dma_wait3A_76 : memref<50048x32xf32, #tpu.memory_space<hbm>>) dst(%arg13 : memref<128x32xf32, #tpu.memory_space<vmem>>)
      "tpu.region"() ({
        %run_scoped3A_78 = tpu.sem_alloc : memref<!tpu.dma_semaphore, #tpu.memory_space<semaphore_mem>>
        %dma_start3A_79 = arith.constant 0 : i32
        %dma_start3A_80 = arith.constant 0 : i32
        %dma_start3A_81 = tpu.memref_slice %arg14[%dma_start3A_79, %dma_start3A_80] : memref<50048x32xf32, #tpu.memory_space<vmem_shared>> -> memref<50048x32xf32, #tpu.memory_space<vmem_shared>>
        tpu.enqueue_indirect_dma source(%arg13 : memref<128x32xf32, #tpu.memory_space<vmem>>) target(%dma_start3A_81 : memref<50048x32xf32, #tpu.memory_space<vmem_shared>>) offsets(%arg12 : memref<128xi32, #tpu.memory_space<vmem>>) semaphore(%run_scoped3A_78 : memref<!tpu.dma_semaphore, #tpu.memory_space<semaphore_mem>>) {add = true}
        %dma_wait3A_82 = arith.constant 0 : i32
        %dma_wait3A_83 = arith.constant 0 : i32
        %dma_wait3A_84 = tpu.memref_slice %arg14[%dma_wait3A_82, %dma_wait3A_83] : memref<50048x32xf32, #tpu.memory_space<vmem_shared>> -> memref<50048x32xf32, #tpu.memory_space<vmem_shared>>
        tpu.wait_indirect_dma semaphore(%run_scoped3A_78 : memref<!tpu.dma_semaphore, #tpu.memory_space<semaphore_mem>>) src(%arg13 : memref<128x32xf32, #tpu.memory_space<vmem>>) dst(%dma_wait3A_84 : memref<50048x32xf32, #tpu.memory_space<vmem_shared>>)
        tpu.yield
      }) : () -> ()
      %scan3A_77 = arith.constant 0 : i32
      scf.yield %scan3A_77 : i32
    }
    %scan3A_10 = arith.constant 196 : i32
    %barrier3A_11 = arith.constant 0 : index
    tpu.barrier barrier_id(%barrier3A_11)
    %mul3A_12 = arith.constant 3128 : i32
    %mul3A_13 = arith.muli %arg1, %mul3A_12 : i32
    %mul3A_14 = arith.constant 3128 : i32
    %mul3A_15 = arith.muli %arg1, %mul3A_14 : i32
    %run_scoped3A = arith.constant 0 : i32
    "tpu.region"() ({
      %run_scoped3A_68 = tpu.sem_alloc : memref<!tpu.dma_semaphore, #tpu.memory_space<semaphore_mem>>
      %dma_start3A = arith.constant 0 : i32
      %dma_start3A_69 = tpu.memref_slice %arg10[%arg0, %run_scoped3A, %mul3A_15, %dma_start3A] : memref<2x4x50048x32xf32, #tpu.memory_space<hbm>> -> memref<1x1x3128x32xf32, #tpu.memory_space<hbm>>
      %dma_start3A_70 = tpu.memref_squeeze %dma_start3A_69 : memref<1x1x3128x32xf32, #tpu.memory_space<hbm>> -> memref<3128x32xf32, #tpu.memory_space<hbm>>
      %dma_start3A_71 = arith.constant 0 : i32
      %dma_start3A_72 = tpu.memref_slice %arg14[%mul3A_13, %dma_start3A_71] : memref<50048x32xf32, #tpu.memory_space<vmem_shared>> -> memref<3128x32xf32, #tpu.memory_space<vmem_shared>>
      tpu.enqueue_dma source(%dma_start3A_72 : memref<3128x32xf32, #tpu.memory_space<vmem_shared>>) target(%dma_start3A_70 : memref<3128x32xf32, #tpu.memory_space<hbm>>) target_semaphore(%run_scoped3A_68 : memref<!tpu.dma_semaphore, #tpu.memory_space<semaphore_mem>>)
      %dma_wait3A = arith.constant 0 : i32
      %dma_wait3A_73 = tpu.memref_slice %arg10[%arg0, %run_scoped3A, %mul3A_15, %dma_wait3A] : memref<2x4x50048x32xf32, #tpu.memory_space<hbm>> -> memref<1x1x3128x32xf32, #tpu.memory_space<hbm>>
      %dma_wait3A_74 = tpu.memref_squeeze %dma_wait3A_73 : memref<1x1x3128x32xf32, #tpu.memory_space<hbm>> -> memref<3128x32xf32, #tpu.memory_space<hbm>>
      %dma_wait3A_75 = arith.constant 0 : i32
      %dma_wait3A_76 = tpu.memref_slice %arg14[%mul3A_13, %dma_wait3A_75] : memref<50048x32xf32, #tpu.memory_space<vmem_shared>> -> memref<3128x32xf32, #tpu.memory_space<vmem_shared>>
      tpu.wait_dma2 semaphore(%run_scoped3A_68 : memref<!tpu.dma_semaphore, #tpu.memory_space<semaphore_mem>>) src(%dma_wait3A_76 : memref<3128x32xf32, #tpu.memory_space<vmem_shared>>) dst(%dma_wait3A_74 : memref<3128x32xf32, #tpu.memory_space<hbm>>)
      tpu.yield
    }) : () -> ()
    %barrier3A_16 = arith.constant 0 : index
    tpu.barrier barrier_id(%barrier3A_16)
    %mul3A_17 = arith.constant 3128 : i32
    %mul3A_18 = arith.muli %arg1, %mul3A_17 : i32
    "tpu.region"() ({
      %run_scoped3A_68 = tpu.sem_alloc : memref<!tpu.dma_semaphore, #tpu.memory_space<semaphore_mem>>
      %dma_start3A = arith.constant 0 : i32
      %dma_start3A_69 = tpu.memref_slice %arg14[%mul3A_18, %dma_start3A] : memref<50048x32xf32, #tpu.memory_space<vmem_shared>> -> memref<3128x32xf32, #tpu.memory_space<vmem_shared>>
      tpu.enqueue_dma source(%arg4 : memref<3128x32xf32, #tpu.memory_space<hbm>>) target(%dma_start3A_69 : memref<3128x32xf32, #tpu.memory_space<vmem_shared>>) target_semaphore(%run_scoped3A_68 : memref<!tpu.dma_semaphore, #tpu.memory_space<semaphore_mem>>)
      %dma_wait3A = arith.constant 0 : i32
      %dma_wait3A_70 = tpu.memref_slice %arg14[%mul3A_18, %dma_wait3A] : memref<50048x32xf32, #tpu.memory_space<vmem_shared>> -> memref<3128x32xf32, #tpu.memory_space<vmem_shared>>
      tpu.wait_dma2 semaphore(%run_scoped3A_68 : memref<!tpu.dma_semaphore, #tpu.memory_space<semaphore_mem>>) src(%arg4 : memref<3128x32xf32, #tpu.memory_space<hbm>>) dst(%dma_wait3A_70 : memref<3128x32xf32, #tpu.memory_space<vmem_shared>>)
      tpu.yield
    }) : () -> ()
    %barrier3A_19 = arith.constant 0 : index
    tpu.barrier barrier_id(%barrier3A_19)
    %scan3A_20 = arith.constant 0 : i32
    %scan3A_21 = arith.constant 0 : i32
    %scan3A_22 = arith.constant 196 : i32
    %scan3A_23 = arith.addi %scan3A_21, %scan3A_22 : i32
    %scan3A_24 = arith.constant 1 : i32
    %scan3A_25 = scf.for %scan3A_68 = %scan3A_21 to %scan3A_23 step %scan3A_24 iter_args(%scan3A_69 = %scan3A_20) -> (i32)  : i32 {
      %mul3A_70 = arith.constant 128 : i32
      %mul3A_71 = arith.muli %scan3A_68, %mul3A_70 : i32
      %add3A_72 = arith.addi %mul3A_2, %mul3A_71 : i32
      "tpu.region"() ({
        %run_scoped3A_78 = tpu.sem_alloc : memref<!tpu.dma_semaphore, #tpu.memory_space<semaphore_mem>>
        %dma_start3A_79 = tpu.memref_slice %arg3[%add3A_72] : memref<802816xi32, #tpu.memory_space<hbm>> -> memref<128xi32, #tpu.memory_space<hbm>>
        %dma_start3A_80 = tpu.memref_slice %arg3[%add3A_72] : memref<802816xi32, #tpu.memory_space<hbm>> -> memref<128xi32, #tpu.memory_space<hbm>>
        tpu.enqueue_dma source(%dma_start3A_80 : memref<128xi32, #tpu.memory_space<hbm>>) target(%arg12 : memref<128xi32, #tpu.memory_space<vmem>>) target_semaphore(%run_scoped3A_78 : memref<!tpu.dma_semaphore, #tpu.memory_space<semaphore_mem>>)
        %dma_wait3A_81 = tpu.memref_slice %arg3[%add3A_72] : memref<802816xi32, #tpu.memory_space<hbm>> -> memref<128xi32, #tpu.memory_space<hbm>>
        %dma_wait3A_82 = tpu.memref_slice %arg3[%add3A_72] : memref<802816xi32, #tpu.memory_space<hbm>> -> memref<128xi32, #tpu.memory_space<hbm>>
        tpu.wait_dma2 semaphore(%run_scoped3A_78 : memref<!tpu.dma_semaphore, #tpu.memory_space<semaphore_mem>>) src(%dma_wait3A_82 : memref<128xi32, #tpu.memory_space<hbm>>) dst(%arg12 : memref<128xi32, #tpu.memory_space<vmem>>)
        tpu.yield
      }) : () -> ()
      "tpu.region"() ({
        %run_scoped3A_78 = tpu.sem_alloc : memref<!tpu.dma_semaphore, #tpu.memory_space<semaphore_mem>>
        %dma_start3A_79 = tpu.memref_slice %arg2[%add3A_72] : memref<802816xi32, #tpu.memory_space<hbm>> -> memref<128xi32, #tpu.memory_space<hbm>>
        %dma_start3A_80 = tpu.memref_slice %arg2[%add3A_72] : memref<802816xi32, #tpu.memory_space<hbm>> -> memref<128xi32, #tpu.memory_space<hbm>>
        tpu.enqueue_dma source(%dma_start3A_80 : memref<128xi32, #tpu.memory_space<hbm>>) target(%arg11 : memref<128xi32, #tpu.memory_space<vmem>>) target_semaphore(%run_scoped3A_78 : memref<!tpu.dma_semaphore, #tpu.memory_space<semaphore_mem>>)
        %dma_wait3A_81 = tpu.memref_slice %arg2[%add3A_72] : memref<802816xi32, #tpu.memory_space<hbm>> -> memref<128xi32, #tpu.memory_space<hbm>>
        %dma_wait3A_82 = tpu.memref_slice %arg2[%add3A_72] : memref<802816xi32, #tpu.memory_space<hbm>> -> memref<128xi32, #tpu.memory_space<hbm>>
        tpu.wait_dma2 semaphore(%run_scoped3A_78 : memref<!tpu.dma_semaphore, #tpu.memory_space<semaphore_mem>>) src(%dma_wait3A_82 : memref<128xi32, #tpu.memory_space<hbm>>) dst(%arg11 : memref<128xi32, #tpu.memory_space<vmem>>)
        tpu.yield
      }) : () -> ()
      %dma_start3A = arith.constant 0 : i32
      %dma_start3A_73 = arith.constant 0 : i32
      %dma_start3A_74 = tpu.memref_slice %arg7[%dma_start3A, %dma_start3A_73] : memref<50048x32xf32, #tpu.memory_space<hbm>> -> memref<50048x32xf32, #tpu.memory_space<hbm>>
      tpu.enqueue_indirect_dma source(%dma_start3A_74 : memref<50048x32xf32, #tpu.memory_space<hbm>>) target(%arg13 : memref<128x32xf32, #tpu.memory_space<vmem>>) offsets(%arg11 : memref<128xi32, #tpu.memory_space<vmem>>) semaphore(%arg15 : memref<!tpu.dma_semaphore, #tpu.memory_space<semaphore_mem>>)
      %dma_wait3A = arith.constant 0 : i32
      %dma_wait3A_75 = arith.constant 0 : i32
      %dma_wait3A_76 = tpu.memref_slice %arg7[%dma_wait3A, %dma_wait3A_75] : memref<50048x32xf32, #tpu.memory_space<hbm>> -> memref<50048x32xf32, #tpu.memory_space<hbm>>
      tpu.wait_indirect_dma semaphore(%arg15 : memref<!tpu.dma_semaphore, #tpu.memory_space<semaphore_mem>>) src(%dma_wait3A_76 : memref<50048x32xf32, #tpu.memory_space<hbm>>) dst(%arg13 : memref<128x32xf32, #tpu.memory_space<vmem>>)
      "tpu.region"() ({
        %run_scoped3A_78 = tpu.sem_alloc : memref<!tpu.dma_semaphore, #tpu.memory_space<semaphore_mem>>
        %dma_start3A_79 = arith.constant 0 : i32
        %dma_start3A_80 = arith.constant 0 : i32
        %dma_start3A_81 = tpu.memref_slice %arg14[%dma_start3A_79, %dma_start3A_80] : memref<50048x32xf32, #tpu.memory_space<vmem_shared>> -> memref<50048x32xf32, #tpu.memory_space<vmem_shared>>
        tpu.enqueue_indirect_dma source(%arg13 : memref<128x32xf32, #tpu.memory_space<vmem>>) target(%dma_start3A_81 : memref<50048x32xf32, #tpu.memory_space<vmem_shared>>) offsets(%arg12 : memref<128xi32, #tpu.memory_space<vmem>>) semaphore(%run_scoped3A_78 : memref<!tpu.dma_semaphore, #tpu.memory_space<semaphore_mem>>) {add = true}
        %dma_wait3A_82 = arith.constant 0 : i32
        %dma_wait3A_83 = arith.constant 0 : i32
        %dma_wait3A_84 = tpu.memref_slice %arg14[%dma_wait3A_82, %dma_wait3A_83] : memref<50048x32xf32, #tpu.memory_space<vmem_shared>> -> memref<50048x32xf32, #tpu.memory_space<vmem_shared>>
        tpu.wait_indirect_dma semaphore(%run_scoped3A_78 : memref<!tpu.dma_semaphore, #tpu.memory_space<semaphore_mem>>) src(%arg13 : memref<128x32xf32, #tpu.memory_space<vmem>>) dst(%dma_wait3A_84 : memref<50048x32xf32, #tpu.memory_space<vmem_shared>>)
        tpu.yield
      }) : () -> ()
      %scan3A_77 = arith.constant 0 : i32
      scf.yield %scan3A_77 : i32
    }
    %scan3A_26 = arith.constant 196 : i32
    %barrier3A_27 = arith.constant 0 : index
    tpu.barrier barrier_id(%barrier3A_27)
    %mul3A_28 = arith.constant 3128 : i32
    %mul3A_29 = arith.muli %arg1, %mul3A_28 : i32
    %mul3A_30 = arith.constant 3128 : i32
    %mul3A_31 = arith.muli %arg1, %mul3A_30 : i32
    %run_scoped3A_32 = arith.constant 1 : i32
    "tpu.region"() ({
      %run_scoped3A_68 = tpu.sem_alloc : memref<!tpu.dma_semaphore, #tpu.memory_space<semaphore_mem>>
      %dma_start3A = arith.constant 0 : i32
      %dma_start3A_69 = tpu.memref_slice %arg10[%arg0, %run_scoped3A_32, %mul3A_31, %dma_start3A] : memref<2x4x50048x32xf32, #tpu.memory_space<hbm>> -> memref<1x1x3128x32xf32, #tpu.memory_space<hbm>>
      %dma_start3A_70 = tpu.memref_squeeze %dma_start3A_69 : memref<1x1x3128x32xf32, #tpu.memory_space<hbm>> -> memref<3128x32xf32, #tpu.memory_space<hbm>>
      %dma_start3A_71 = arith.constant 0 : i32
      %dma_start3A_72 = tpu.memref_slice %arg14[%mul3A_29, %dma_start3A_71] : memref<50048x32xf32, #tpu.memory_space<vmem_shared>> -> memref<3128x32xf32, #tpu.memory_space<vmem_shared>>
      tpu.enqueue_dma source(%dma_start3A_72 : memref<3128x32xf32, #tpu.memory_space<vmem_shared>>) target(%dma_start3A_70 : memref<3128x32xf32, #tpu.memory_space<hbm>>) target_semaphore(%run_scoped3A_68 : memref<!tpu.dma_semaphore, #tpu.memory_space<semaphore_mem>>)
      %dma_wait3A = arith.constant 0 : i32
      %dma_wait3A_73 = tpu.memref_slice %arg10[%arg0, %run_scoped3A_32, %mul3A_31, %dma_wait3A] : memref<2x4x50048x32xf32, #tpu.memory_space<hbm>> -> memref<1x1x3128x32xf32, #tpu.memory_space<hbm>>
      %dma_wait3A_74 = tpu.memref_squeeze %dma_wait3A_73 : memref<1x1x3128x32xf32, #tpu.memory_space<hbm>> -> memref<3128x32xf32, #tpu.memory_space<hbm>>
      %dma_wait3A_75 = arith.constant 0 : i32
      %dma_wait3A_76 = tpu.memref_slice %arg14[%mul3A_29, %dma_wait3A_75] : memref<50048x32xf32, #tpu.memory_space<vmem_shared>> -> memref<3128x32xf32, #tpu.memory_space<vmem_shared>>
      tpu.wait_dma2 semaphore(%run_scoped3A_68 : memref<!tpu.dma_semaphore, #tpu.memory_space<semaphore_mem>>) src(%dma_wait3A_76 : memref<3128x32xf32, #tpu.memory_space<vmem_shared>>) dst(%dma_wait3A_74 : memref<3128x32xf32, #tpu.memory_space<hbm>>)
      tpu.yield
    }) : () -> ()
    %barrier3A_33 = arith.constant 0 : index
    tpu.barrier barrier_id(%barrier3A_33)
    %mul3A_34 = arith.constant 3128 : i32
    %mul3A_35 = arith.muli %arg1, %mul3A_34 : i32
    "tpu.region"() ({
      %run_scoped3A_68 = tpu.sem_alloc : memref<!tpu.dma_semaphore, #tpu.memory_space<semaphore_mem>>
      %dma_start3A = arith.constant 0 : i32
      %dma_start3A_69 = tpu.memref_slice %arg14[%mul3A_35, %dma_start3A] : memref<50048x32xf32, #tpu.memory_space<vmem_shared>> -> memref<3128x32xf32, #tpu.memory_space<vmem_shared>>
      tpu.enqueue_dma source(%arg4 : memref<3128x32xf32, #tpu.memory_space<hbm>>) target(%dma_start3A_69 : memref<3128x32xf32, #tpu.memory_space<vmem_shared>>) target_semaphore(%run_scoped3A_68 : memref<!tpu.dma_semaphore, #tpu.memory_space<semaphore_mem>>)
      %dma_wait3A = arith.constant 0 : i32
      %dma_wait3A_70 = tpu.memref_slice %arg14[%mul3A_35, %dma_wait3A] : memref<50048x32xf32, #tpu.memory_space<vmem_shared>> -> memref<3128x32xf32, #tpu.memory_space<vmem_shared>>
      tpu.wait_dma2 semaphore(%run_scoped3A_68 : memref<!tpu.dma_semaphore, #tpu.memory_space<semaphore_mem>>) src(%arg4 : memref<3128x32xf32, #tpu.memory_space<hbm>>) dst(%dma_wait3A_70 : memref<3128x32xf32, #tpu.memory_space<vmem_shared>>)
      tpu.yield
    }) : () -> ()
    %barrier3A_36 = arith.constant 0 : index
    tpu.barrier barrier_id(%barrier3A_36)
    %scan3A_37 = arith.constant 0 : i32
    %scan3A_38 = arith.constant 0 : i32
    %scan3A_39 = arith.constant 196 : i32
    %scan3A_40 = arith.addi %scan3A_38, %scan3A_39 : i32
    %scan3A_41 = arith.constant 1 : i32
    %scan3A_42 = scf.for %scan3A_68 = %scan3A_38 to %scan3A_40 step %scan3A_41 iter_args(%scan3A_69 = %scan3A_37) -> (i32)  : i32 {
      %mul3A_70 = arith.constant 128 : i32
      %mul3A_71 = arith.muli %scan3A_68, %mul3A_70 : i32
      %add3A_72 = arith.addi %mul3A_2, %mul3A_71 : i32
      "tpu.region"() ({
        %run_scoped3A_78 = tpu.sem_alloc : memref<!tpu.dma_semaphore, #tpu.memory_space<semaphore_mem>>
        %dma_start3A_79 = tpu.memref_slice %arg3[%add3A_72] : memref<802816xi32, #tpu.memory_space<hbm>> -> memref<128xi32, #tpu.memory_space<hbm>>
        %dma_start3A_80 = tpu.memref_slice %arg3[%add3A_72] : memref<802816xi32, #tpu.memory_space<hbm>> -> memref<128xi32, #tpu.memory_space<hbm>>
        tpu.enqueue_dma source(%dma_start3A_80 : memref<128xi32, #tpu.memory_space<hbm>>) target(%arg12 : memref<128xi32, #tpu.memory_space<vmem>>) target_semaphore(%run_scoped3A_78 : memref<!tpu.dma_semaphore, #tpu.memory_space<semaphore_mem>>)
        %dma_wait3A_81 = tpu.memref_slice %arg3[%add3A_72] : memref<802816xi32, #tpu.memory_space<hbm>> -> memref<128xi32, #tpu.memory_space<hbm>>
        %dma_wait3A_82 = tpu.memref_slice %arg3[%add3A_72] : memref<802816xi32, #tpu.memory_space<hbm>> -> memref<128xi32, #tpu.memory_space<hbm>>
        tpu.wait_dma2 semaphore(%run_scoped3A_78 : memref<!tpu.dma_semaphore, #tpu.memory_space<semaphore_mem>>) src(%dma_wait3A_82 : memref<128xi32, #tpu.memory_space<hbm>>) dst(%arg12 : memref<128xi32, #tpu.memory_space<vmem>>)
        tpu.yield
      }) : () -> ()
      "tpu.region"() ({
        %run_scoped3A_78 = tpu.sem_alloc : memref<!tpu.dma_semaphore, #tpu.memory_space<semaphore_mem>>
        %dma_start3A_79 = tpu.memref_slice %arg2[%add3A_72] : memref<802816xi32, #tpu.memory_space<hbm>> -> memref<128xi32, #tpu.memory_space<hbm>>
        %dma_start3A_80 = tpu.memref_slice %arg2[%add3A_72] : memref<802816xi32, #tpu.memory_space<hbm>> -> memref<128xi32, #tpu.memory_space<hbm>>
        tpu.enqueue_dma source(%dma_start3A_80 : memref<128xi32, #tpu.memory_space<hbm>>) target(%arg11 : memref<128xi32, #tpu.memory_space<vmem>>) target_semaphore(%run_scoped3A_78 : memref<!tpu.dma_semaphore, #tpu.memory_space<semaphore_mem>>)
        %dma_wait3A_81 = tpu.memref_slice %arg2[%add3A_72] : memref<802816xi32, #tpu.memory_space<hbm>> -> memref<128xi32, #tpu.memory_space<hbm>>
        %dma_wait3A_82 = tpu.memref_slice %arg2[%add3A_72] : memref<802816xi32, #tpu.memory_space<hbm>> -> memref<128xi32, #tpu.memory_space<hbm>>
        tpu.wait_dma2 semaphore(%run_scoped3A_78 : memref<!tpu.dma_semaphore, #tpu.memory_space<semaphore_mem>>) src(%dma_wait3A_82 : memref<128xi32, #tpu.memory_space<hbm>>) dst(%arg11 : memref<128xi32, #tpu.memory_space<vmem>>)
        tpu.yield
      }) : () -> ()
      %dma_start3A = arith.constant 0 : i32
      %dma_start3A_73 = arith.constant 0 : i32
      %dma_start3A_74 = tpu.memref_slice %arg8[%dma_start3A, %dma_start3A_73] : memref<50048x32xf32, #tpu.memory_space<hbm>> -> memref<50048x32xf32, #tpu.memory_space<hbm>>
      tpu.enqueue_indirect_dma source(%dma_start3A_74 : memref<50048x32xf32, #tpu.memory_space<hbm>>) target(%arg13 : memref<128x32xf32, #tpu.memory_space<vmem>>) offsets(%arg11 : memref<128xi32, #tpu.memory_space<vmem>>) semaphore(%arg15 : memref<!tpu.dma_semaphore, #tpu.memory_space<semaphore_mem>>)
      %dma_wait3A = arith.constant 0 : i32
      %dma_wait3A_75 = arith.constant 0 : i32
      %dma_wait3A_76 = tpu.memref_slice %arg8[%dma_wait3A, %dma_wait3A_75] : memref<50048x32xf32, #tpu.memory_space<hbm>> -> memref<50048x32xf32, #tpu.memory_space<hbm>>
      tpu.wait_indirect_dma semaphore(%arg15 : memref<!tpu.dma_semaphore, #tpu.memory_space<semaphore_mem>>) src(%dma_wait3A_76 : memref<50048x32xf32, #tpu.memory_space<hbm>>) dst(%arg13 : memref<128x32xf32, #tpu.memory_space<vmem>>)
      "tpu.region"() ({
        %run_scoped3A_78 = tpu.sem_alloc : memref<!tpu.dma_semaphore, #tpu.memory_space<semaphore_mem>>
        %dma_start3A_79 = arith.constant 0 : i32
        %dma_start3A_80 = arith.constant 0 : i32
        %dma_start3A_81 = tpu.memref_slice %arg14[%dma_start3A_79, %dma_start3A_80] : memref<50048x32xf32, #tpu.memory_space<vmem_shared>> -> memref<50048x32xf32, #tpu.memory_space<vmem_shared>>
        tpu.enqueue_indirect_dma source(%arg13 : memref<128x32xf32, #tpu.memory_space<vmem>>) target(%dma_start3A_81 : memref<50048x32xf32, #tpu.memory_space<vmem_shared>>) offsets(%arg12 : memref<128xi32, #tpu.memory_space<vmem>>) semaphore(%run_scoped3A_78 : memref<!tpu.dma_semaphore, #tpu.memory_space<semaphore_mem>>) {add = true}
        %dma_wait3A_82 = arith.constant 0 : i32
        %dma_wait3A_83 = arith.constant 0 : i32
        %dma_wait3A_84 = tpu.memref_slice %arg14[%dma_wait3A_82, %dma_wait3A_83] : memref<50048x32xf32, #tpu.memory_space<vmem_shared>> -> memref<50048x32xf32, #tpu.memory_space<vmem_shared>>
        tpu.wait_indirect_dma semaphore(%run_scoped3A_78 : memref<!tpu.dma_semaphore, #tpu.memory_space<semaphore_mem>>) src(%arg13 : memref<128x32xf32, #tpu.memory_space<vmem>>) dst(%dma_wait3A_84 : memref<50048x32xf32, #tpu.memory_space<vmem_shared>>)
        tpu.yield
      }) : () -> ()
      %scan3A_77 = arith.constant 0 : i32
      scf.yield %scan3A_77 : i32
    }
    %scan3A_43 = arith.constant 196 : i32
    %barrier3A_44 = arith.constant 0 : index
    tpu.barrier barrier_id(%barrier3A_44)
    %mul3A_45 = arith.constant 3128 : i32
    %mul3A_46 = arith.muli %arg1, %mul3A_45 : i32
    %mul3A_47 = arith.constant 3128 : i32
    %mul3A_48 = arith.muli %arg1, %mul3A_47 : i32
    %run_scoped3A_49 = arith.constant 2 : i32
    "tpu.region"() ({
      %run_scoped3A_68 = tpu.sem_alloc : memref<!tpu.dma_semaphore, #tpu.memory_space<semaphore_mem>>
      %dma_start3A = arith.constant 0 : i32
      %dma_start3A_69 = tpu.memref_slice %arg10[%arg0, %run_scoped3A_49, %mul3A_48, %dma_start3A] : memref<2x4x50048x32xf32, #tpu.memory_space<hbm>> -> memref<1x1x3128x32xf32, #tpu.memory_space<hbm>>
      %dma_start3A_70 = tpu.memref_squeeze %dma_start3A_69 : memref<1x1x3128x32xf32, #tpu.memory_space<hbm>> -> memref<3128x32xf32, #tpu.memory_space<hbm>>
      %dma_start3A_71 = arith.constant 0 : i32
      %dma_start3A_72 = tpu.memref_slice %arg14[%mul3A_46, %dma_start3A_71] : memref<50048x32xf32, #tpu.memory_space<vmem_shared>> -> memref<3128x32xf32, #tpu.memory_space<vmem_shared>>
      tpu.enqueue_dma source(%dma_start3A_72 : memref<3128x32xf32, #tpu.memory_space<vmem_shared>>) target(%dma_start3A_70 : memref<3128x32xf32, #tpu.memory_space<hbm>>) target_semaphore(%run_scoped3A_68 : memref<!tpu.dma_semaphore, #tpu.memory_space<semaphore_mem>>)
      %dma_wait3A = arith.constant 0 : i32
      %dma_wait3A_73 = tpu.memref_slice %arg10[%arg0, %run_scoped3A_49, %mul3A_48, %dma_wait3A] : memref<2x4x50048x32xf32, #tpu.memory_space<hbm>> -> memref<1x1x3128x32xf32, #tpu.memory_space<hbm>>
      %dma_wait3A_74 = tpu.memref_squeeze %dma_wait3A_73 : memref<1x1x3128x32xf32, #tpu.memory_space<hbm>> -> memref<3128x32xf32, #tpu.memory_space<hbm>>
      %dma_wait3A_75 = arith.constant 0 : i32
      %dma_wait3A_76 = tpu.memref_slice %arg14[%mul3A_46, %dma_wait3A_75] : memref<50048x32xf32, #tpu.memory_space<vmem_shared>> -> memref<3128x32xf32, #tpu.memory_space<vmem_shared>>
      tpu.wait_dma2 semaphore(%run_scoped3A_68 : memref<!tpu.dma_semaphore, #tpu.memory_space<semaphore_mem>>) src(%dma_wait3A_76 : memref<3128x32xf32, #tpu.memory_space<vmem_shared>>) dst(%dma_wait3A_74 : memref<3128x32xf32, #tpu.memory_space<hbm>>)
      tpu.yield
    }) : () -> ()
    %barrier3A_50 = arith.constant 0 : index
    tpu.barrier barrier_id(%barrier3A_50)
    %mul3A_51 = arith.constant 3128 : i32
    %mul3A_52 = arith.muli %arg1, %mul3A_51 : i32
    "tpu.region"() ({
      %run_scoped3A_68 = tpu.sem_alloc : memref<!tpu.dma_semaphore, #tpu.memory_space<semaphore_mem>>
      %dma_start3A = arith.constant 0 : i32
      %dma_start3A_69 = tpu.memref_slice %arg14[%mul3A_52, %dma_start3A] : memref<50048x32xf32, #tpu.memory_space<vmem_shared>> -> memref<3128x32xf32, #tpu.memory_space<vmem_shared>>
      tpu.enqueue_dma source(%arg4 : memref<3128x32xf32, #tpu.memory_space<hbm>>) target(%dma_start3A_69 : memref<3128x32xf32, #tpu.memory_space<vmem_shared>>) target_semaphore(%run_scoped3A_68 : memref<!tpu.dma_semaphore, #tpu.memory_space<semaphore_mem>>)
      %dma_wait3A = arith.constant 0 : i32
      %dma_wait3A_70 = tpu.memref_slice %arg14[%mul3A_52, %dma_wait3A] : memref<50048x32xf32, #tpu.memory_space<vmem_shared>> -> memref<3128x32xf32, #tpu.memory_space<vmem_shared>>
      tpu.wait_dma2 semaphore(%run_scoped3A_68 : memref<!tpu.dma_semaphore, #tpu.memory_space<semaphore_mem>>) src(%arg4 : memref<3128x32xf32, #tpu.memory_space<hbm>>) dst(%dma_wait3A_70 : memref<3128x32xf32, #tpu.memory_space<vmem_shared>>)
      tpu.yield
    }) : () -> ()
    %barrier3A_53 = arith.constant 0 : index
    tpu.barrier barrier_id(%barrier3A_53)
    %scan3A_54 = arith.constant 0 : i32
    %scan3A_55 = arith.constant 0 : i32
    %scan3A_56 = arith.constant 196 : i32
    %scan3A_57 = arith.addi %scan3A_55, %scan3A_56 : i32
    %scan3A_58 = arith.constant 1 : i32
    %scan3A_59 = scf.for %scan3A_68 = %scan3A_55 to %scan3A_57 step %scan3A_58 iter_args(%scan3A_69 = %scan3A_54) -> (i32)  : i32 {
      %mul3A_70 = arith.constant 128 : i32
      %mul3A_71 = arith.muli %scan3A_68, %mul3A_70 : i32
      %add3A_72 = arith.addi %mul3A_2, %mul3A_71 : i32
      "tpu.region"() ({
        %run_scoped3A_78 = tpu.sem_alloc : memref<!tpu.dma_semaphore, #tpu.memory_space<semaphore_mem>>
        %dma_start3A_79 = tpu.memref_slice %arg3[%add3A_72] : memref<802816xi32, #tpu.memory_space<hbm>> -> memref<128xi32, #tpu.memory_space<hbm>>
        %dma_start3A_80 = tpu.memref_slice %arg3[%add3A_72] : memref<802816xi32, #tpu.memory_space<hbm>> -> memref<128xi32, #tpu.memory_space<hbm>>
        tpu.enqueue_dma source(%dma_start3A_80 : memref<128xi32, #tpu.memory_space<hbm>>) target(%arg12 : memref<128xi32, #tpu.memory_space<vmem>>) target_semaphore(%run_scoped3A_78 : memref<!tpu.dma_semaphore, #tpu.memory_space<semaphore_mem>>)
        %dma_wait3A_81 = tpu.memref_slice %arg3[%add3A_72] : memref<802816xi32, #tpu.memory_space<hbm>> -> memref<128xi32, #tpu.memory_space<hbm>>
        %dma_wait3A_82 = tpu.memref_slice %arg3[%add3A_72] : memref<802816xi32, #tpu.memory_space<hbm>> -> memref<128xi32, #tpu.memory_space<hbm>>
        tpu.wait_dma2 semaphore(%run_scoped3A_78 : memref<!tpu.dma_semaphore, #tpu.memory_space<semaphore_mem>>) src(%dma_wait3A_82 : memref<128xi32, #tpu.memory_space<hbm>>) dst(%arg12 : memref<128xi32, #tpu.memory_space<vmem>>)
        tpu.yield
      }) : () -> ()
      "tpu.region"() ({
        %run_scoped3A_78 = tpu.sem_alloc : memref<!tpu.dma_semaphore, #tpu.memory_space<semaphore_mem>>
        %dma_start3A_79 = tpu.memref_slice %arg2[%add3A_72] : memref<802816xi32, #tpu.memory_space<hbm>> -> memref<128xi32, #tpu.memory_space<hbm>>
        %dma_start3A_80 = tpu.memref_slice %arg2[%add3A_72] : memref<802816xi32, #tpu.memory_space<hbm>> -> memref<128xi32, #tpu.memory_space<hbm>>
        tpu.enqueue_dma source(%dma_start3A_80 : memref<128xi32, #tpu.memory_space<hbm>>) target(%arg11 : memref<128xi32, #tpu.memory_space<vmem>>) target_semaphore(%run_scoped3A_78 : memref<!tpu.dma_semaphore, #tpu.memory_space<semaphore_mem>>)
        %dma_wait3A_81 = tpu.memref_slice %arg2[%add3A_72] : memref<802816xi32, #tpu.memory_space<hbm>> -> memref<128xi32, #tpu.memory_space<hbm>>
        %dma_wait3A_82 = tpu.memref_slice %arg2[%add3A_72] : memref<802816xi32, #tpu.memory_space<hbm>> -> memref<128xi32, #tpu.memory_space<hbm>>
        tpu.wait_dma2 semaphore(%run_scoped3A_78 : memref<!tpu.dma_semaphore, #tpu.memory_space<semaphore_mem>>) src(%dma_wait3A_82 : memref<128xi32, #tpu.memory_space<hbm>>) dst(%arg11 : memref<128xi32, #tpu.memory_space<vmem>>)
        tpu.yield
      }) : () -> ()
      %dma_start3A = arith.constant 0 : i32
      %dma_start3A_73 = arith.constant 0 : i32
      %dma_start3A_74 = tpu.memref_slice %arg9[%dma_start3A, %dma_start3A_73] : memref<50048x32xf32, #tpu.memory_space<hbm>> -> memref<50048x32xf32, #tpu.memory_space<hbm>>
      tpu.enqueue_indirect_dma source(%dma_start3A_74 : memref<50048x32xf32, #tpu.memory_space<hbm>>) target(%arg13 : memref<128x32xf32, #tpu.memory_space<vmem>>) offsets(%arg11 : memref<128xi32, #tpu.memory_space<vmem>>) semaphore(%arg15 : memref<!tpu.dma_semaphore, #tpu.memory_space<semaphore_mem>>)
      %dma_wait3A = arith.constant 0 : i32
      %dma_wait3A_75 = arith.constant 0 : i32
      %dma_wait3A_76 = tpu.memref_slice %arg9[%dma_wait3A, %dma_wait3A_75] : memref<50048x32xf32, #tpu.memory_space<hbm>> -> memref<50048x32xf32, #tpu.memory_space<hbm>>
      tpu.wait_indirect_dma semaphore(%arg15 : memref<!tpu.dma_semaphore, #tpu.memory_space<semaphore_mem>>) src(%dma_wait3A_76 : memref<50048x32xf32, #tpu.memory_space<hbm>>) dst(%arg13 : memref<128x32xf32, #tpu.memory_space<vmem>>)
      "tpu.region"() ({
        %run_scoped3A_78 = tpu.sem_alloc : memref<!tpu.dma_semaphore, #tpu.memory_space<semaphore_mem>>
        %dma_start3A_79 = arith.constant 0 : i32
        %dma_start3A_80 = arith.constant 0 : i32
        %dma_start3A_81 = tpu.memref_slice %arg14[%dma_start3A_79, %dma_start3A_80] : memref<50048x32xf32, #tpu.memory_space<vmem_shared>> -> memref<50048x32xf32, #tpu.memory_space<vmem_shared>>
        tpu.enqueue_indirect_dma source(%arg13 : memref<128x32xf32, #tpu.memory_space<vmem>>) target(%dma_start3A_81 : memref<50048x32xf32, #tpu.memory_space<vmem_shared>>) offsets(%arg12 : memref<128xi32, #tpu.memory_space<vmem>>) semaphore(%run_scoped3A_78 : memref<!tpu.dma_semaphore, #tpu.memory_space<semaphore_mem>>) {add = true}
        %dma_wait3A_82 = arith.constant 0 : i32
        %dma_wait3A_83 = arith.constant 0 : i32
        %dma_wait3A_84 = tpu.memref_slice %arg14[%dma_wait3A_82, %dma_wait3A_83] : memref<50048x32xf32, #tpu.memory_space<vmem_shared>> -> memref<50048x32xf32, #tpu.memory_space<vmem_shared>>
        tpu.wait_indirect_dma semaphore(%run_scoped3A_78 : memref<!tpu.dma_semaphore, #tpu.memory_space<semaphore_mem>>) src(%arg13 : memref<128x32xf32, #tpu.memory_space<vmem>>) dst(%dma_wait3A_84 : memref<50048x32xf32, #tpu.memory_space<vmem_shared>>)
        tpu.yield
      }) : () -> ()
      %scan3A_77 = arith.constant 0 : i32
      scf.yield %scan3A_77 : i32
    }
    %scan3A_60 = arith.constant 196 : i32
    %barrier3A_61 = arith.constant 0 : index
    tpu.barrier barrier_id(%barrier3A_61)
    %mul3A_62 = arith.constant 3128 : i32
    %mul3A_63 = arith.muli %arg1, %mul3A_62 : i32
    %mul3A_64 = arith.constant 3128 : i32
    %mul3A_65 = arith.muli %arg1, %mul3A_64 : i32
    %run_scoped3A_66 = arith.constant 3 : i32
    "tpu.region"() ({
      %run_scoped3A_68 = tpu.sem_alloc : memref<!tpu.dma_semaphore, #tpu.memory_space<semaphore_mem>>
      %dma_start3A = arith.constant 0 : i32
      %dma_start3A_69 = tpu.memref_slice %arg10[%arg0, %run_scoped3A_66, %mul3A_65, %dma_start3A] : memref<2x4x50048x32xf32, #tpu.memory_space<hbm>> -> memref<1x1x3128x32xf32, #tpu.memory_space<hbm>>
      %dma_start3A_70 = tpu.memref_squeeze %dma_start3A_69 : memref<1x1x3128x32xf32, #tpu.memory_space<hbm>> -> memref<3128x32xf32, #tpu.memory_space<hbm>>
      %dma_start3A_71 = arith.constant 0 : i32
      %dma_start3A_72 = tpu.memref_slice %arg14[%mul3A_63, %dma_start3A_71] : memref<50048x32xf32, #tpu.memory_space<vmem_shared>> -> memref<3128x32xf32, #tpu.memory_space<vmem_shared>>
      tpu.enqueue_dma source(%dma_start3A_72 : memref<3128x32xf32, #tpu.memory_space<vmem_shared>>) target(%dma_start3A_70 : memref<3128x32xf32, #tpu.memory_space<hbm>>) target_semaphore(%run_scoped3A_68 : memref<!tpu.dma_semaphore, #tpu.memory_space<semaphore_mem>>)
      %dma_wait3A = arith.constant 0 : i32
      %dma_wait3A_73 = tpu.memref_slice %arg10[%arg0, %run_scoped3A_66, %mul3A_65, %dma_wait3A] : memref<2x4x50048x32xf32, #tpu.memory_space<hbm>> -> memref<1x1x3128x32xf32, #tpu.memory_space<hbm>>
      %dma_wait3A_74 = tpu.memref_squeeze %dma_wait3A_73 : memref<1x1x3128x32xf32, #tpu.memory_space<hbm>> -> memref<3128x32xf32, #tpu.memory_space<hbm>>
      %dma_wait3A_75 = arith.constant 0 : i32
      %dma_wait3A_76 = tpu.memref_slice %arg14[%mul3A_63, %dma_wait3A_75] : memref<50048x32xf32, #tpu.memory_space<vmem_shared>> -> memref<3128x32xf32, #tpu.memory_space<vmem_shared>>
      tpu.wait_dma2 semaphore(%run_scoped3A_68 : memref<!tpu.dma_semaphore, #tpu.memory_space<semaphore_mem>>) src(%dma_wait3A_76 : memref<3128x32xf32, #tpu.memory_space<vmem_shared>>) dst(%dma_wait3A_74 : memref<3128x32xf32, #tpu.memory_space<hbm>>)
      tpu.yield
    }) : () -> ()
    %barrier3A_67 = arith.constant 0 : index
    tpu.barrier barrier_id(%barrier3A_67)
    return
  }
}

#map = affine_map<(d0, d1) -> (0)>
#map1 = affine_map<(d0, d1) -> (0, 0)>
#map2 = affine_map<(d0, d1) -> (0, 0, 0, 0)>
module attributes {stable_mosaic.version = 14 : i64} {
  func.func @sc_kernel(%arg0: i32, %arg1: i32, %arg2: memref<802816xi32, #tpu.memory_space<hbm>>, %arg3: memref<802816xi32, #tpu.memory_space<hbm>>, %arg4: memref<3128x32xf32, #tpu.memory_space<hbm>>, %arg5: memref<128x32xf32, #tpu.memory_space<hbm>>, %arg6: memref<50048x32xf32, #tpu.memory_space<hbm>>, %arg7: memref<50048x32xf32, #tpu.memory_space<hbm>>, %arg8: memref<50048x32xf32, #tpu.memory_space<hbm>>, %arg9: memref<50048x32xf32, #tpu.memory_space<hbm>>, %arg10: memref<2x4x50048x32xf32, #tpu.memory_space<hbm>>, %arg11: memref<128xi32, #tpu.memory_space<vmem>>, %arg12: memref<128xi32, #tpu.memory_space<vmem>>, %arg13: memref<128x32xf32, #tpu.memory_space<vmem>>, %arg14: memref<50048x32xf32, #tpu.memory_space<vmem_shared>>, %arg15: memref<!tpu.dma_semaphore, #tpu.memory_space<semaphore_mem>>) attributes {dimension_semantics = [#tpu.dimension_semantics<core_parallel>, #tpu.dimension_semantics<subcore_parallel>], iteration_bounds = array<i64: 2, 16>, scalar_prefetch = 0 : i64, scratch_operands = 5 : i64, tpu.core_type = #tpu.core_type<sc_vector_subcore>, window_params = [{transform_indices = #map}, {transform_indices = #map}, {transform_indices = #map1}, {transform_indices = #map1}, {transform_indices = #map1}, {transform_indices = #map1}, {transform_indices = #map1}, {transform_indices = #map1}, {transform_indices = #map2}]} {
    %mul3A = arith.constant 2 : i32
    %mul3A_0 = arith.muli %arg1, %mul3A : i32
    %add3A = arith.addi %mul3A_0, %arg0 : i32
    %mul3A_1 = arith.constant 25088 : i32
    %mul3A_2 = arith.muli %add3A, %mul3A_1 : i32
    %mul3A_3 = arith.constant 3128 : i32
    %mul3A_4 = arith.muli %arg1, %mul3A_3 : i32
    "tpu.region"() ({
      %run_scoped3A_68 = tpu.sem_alloc : memref<!tpu.dma_semaphore, #tpu.memory_space<semaphore_mem>>
      %dma_start3A = arith.constant 0 : i32
      %dma_start3A_69 = tpu.memref_slice %arg14[%mul3A_4, %dma_start3A] : memref<50048x32xf32, #tpu.memory_space<vmem_shared>> -> memref<3128x32xf32, #tpu.memory_space<vmem_shared>>
      tpu.enqueue_dma source(%arg4 : memref<3128x32xf32, #tpu.memory_space<hbm>>) target(%dma_start3A_69 : memref<3128x32xf32, #tpu.memory_space<vmem_shared>>) target_semaphore(%run_scoped3A_68 : memref<!tpu.dma_semaphore, #tpu.memory_space<semaphore_mem>>)
      %dma_wait3A = arith.constant 0 : i32
      %dma_wait3A_70 = tpu.memref_slice %arg14[%mul3A_4, %dma_wait3A] : memref<50048x32xf32, #tpu.memory_space<vmem_shared>> -> memref<3128x32xf32, #tpu.memory_space<vmem_shared>>
      tpu.wait_dma2 semaphore(%run_scoped3A_68 : memref<!tpu.dma_semaphore, #tpu.memory_space<semaphore_mem>>) src(%arg4 : memref<3128x32xf32, #tpu.memory_space<hbm>>) dst(%dma_wait3A_70 : memref<3128x32xf32, #tpu.memory_space<vmem_shared>>)
      tpu.yield
    }) : () -> ()
    %barrier3A = arith.constant 0 : index
    tpu.barrier barrier_id(%barrier3A)
    %scan3A = arith.constant 0 : i32
    %scan3A_5 = arith.constant 0 : i32
    %scan3A_6 = arith.constant 196 : i32
    %scan3A_7 = arith.addi %scan3A_5, %scan3A_6 : i32
    %scan3A_8 = arith.constant 1 : i32
    %scan3A_9 = scf.for %scan3A_68 = %scan3A_5 to %scan3A_7 step %scan3A_8 iter_args(%scan3A_69 = %scan3A) -> (i32)  : i32 {
      %mul3A_70 = arith.constant 128 : i32
      %mul3A_71 = arith.muli %scan3A_68, %mul3A_70 : i32
      %add3A_72 = arith.addi %mul3A_2, %mul3A_71 : i32
      "tpu.region"() ({
        %run_scoped3A_78 = tpu.sem_alloc : memref<!tpu.dma_semaphore, #tpu.memory_space<semaphore_mem>>
        %dma_start3A_79 = tpu.memref_slice %arg3[%add3A_72] : memref<802816xi32, #tpu.memory_space<hbm>> -> memref<128xi32, #tpu.memory_space<hbm>>
        %dma_start3A_80 = tpu.memref_slice %arg3[%add3A_72] : memref<802816xi32, #tpu.memory_space<hbm>> -> memref<128xi32, #tpu.memory_space<hbm>>
        tpu.enqueue_dma source(%dma_start3A_80 : memref<128xi32, #tpu.memory_space<hbm>>) target(%arg12 : memref<128xi32, #tpu.memory_space<vmem>>) target_semaphore(%run_scoped3A_78 : memref<!tpu.dma_semaphore, #tpu.memory_space<semaphore_mem>>)
        %dma_wait3A_81 = tpu.memref_slice %arg3[%add3A_72] : memref<802816xi32, #tpu.memory_space<hbm>> -> memref<128xi32, #tpu.memory_space<hbm>>
        %dma_wait3A_82 = tpu.memref_slice %arg3[%add3A_72] : memref<802816xi32, #tpu.memory_space<hbm>> -> memref<128xi32, #tpu.memory_space<hbm>>
        tpu.wait_dma2 semaphore(%run_scoped3A_78 : memref<!tpu.dma_semaphore, #tpu.memory_space<semaphore_mem>>) src(%dma_wait3A_82 : memref<128xi32, #tpu.memory_space<hbm>>) dst(%arg12 : memref<128xi32, #tpu.memory_space<vmem>>)
        tpu.yield
      }) : () -> ()
      "tpu.region"() ({
        %run_scoped3A_78 = tpu.sem_alloc : memref<!tpu.dma_semaphore, #tpu.memory_space<semaphore_mem>>
        %dma_start3A_79 = tpu.memref_slice %arg2[%add3A_72] : memref<802816xi32, #tpu.memory_space<hbm>> -> memref<128xi32, #tpu.memory_space<hbm>>
        %dma_start3A_80 = tpu.memref_slice %arg2[%add3A_72] : memref<802816xi32, #tpu.memory_space<hbm>> -> memref<128xi32, #tpu.memory_space<hbm>>
        tpu.enqueue_dma source(%dma_start3A_80 : memref<128xi32, #tpu.memory_space<hbm>>) target(%arg11 : memref<128xi32, #tpu.memory_space<vmem>>) target_semaphore(%run_scoped3A_78 : memref<!tpu.dma_semaphore, #tpu.memory_space<semaphore_mem>>)
        %dma_wait3A_81 = tpu.memref_slice %arg2[%add3A_72] : memref<802816xi32, #tpu.memory_space<hbm>> -> memref<128xi32, #tpu.memory_space<hbm>>
        %dma_wait3A_82 = tpu.memref_slice %arg2[%add3A_72] : memref<802816xi32, #tpu.memory_space<hbm>> -> memref<128xi32, #tpu.memory_space<hbm>>
        tpu.wait_dma2 semaphore(%run_scoped3A_78 : memref<!tpu.dma_semaphore, #tpu.memory_space<semaphore_mem>>) src(%dma_wait3A_82 : memref<128xi32, #tpu.memory_space<hbm>>) dst(%arg11 : memref<128xi32, #tpu.memory_space<vmem>>)
        tpu.yield
      }) : () -> ()
      %dma_start3A = arith.constant 0 : i32
      %dma_start3A_73 = arith.constant 0 : i32
      %dma_start3A_74 = tpu.memref_slice %arg6[%dma_start3A, %dma_start3A_73] : memref<50048x32xf32, #tpu.memory_space<hbm>> -> memref<50048x32xf32, #tpu.memory_space<hbm>>
      tpu.enqueue_indirect_dma source(%dma_start3A_74 : memref<50048x32xf32, #tpu.memory_space<hbm>>) target(%arg13 : memref<128x32xf32, #tpu.memory_space<vmem>>) offsets(%arg11 : memref<128xi32, #tpu.memory_space<vmem>>) semaphore(%arg15 : memref<!tpu.dma_semaphore, #tpu.memory_space<semaphore_mem>>)
      %dma_wait3A = arith.constant 0 : i32
      %dma_wait3A_75 = arith.constant 0 : i32
      %dma_wait3A_76 = tpu.memref_slice %arg6[%dma_wait3A, %dma_wait3A_75] : memref<50048x32xf32, #tpu.memory_space<hbm>> -> memref<50048x32xf32, #tpu.memory_space<hbm>>
      tpu.wait_indirect_dma semaphore(%arg15 : memref<!tpu.dma_semaphore, #tpu.memory_space<semaphore_mem>>) src(%dma_wait3A_76 : memref<50048x32xf32, #tpu.memory_space<hbm>>) dst(%arg13 : memref<128x32xf32, #tpu.memory_space<vmem>>)
      "tpu.region"() ({
        %run_scoped3A_78 = tpu.sem_alloc : memref<!tpu.dma_semaphore, #tpu.memory_space<semaphore_mem>>
        %dma_start3A_79 = arith.constant 0 : i32
        %dma_start3A_80 = arith.constant 0 : i32
        %dma_start3A_81 = tpu.memref_slice %arg14[%dma_start3A_79, %dma_start3A_80] : memref<50048x32xf32, #tpu.memory_space<vmem_shared>> -> memref<50048x32xf32, #tpu.memory_space<vmem_shared>>
        tpu.enqueue_indirect_dma source(%arg13 : memref<128x32xf32, #tpu.memory_space<vmem>>) target(%dma_start3A_81 : memref<50048x32xf32, #tpu.memory_space<vmem_shared>>) offsets(%arg12 : memref<128xi32, #tpu.memory_space<vmem>>) semaphore(%run_scoped3A_78 : memref<!tpu.dma_semaphore, #tpu.memory_space<semaphore_mem>>) {add = true}
        %dma_wait3A_82 = arith.constant 0 : i32
        %dma_wait3A_83 = arith.constant 0 : i32
        %dma_wait3A_84 = tpu.memref_slice %arg14[%dma_wait3A_82, %dma_wait3A_83] : memref<50048x32xf32, #tpu.memory_space<vmem_shared>> -> memref<50048x32xf32, #tpu.memory_space<vmem_shared>>
        tpu.wait_indirect_dma semaphore(%run_scoped3A_78 : memref<!tpu.dma_semaphore, #tpu.memory_space<semaphore_mem>>) src(%arg13 : memref<128x32xf32, #tpu.memory_space<vmem>>) dst(%dma_wait3A_84 : memref<50048x32xf32, #tpu.memory_space<vmem_shared>>)
        tpu.yield
      }) : () -> ()
      %scan3A_77 = arith.constant 0 : i32
      scf.yield %scan3A_77 : i32
    }
    %scan3A_10 = arith.constant 196 : i32
    %barrier3A_11 = arith.constant 0 : index
    tpu.barrier barrier_id(%barrier3A_11)
    %mul3A_12 = arith.constant 3128 : i32
    %mul3A_13 = arith.muli %arg1, %mul3A_12 : i32
    %mul3A_14 = arith.constant 3128 : i32
    %mul3A_15 = arith.muli %arg1, %mul3A_14 : i32
    %run_scoped3A = arith.constant 0 : i32
    "tpu.region"() ({
      %run_scoped3A_68 = tpu.sem_alloc : memref<!tpu.dma_semaphore, #tpu.memory_space<semaphore_mem>>
      %dma_start3A = arith.constant 0 : i32
      %dma_start3A_69 = tpu.memref_slice %arg10[%arg0, %run_scoped3A, %mul3A_15, %dma_start3A] : memref<2x4x50048x32xf32, #tpu.memory_space<hbm>> -> memref<1x1x3128x32xf32, #tpu.memory_space<hbm>>
      %dma_start3A_70 = tpu.memref_squeeze %dma_start3A_69 : memref<1x1x3128x32xf32, #tpu.memory_space<hbm>> -> memref<3128x32xf32, #tpu.memory_space<hbm>>
      %dma_start3A_71 = arith.constant 0 : i32
      %dma_start3A_72 = tpu.memref_slice %arg14[%mul3A_13, %dma_start3A_71] : memref<50048x32xf32, #tpu.memory_space<vmem_shared>> -> memref<3128x32xf32, #tpu.memory_space<vmem_shared>>
      tpu.enqueue_dma source(%dma_start3A_72 : memref<3128x32xf32, #tpu.memory_space<vmem_shared>>) target(%dma_start3A_70 : memref<3128x32xf32, #tpu.memory_space<hbm>>) target_semaphore(%run_scoped3A_68 : memref<!tpu.dma_semaphore, #tpu.memory_space<semaphore_mem>>)
      %dma_wait3A = arith.constant 0 : i32
      %dma_wait3A_73 = tpu.memref_slice %arg10[%arg0, %run_scoped3A, %mul3A_15, %dma_wait3A] : memref<2x4x50048x32xf32, #tpu.memory_space<hbm>> -> memref<1x1x3128x32xf32, #tpu.memory_space<hbm>>
      %dma_wait3A_74 = tpu.memref_squeeze %dma_wait3A_73 : memref<1x1x3128x32xf32, #tpu.memory_space<hbm>> -> memref<3128x32xf32, #tpu.memory_space<hbm>>
      %dma_wait3A_75 = arith.constant 0 : i32
      %dma_wait3A_76 = tpu.memref_slice %arg14[%mul3A_13, %dma_wait3A_75] : memref<50048x32xf32, #tpu.memory_space<vmem_shared>> -> memref<3128x32xf32, #tpu.memory_space<vmem_shared>>
      tpu.wait_dma2 semaphore(%run_scoped3A_68 : memref<!tpu.dma_semaphore, #tpu.memory_space<semaphore_mem>>) src(%dma_wait3A_76 : memref<3128x32xf32, #tpu.memory_space<vmem_shared>>) dst(%dma_wait3A_74 : memref<3128x32xf32, #tpu.memory_space<hbm>>)
      tpu.yield
    }) : () -> ()
    %barrier3A_16 = arith.constant 0 : index
    tpu.barrier barrier_id(%barrier3A_16)
    %mul3A_17 = arith.constant 3128 : i32
    %mul3A_18 = arith.muli %arg1, %mul3A_17 : i32
    "tpu.region"() ({
      %run_scoped3A_68 = tpu.sem_alloc : memref<!tpu.dma_semaphore, #tpu.memory_space<semaphore_mem>>
      %dma_start3A = arith.constant 0 : i32
      %dma_start3A_69 = tpu.memref_slice %arg14[%mul3A_18, %dma_start3A] : memref<50048x32xf32, #tpu.memory_space<vmem_shared>> -> memref<3128x32xf32, #tpu.memory_space<vmem_shared>>
      tpu.enqueue_dma source(%arg4 : memref<3128x32xf32, #tpu.memory_space<hbm>>) target(%dma_start3A_69 : memref<3128x32xf32, #tpu.memory_space<vmem_shared>>) target_semaphore(%run_scoped3A_68 : memref<!tpu.dma_semaphore, #tpu.memory_space<semaphore_mem>>)
      %dma_wait3A = arith.constant 0 : i32
      %dma_wait3A_70 = tpu.memref_slice %arg14[%mul3A_18, %dma_wait3A] : memref<50048x32xf32, #tpu.memory_space<vmem_shared>> -> memref<3128x32xf32, #tpu.memory_space<vmem_shared>>
      tpu.wait_dma2 semaphore(%run_scoped3A_68 : memref<!tpu.dma_semaphore, #tpu.memory_space<semaphore_mem>>) src(%arg4 : memref<3128x32xf32, #tpu.memory_space<hbm>>) dst(%dma_wait3A_70 : memref<3128x32xf32, #tpu.memory_space<vmem_shared>>)
      tpu.yield
    }) : () -> ()
    %barrier3A_19 = arith.constant 0 : index
    tpu.barrier barrier_id(%barrier3A_19)
    %scan3A_20 = arith.constant 0 : i32
    %scan3A_21 = arith.constant 0 : i32
    %scan3A_22 = arith.constant 196 : i32
    %scan3A_23 = arith.addi %scan3A_21, %scan3A_22 : i32
    %scan3A_24 = arith.constant 1 : i32
    %scan3A_25 = scf.for %scan3A_68 = %scan3A_21 to %scan3A_23 step %scan3A_24 iter_args(%scan3A_69 = %scan3A_20) -> (i32)  : i32 {
      %mul3A_70 = arith.constant 128 : i32
      %mul3A_71 = arith.muli %scan3A_68, %mul3A_70 : i32
      %add3A_72 = arith.addi %mul3A_2, %mul3A_71 : i32
      "tpu.region"() ({
        %run_scoped3A_78 = tpu.sem_alloc : memref<!tpu.dma_semaphore, #tpu.memory_space<semaphore_mem>>
        %dma_start3A_79 = tpu.memref_slice %arg3[%add3A_72] : memref<802816xi32, #tpu.memory_space<hbm>> -> memref<128xi32, #tpu.memory_space<hbm>>
        %dma_start3A_80 = tpu.memref_slice %arg3[%add3A_72] : memref<802816xi32, #tpu.memory_space<hbm>> -> memref<128xi32, #tpu.memory_space<hbm>>
        tpu.enqueue_dma source(%dma_start3A_80 : memref<128xi32, #tpu.memory_space<hbm>>) target(%arg12 : memref<128xi32, #tpu.memory_space<vmem>>) target_semaphore(%run_scoped3A_78 : memref<!tpu.dma_semaphore, #tpu.memory_space<semaphore_mem>>)
        %dma_wait3A_81 = tpu.memref_slice %arg3[%add3A_72] : memref<802816xi32, #tpu.memory_space<hbm>> -> memref<128xi32, #tpu.memory_space<hbm>>
        %dma_wait3A_82 = tpu.memref_slice %arg3[%add3A_72] : memref<802816xi32, #tpu.memory_space<hbm>> -> memref<128xi32, #tpu.memory_space<hbm>>
        tpu.wait_dma2 semaphore(%run_scoped3A_78 : memref<!tpu.dma_semaphore, #tpu.memory_space<semaphore_mem>>) src(%dma_wait3A_82 : memref<128xi32, #tpu.memory_space<hbm>>) dst(%arg12 : memref<128xi32, #tpu.memory_space<vmem>>)
        tpu.yield
      }) : () -> ()
      "tpu.region"() ({
        %run_scoped3A_78 = tpu.sem_alloc : memref<!tpu.dma_semaphore, #tpu.memory_space<semaphore_mem>>
        %dma_start3A_79 = tpu.memref_slice %arg2[%add3A_72] : memref<802816xi32, #tpu.memory_space<hbm>> -> memref<128xi32, #tpu.memory_space<hbm>>
        %dma_start3A_80 = tpu.memref_slice %arg2[%add3A_72] : memref<802816xi32, #tpu.memory_space<hbm>> -> memref<128xi32, #tpu.memory_space<hbm>>
        tpu.enqueue_dma source(%dma_start3A_80 : memref<128xi32, #tpu.memory_space<hbm>>) target(%arg11 : memref<128xi32, #tpu.memory_space<vmem>>) target_semaphore(%run_scoped3A_78 : memref<!tpu.dma_semaphore, #tpu.memory_space<semaphore_mem>>)
        %dma_wait3A_81 = tpu.memref_slice %arg2[%add3A_72] : memref<802816xi32, #tpu.memory_space<hbm>> -> memref<128xi32, #tpu.memory_space<hbm>>
        %dma_wait3A_82 = tpu.memref_slice %arg2[%add3A_72] : memref<802816xi32, #tpu.memory_space<hbm>> -> memref<128xi32, #tpu.memory_space<hbm>>
        tpu.wait_dma2 semaphore(%run_scoped3A_78 : memref<!tpu.dma_semaphore, #tpu.memory_space<semaphore_mem>>) src(%dma_wait3A_82 : memref<128xi32, #tpu.memory_space<hbm>>) dst(%arg11 : memref<128xi32, #tpu.memory_space<vmem>>)
        tpu.yield
      }) : () -> ()
      %dma_start3A = arith.constant 0 : i32
      %dma_start3A_73 = arith.constant 0 : i32
      %dma_start3A_74 = tpu.memref_slice %arg7[%dma_start3A, %dma_start3A_73] : memref<50048x32xf32, #tpu.memory_space<hbm>> -> memref<50048x32xf32, #tpu.memory_space<hbm>>
      tpu.enqueue_indirect_dma source(%dma_start3A_74 : memref<50048x32xf32, #tpu.memory_space<hbm>>) target(%arg13 : memref<128x32xf32, #tpu.memory_space<vmem>>) offsets(%arg11 : memref<128xi32, #tpu.memory_space<vmem>>) semaphore(%arg15 : memref<!tpu.dma_semaphore, #tpu.memory_space<semaphore_mem>>)
      %dma_wait3A = arith.constant 0 : i32
      %dma_wait3A_75 = arith.constant 0 : i32
      %dma_wait3A_76 = tpu.memref_slice %arg7[%dma_wait3A, %dma_wait3A_75] : memref<50048x32xf32, #tpu.memory_space<hbm>> -> memref<50048x32xf32, #tpu.memory_space<hbm>>
      tpu.wait_indirect_dma semaphore(%arg15 : memref<!tpu.dma_semaphore, #tpu.memory_space<semaphore_mem>>) src(%dma_wait3A_76 : memref<50048x32xf32, #tpu.memory_space<hbm>>) dst(%arg13 : memref<128x32xf32, #tpu.memory_space<vmem>>)
      "tpu.region"() ({
        %run_scoped3A_78 = tpu.sem_alloc : memref<!tpu.dma_semaphore, #tpu.memory_space<semaphore_mem>>
        %dma_start3A_79 = arith.constant 0 : i32
        %dma_start3A_80 = arith.constant 0 : i32
        %dma_start3A_81 = tpu.memref_slice %arg14[%dma_start3A_79, %dma_start3A_80] : memref<50048x32xf32, #tpu.memory_space<vmem_shared>> -> memref<50048x32xf32, #tpu.memory_space<vmem_shared>>
        tpu.enqueue_indirect_dma source(%arg13 : memref<128x32xf32, #tpu.memory_space<vmem>>) target(%dma_start3A_81 : memref<50048x32xf32, #tpu.memory_space<vmem_shared>>) offsets(%arg12 : memref<128xi32, #tpu.memory_space<vmem>>) semaphore(%run_scoped3A_78 : memref<!tpu.dma_semaphore, #tpu.memory_space<semaphore_mem>>) {add = true}
        %dma_wait3A_82 = arith.constant 0 : i32
        %dma_wait3A_83 = arith.constant 0 : i32
        %dma_wait3A_84 = tpu.memref_slice %arg14[%dma_wait3A_82, %dma_wait3A_83] : memref<50048x32xf32, #tpu.memory_space<vmem_shared>> -> memref<50048x32xf32, #tpu.memory_space<vmem_shared>>
        tpu.wait_indirect_dma semaphore(%run_scoped3A_78 : memref<!tpu.dma_semaphore, #tpu.memory_space<semaphore_mem>>) src(%arg13 : memref<128x32xf32, #tpu.memory_space<vmem>>) dst(%dma_wait3A_84 : memref<50048x32xf32, #tpu.memory_space<vmem_shared>>)
        tpu.yield
      }) : () -> ()
      %scan3A_77 = arith.constant 0 : i32
      scf.yield %scan3A_77 : i32
    }
    %scan3A_26 = arith.constant 196 : i32
    %barrier3A_27 = arith.constant 0 : index
    tpu.barrier barrier_id(%barrier3A_27)
    %mul3A_28 = arith.constant 3128 : i32
    %mul3A_29 = arith.muli %arg1, %mul3A_28 : i32
    %mul3A_30 = arith.constant 3128 : i32
    %mul3A_31 = arith.muli %arg1, %mul3A_30 : i32
    %run_scoped3A_32 = arith.constant 1 : i32
    "tpu.region"() ({
      %run_scoped3A_68 = tpu.sem_alloc : memref<!tpu.dma_semaphore, #tpu.memory_space<semaphore_mem>>
      %dma_start3A = arith.constant 0 : i32
      %dma_start3A_69 = tpu.memref_slice %arg10[%arg0, %run_scoped3A_32, %mul3A_31, %dma_start3A] : memref<2x4x50048x32xf32, #tpu.memory_space<hbm>> -> memref<1x1x3128x32xf32, #tpu.memory_space<hbm>>
      %dma_start3A_70 = tpu.memref_squeeze %dma_start3A_69 : memref<1x1x3128x32xf32, #tpu.memory_space<hbm>> -> memref<3128x32xf32, #tpu.memory_space<hbm>>
      %dma_start3A_71 = arith.constant 0 : i32
      %dma_start3A_72 = tpu.memref_slice %arg14[%mul3A_29, %dma_start3A_71] : memref<50048x32xf32, #tpu.memory_space<vmem_shared>> -> memref<3128x32xf32, #tpu.memory_space<vmem_shared>>
      tpu.enqueue_dma source(%dma_start3A_72 : memref<3128x32xf32, #tpu.memory_space<vmem_shared>>) target(%dma_start3A_70 : memref<3128x32xf32, #tpu.memory_space<hbm>>) target_semaphore(%run_scoped3A_68 : memref<!tpu.dma_semaphore, #tpu.memory_space<semaphore_mem>>)
      %dma_wait3A = arith.constant 0 : i32
      %dma_wait3A_73 = tpu.memref_slice %arg10[%arg0, %run_scoped3A_32, %mul3A_31, %dma_wait3A] : memref<2x4x50048x32xf32, #tpu.memory_space<hbm>> -> memref<1x1x3128x32xf32, #tpu.memory_space<hbm>>
      %dma_wait3A_74 = tpu.memref_squeeze %dma_wait3A_73 : memref<1x1x3128x32xf32, #tpu.memory_space<hbm>> -> memref<3128x32xf32, #tpu.memory_space<hbm>>
      %dma_wait3A_75 = arith.constant 0 : i32
      %dma_wait3A_76 = tpu.memref_slice %arg14[%mul3A_29, %dma_wait3A_75] : memref<50048x32xf32, #tpu.memory_space<vmem_shared>> -> memref<3128x32xf32, #tpu.memory_space<vmem_shared>>
      tpu.wait_dma2 semaphore(%run_scoped3A_68 : memref<!tpu.dma_semaphore, #tpu.memory_space<semaphore_mem>>) src(%dma_wait3A_76 : memref<3128x32xf32, #tpu.memory_space<vmem_shared>>) dst(%dma_wait3A_74 : memref<3128x32xf32, #tpu.memory_space<hbm>>)
      tpu.yield
    }) : () -> ()
    %barrier3A_33 = arith.constant 0 : index
    tpu.barrier barrier_id(%barrier3A_33)
    %mul3A_34 = arith.constant 3128 : i32
    %mul3A_35 = arith.muli %arg1, %mul3A_34 : i32
    "tpu.region"() ({
      %run_scoped3A_68 = tpu.sem_alloc : memref<!tpu.dma_semaphore, #tpu.memory_space<semaphore_mem>>
      %dma_start3A = arith.constant 0 : i32
      %dma_start3A_69 = tpu.memref_slice %arg14[%mul3A_35, %dma_start3A] : memref<50048x32xf32, #tpu.memory_space<vmem_shared>> -> memref<3128x32xf32, #tpu.memory_space<vmem_shared>>
      tpu.enqueue_dma source(%arg4 : memref<3128x32xf32, #tpu.memory_space<hbm>>) target(%dma_start3A_69 : memref<3128x32xf32, #tpu.memory_space<vmem_shared>>) target_semaphore(%run_scoped3A_68 : memref<!tpu.dma_semaphore, #tpu.memory_space<semaphore_mem>>)
      %dma_wait3A = arith.constant 0 : i32
      %dma_wait3A_70 = tpu.memref_slice %arg14[%mul3A_35, %dma_wait3A] : memref<50048x32xf32, #tpu.memory_space<vmem_shared>> -> memref<3128x32xf32, #tpu.memory_space<vmem_shared>>
      tpu.wait_dma2 semaphore(%run_scoped3A_68 : memref<!tpu.dma_semaphore, #tpu.memory_space<semaphore_mem>>) src(%arg4 : memref<3128x32xf32, #tpu.memory_space<hbm>>) dst(%dma_wait3A_70 : memref<3128x32xf32, #tpu.memory_space<vmem_shared>>)
      tpu.yield
    }) : () -> ()
    %barrier3A_36 = arith.constant 0 : index
    tpu.barrier barrier_id(%barrier3A_36)
    %scan3A_37 = arith.constant 0 : i32
    %scan3A_38 = arith.constant 0 : i32
    %scan3A_39 = arith.constant 196 : i32
    %scan3A_40 = arith.addi %scan3A_38, %scan3A_39 : i32
    %scan3A_41 = arith.constant 1 : i32
    %scan3A_42 = scf.for %scan3A_68 = %scan3A_38 to %scan3A_40 step %scan3A_41 iter_args(%scan3A_69 = %scan3A_37) -> (i32)  : i32 {
      %mul3A_70 = arith.constant 128 : i32
      %mul3A_71 = arith.muli %scan3A_68, %mul3A_70 : i32
      %add3A_72 = arith.addi %mul3A_2, %mul3A_71 : i32
      "tpu.region"() ({
        %run_scoped3A_78 = tpu.sem_alloc : memref<!tpu.dma_semaphore, #tpu.memory_space<semaphore_mem>>
        %dma_start3A_79 = tpu.memref_slice %arg3[%add3A_72] : memref<802816xi32, #tpu.memory_space<hbm>> -> memref<128xi32, #tpu.memory_space<hbm>>
        %dma_start3A_80 = tpu.memref_slice %arg3[%add3A_72] : memref<802816xi32, #tpu.memory_space<hbm>> -> memref<128xi32, #tpu.memory_space<hbm>>
        tpu.enqueue_dma source(%dma_start3A_80 : memref<128xi32, #tpu.memory_space<hbm>>) target(%arg12 : memref<128xi32, #tpu.memory_space<vmem>>) target_semaphore(%run_scoped3A_78 : memref<!tpu.dma_semaphore, #tpu.memory_space<semaphore_mem>>)
        %dma_wait3A_81 = tpu.memref_slice %arg3[%add3A_72] : memref<802816xi32, #tpu.memory_space<hbm>> -> memref<128xi32, #tpu.memory_space<hbm>>
        %dma_wait3A_82 = tpu.memref_slice %arg3[%add3A_72] : memref<802816xi32, #tpu.memory_space<hbm>> -> memref<128xi32, #tpu.memory_space<hbm>>
        tpu.wait_dma2 semaphore(%run_scoped3A_78 : memref<!tpu.dma_semaphore, #tpu.memory_space<semaphore_mem>>) src(%dma_wait3A_82 : memref<128xi32, #tpu.memory_space<hbm>>) dst(%arg12 : memref<128xi32, #tpu.memory_space<vmem>>)
        tpu.yield
      }) : () -> ()
      "tpu.region"() ({
        %run_scoped3A_78 = tpu.sem_alloc : memref<!tpu.dma_semaphore, #tpu.memory_space<semaphore_mem>>
        %dma_start3A_79 = tpu.memref_slice %arg2[%add3A_72] : memref<802816xi32, #tpu.memory_space<hbm>> -> memref<128xi32, #tpu.memory_space<hbm>>
        %dma_start3A_80 = tpu.memref_slice %arg2[%add3A_72] : memref<802816xi32, #tpu.memory_space<hbm>> -> memref<128xi32, #tpu.memory_space<hbm>>
        tpu.enqueue_dma source(%dma_start3A_80 : memref<128xi32, #tpu.memory_space<hbm>>) target(%arg11 : memref<128xi32, #tpu.memory_space<vmem>>) target_semaphore(%run_scoped3A_78 : memref<!tpu.dma_semaphore, #tpu.memory_space<semaphore_mem>>)
        %dma_wait3A_81 = tpu.memref_slice %arg2[%add3A_72] : memref<802816xi32, #tpu.memory_space<hbm>> -> memref<128xi32, #tpu.memory_space<hbm>>
        %dma_wait3A_82 = tpu.memref_slice %arg2[%add3A_72] : memref<802816xi32, #tpu.memory_space<hbm>> -> memref<128xi32, #tpu.memory_space<hbm>>
        tpu.wait_dma2 semaphore(%run_scoped3A_78 : memref<!tpu.dma_semaphore, #tpu.memory_space<semaphore_mem>>) src(%dma_wait3A_82 : memref<128xi32, #tpu.memory_space<hbm>>) dst(%arg11 : memref<128xi32, #tpu.memory_space<vmem>>)
        tpu.yield
      }) : () -> ()
      %dma_start3A = arith.constant 0 : i32
      %dma_start3A_73 = arith.constant 0 : i32
      %dma_start3A_74 = tpu.memref_slice %arg8[%dma_start3A, %dma_start3A_73] : memref<50048x32xf32, #tpu.memory_space<hbm>> -> memref<50048x32xf32, #tpu.memory_space<hbm>>
      tpu.enqueue_indirect_dma source(%dma_start3A_74 : memref<50048x32xf32, #tpu.memory_space<hbm>>) target(%arg13 : memref<128x32xf32, #tpu.memory_space<vmem>>) offsets(%arg11 : memref<128xi32, #tpu.memory_space<vmem>>) semaphore(%arg15 : memref<!tpu.dma_semaphore, #tpu.memory_space<semaphore_mem>>)
      %dma_wait3A = arith.constant 0 : i32
      %dma_wait3A_75 = arith.constant 0 : i32
      %dma_wait3A_76 = tpu.memref_slice %arg8[%dma_wait3A, %dma_wait3A_75] : memref<50048x32xf32, #tpu.memory_space<hbm>> -> memref<50048x32xf32, #tpu.memory_space<hbm>>
      tpu.wait_indirect_dma semaphore(%arg15 : memref<!tpu.dma_semaphore, #tpu.memory_space<semaphore_mem>>) src(%dma_wait3A_76 : memref<50048x32xf32, #tpu.memory_space<hbm>>) dst(%arg13 : memref<128x32xf32, #tpu.memory_space<vmem>>)
      "tpu.region"() ({
        %run_scoped3A_78 = tpu.sem_alloc : memref<!tpu.dma_semaphore, #tpu.memory_space<semaphore_mem>>
        %dma_start3A_79 = arith.constant 0 : i32
        %dma_start3A_80 = arith.constant 0 : i32
        %dma_start3A_81 = tpu.memref_slice %arg14[%dma_start3A_79, %dma_start3A_80] : memref<50048x32xf32, #tpu.memory_space<vmem_shared>> -> memref<50048x32xf32, #tpu.memory_space<vmem_shared>>
        tpu.enqueue_indirect_dma source(%arg13 : memref<128x32xf32, #tpu.memory_space<vmem>>) target(%dma_start3A_81 : memref<50048x32xf32, #tpu.memory_space<vmem_shared>>) offsets(%arg12 : memref<128xi32, #tpu.memory_space<vmem>>) semaphore(%run_scoped3A_78 : memref<!tpu.dma_semaphore, #tpu.memory_space<semaphore_mem>>) {add = true}
        %dma_wait3A_82 = arith.constant 0 : i32
        %dma_wait3A_83 = arith.constant 0 : i32
        %dma_wait3A_84 = tpu.memref_slice %arg14[%dma_wait3A_82, %dma_wait3A_83] : memref<50048x32xf32, #tpu.memory_space<vmem_shared>> -> memref<50048x32xf32, #tpu.memory_space<vmem_shared>>
        tpu.wait_indirect_dma semaphore(%run_scoped3A_78 : memref<!tpu.dma_semaphore, #tpu.memory_space<semaphore_mem>>) src(%arg13 : memref<128x32xf32, #tpu.memory_space<vmem>>) dst(%dma_wait3A_84 : memref<50048x32xf32, #tpu.memory_space<vmem_shared>>)
        tpu.yield
      }) : () -> ()
      %scan3A_77 = arith.constant 0 : i32
      scf.yield %scan3A_77 : i32
    }
    %scan3A_43 = arith.constant 196 : i32
    %barrier3A_44 = arith.constant 0 : index
    tpu.barrier barrier_id(%barrier3A_44)
    %mul3A_45 = arith.constant 3128 : i32
    %mul3A_46 = arith.muli %arg1, %mul3A_45 : i32
    %mul3A_47 = arith.constant 3128 : i32
    %mul3A_48 = arith.muli %arg1, %mul3A_47 : i32
    %run_scoped3A_49 = arith.constant 2 : i32
    "tpu.region"() ({
      %run_scoped3A_68 = tpu.sem_alloc : memref<!tpu.dma_semaphore, #tpu.memory_space<semaphore_mem>>
      %dma_start3A = arith.constant 0 : i32
      %dma_start3A_69 = tpu.memref_slice %arg10[%arg0, %run_scoped3A_49, %mul3A_48, %dma_start3A] : memref<2x4x50048x32xf32, #tpu.memory_space<hbm>> -> memref<1x1x3128x32xf32, #tpu.memory_space<hbm>>
      %dma_start3A_70 = tpu.memref_squeeze %dma_start3A_69 : memref<1x1x3128x32xf32, #tpu.memory_space<hbm>> -> memref<3128x32xf32, #tpu.memory_space<hbm>>
      %dma_start3A_71 = arith.constant 0 : i32
      %dma_start3A_72 = tpu.memref_slice %arg14[%mul3A_46, %dma_start3A_71] : memref<50048x32xf32, #tpu.memory_space<vmem_shared>> -> memref<3128x32xf32, #tpu.memory_space<vmem_shared>>
      tpu.enqueue_dma source(%dma_start3A_72 : memref<3128x32xf32, #tpu.memory_space<vmem_shared>>) target(%dma_start3A_70 : memref<3128x32xf32, #tpu.memory_space<hbm>>) target_semaphore(%run_scoped3A_68 : memref<!tpu.dma_semaphore, #tpu.memory_space<semaphore_mem>>)
      %dma_wait3A = arith.constant 0 : i32
      %dma_wait3A_73 = tpu.memref_slice %arg10[%arg0, %run_scoped3A_49, %mul3A_48, %dma_wait3A] : memref<2x4x50048x32xf32, #tpu.memory_space<hbm>> -> memref<1x1x3128x32xf32, #tpu.memory_space<hbm>>
      %dma_wait3A_74 = tpu.memref_squeeze %dma_wait3A_73 : memref<1x1x3128x32xf32, #tpu.memory_space<hbm>> -> memref<3128x32xf32, #tpu.memory_space<hbm>>
      %dma_wait3A_75 = arith.constant 0 : i32
      %dma_wait3A_76 = tpu.memref_slice %arg14[%mul3A_46, %dma_wait3A_75] : memref<50048x32xf32, #tpu.memory_space<vmem_shared>> -> memref<3128x32xf32, #tpu.memory_space<vmem_shared>>
      tpu.wait_dma2 semaphore(%run_scoped3A_68 : memref<!tpu.dma_semaphore, #tpu.memory_space<semaphore_mem>>) src(%dma_wait3A_76 : memref<3128x32xf32, #tpu.memory_space<vmem_shared>>) dst(%dma_wait3A_74 : memref<3128x32xf32, #tpu.memory_space<hbm>>)
      tpu.yield
    }) : () -> ()
    %barrier3A_50 = arith.constant 0 : index
    tpu.barrier barrier_id(%barrier3A_50)
    %mul3A_51 = arith.constant 3128 : i32
    %mul3A_52 = arith.muli %arg1, %mul3A_51 : i32
    "tpu.region"() ({
      %run_scoped3A_68 = tpu.sem_alloc : memref<!tpu.dma_semaphore, #tpu.memory_space<semaphore_mem>>
      %dma_start3A = arith.constant 0 : i32
      %dma_start3A_69 = tpu.memref_slice %arg14[%mul3A_52, %dma_start3A] : memref<50048x32xf32, #tpu.memory_space<vmem_shared>> -> memref<3128x32xf32, #tpu.memory_space<vmem_shared>>
      tpu.enqueue_dma source(%arg4 : memref<3128x32xf32, #tpu.memory_space<hbm>>) target(%dma_start3A_69 : memref<3128x32xf32, #tpu.memory_space<vmem_shared>>) target_semaphore(%run_scoped3A_68 : memref<!tpu.dma_semaphore, #tpu.memory_space<semaphore_mem>>)
      %dma_wait3A = arith.constant 0 : i32
      %dma_wait3A_70 = tpu.memref_slice %arg14[%mul3A_52, %dma_wait3A] : memref<50048x32xf32, #tpu.memory_space<vmem_shared>> -> memref<3128x32xf32, #tpu.memory_space<vmem_shared>>
      tpu.wait_dma2 semaphore(%run_scoped3A_68 : memref<!tpu.dma_semaphore, #tpu.memory_space<semaphore_mem>>) src(%arg4 : memref<3128x32xf32, #tpu.memory_space<hbm>>) dst(%dma_wait3A_70 : memref<3128x32xf32, #tpu.memory_space<vmem_shared>>)
      tpu.yield
    }) : () -> ()
    %barrier3A_53 = arith.constant 0 : index
    tpu.barrier barrier_id(%barrier3A_53)
    %scan3A_54 = arith.constant 0 : i32
    %scan3A_55 = arith.constant 0 : i32
    %scan3A_56 = arith.constant 196 : i32
    %scan3A_57 = arith.addi %scan3A_55, %scan3A_56 : i32
    %scan3A_58 = arith.constant 1 : i32
    %scan3A_59 = scf.for %scan3A_68 = %scan3A_55 to %scan3A_57 step %scan3A_58 iter_args(%scan3A_69 = %scan3A_54) -> (i32)  : i32 {
      %mul3A_70 = arith.constant 128 : i32
      %mul3A_71 = arith.muli %scan3A_68, %mul3A_70 : i32
      %add3A_72 = arith.addi %mul3A_2, %mul3A_71 : i32
      "tpu.region"() ({
        %run_scoped3A_78 = tpu.sem_alloc : memref<!tpu.dma_semaphore, #tpu.memory_space<semaphore_mem>>
        %dma_start3A_79 = tpu.memref_slice %arg3[%add3A_72] : memref<802816xi32, #tpu.memory_space<hbm>> -> memref<128xi32, #tpu.memory_space<hbm>>
        %dma_start3A_80 = tpu.memref_slice %arg3[%add3A_72] : memref<802816xi32, #tpu.memory_space<hbm>> -> memref<128xi32, #tpu.memory_space<hbm>>
        tpu.enqueue_dma source(%dma_start3A_80 : memref<128xi32, #tpu.memory_space<hbm>>) target(%arg12 : memref<128xi32, #tpu.memory_space<vmem>>) target_semaphore(%run_scoped3A_78 : memref<!tpu.dma_semaphore, #tpu.memory_space<semaphore_mem>>)
        %dma_wait3A_81 = tpu.memref_slice %arg3[%add3A_72] : memref<802816xi32, #tpu.memory_space<hbm>> -> memref<128xi32, #tpu.memory_space<hbm>>
        %dma_wait3A_82 = tpu.memref_slice %arg3[%add3A_72] : memref<802816xi32, #tpu.memory_space<hbm>> -> memref<128xi32, #tpu.memory_space<hbm>>
        tpu.wait_dma2 semaphore(%run_scoped3A_78 : memref<!tpu.dma_semaphore, #tpu.memory_space<semaphore_mem>>) src(%dma_wait3A_82 : memref<128xi32, #tpu.memory_space<hbm>>) dst(%arg12 : memref<128xi32, #tpu.memory_space<vmem>>)
        tpu.yield
      }) : () -> ()
      "tpu.region"() ({
        %run_scoped3A_78 = tpu.sem_alloc : memref<!tpu.dma_semaphore, #tpu.memory_space<semaphore_mem>>
        %dma_start3A_79 = tpu.memref_slice %arg2[%add3A_72] : memref<802816xi32, #tpu.memory_space<hbm>> -> memref<128xi32, #tpu.memory_space<hbm>>
        %dma_start3A_80 = tpu.memref_slice %arg2[%add3A_72] : memref<802816xi32, #tpu.memory_space<hbm>> -> memref<128xi32, #tpu.memory_space<hbm>>
        tpu.enqueue_dma source(%dma_start3A_80 : memref<128xi32, #tpu.memory_space<hbm>>) target(%arg11 : memref<128xi32, #tpu.memory_space<vmem>>) target_semaphore(%run_scoped3A_78 : memref<!tpu.dma_semaphore, #tpu.memory_space<semaphore_mem>>)
        %dma_wait3A_81 = tpu.memref_slice %arg2[%add3A_72] : memref<802816xi32, #tpu.memory_space<hbm>> -> memref<128xi32, #tpu.memory_space<hbm>>
        %dma_wait3A_82 = tpu.memref_slice %arg2[%add3A_72] : memref<802816xi32, #tpu.memory_space<hbm>> -> memref<128xi32, #tpu.memory_space<hbm>>
        tpu.wait_dma2 semaphore(%run_scoped3A_78 : memref<!tpu.dma_semaphore, #tpu.memory_space<semaphore_mem>>) src(%dma_wait3A_82 : memref<128xi32, #tpu.memory_space<hbm>>) dst(%arg11 : memref<128xi32, #tpu.memory_space<vmem>>)
        tpu.yield
      }) : () -> ()
      %dma_start3A = arith.constant 0 : i32
      %dma_start3A_73 = arith.constant 0 : i32
      %dma_start3A_74 = tpu.memref_slice %arg9[%dma_start3A, %dma_start3A_73] : memref<50048x32xf32, #tpu.memory_space<hbm>> -> memref<50048x32xf32, #tpu.memory_space<hbm>>
      tpu.enqueue_indirect_dma source(%dma_start3A_74 : memref<50048x32xf32, #tpu.memory_space<hbm>>) target(%arg13 : memref<128x32xf32, #tpu.memory_space<vmem>>) offsets(%arg11 : memref<128xi32, #tpu.memory_space<vmem>>) semaphore(%arg15 : memref<!tpu.dma_semaphore, #tpu.memory_space<semaphore_mem>>)
      %dma_wait3A = arith.constant 0 : i32
      %dma_wait3A_75 = arith.constant 0 : i32
      %dma_wait3A_76 = tpu.memref_slice %arg9[%dma_wait3A, %dma_wait3A_75] : memref<50048x32xf32, #tpu.memory_space<hbm>> -> memref<50048x32xf32, #tpu.memory_space<hbm>>
      tpu.wait_indirect_dma semaphore(%arg15 : memref<!tpu.dma_semaphore, #tpu.memory_space<semaphore_mem>>) src(%dma_wait3A_76 : memref<50048x32xf32, #tpu.memory_space<hbm>>) dst(%arg13 : memref<128x32xf32, #tpu.memory_space<vmem>>)
      "tpu.region"() ({
        %run_scoped3A_78 = tpu.sem_alloc : memref<!tpu.dma_semaphore, #tpu.memory_space<semaphore_mem>>
        %dma_start3A_79 = arith.constant 0 : i32
        %dma_start3A_80 = arith.constant 0 : i32
        %dma_start3A_81 = tpu.memref_slice %arg14[%dma_start3A_79, %dma_start3A_80] : memref<50048x32xf32, #tpu.memory_space<vmem_shared>> -> memref<50048x32xf32, #tpu.memory_space<vmem_shared>>
        tpu.enqueue_indirect_dma source(%arg13 : memref<128x32xf32, #tpu.memory_space<vmem>>) target(%dma_start3A_81 : memref<50048x32xf32, #tpu.memory_space<vmem_shared>>) offsets(%arg12 : memref<128xi32, #tpu.memory_space<vmem>>) semaphore(%run_scoped3A_78 : memref<!tpu.dma_semaphore, #tpu.memory_space<semaphore_mem>>) {add = true}
        %dma_wait3A_82 = arith.constant 0 : i32
        %dma_wait3A_83 = arith.constant 0 : i32
        %dma_wait3A_84 = tpu.memref_slice %arg14[%dma_wait3A_82, %dma_wait3A_83] : memref<50048x32xf32, #tpu.memory_space<vmem_shared>> -> memref<50048x32xf32, #tpu.memory_space<vmem_shared>>
        tpu.wait_indirect_dma semaphore(%run_scoped3A_78 : memref<!tpu.dma_semaphore, #tpu.memory_space<semaphore_mem>>) src(%arg13 : memref<128x32xf32, #tpu.memory_space<vmem>>) dst(%dma_wait3A_84 : memref<50048x32xf32, #tpu.memory_space<vmem_shared>>)
        tpu.yield
      }) : () -> ()
      %scan3A_77 = arith.constant 0 : i32
      scf.yield %scan3A_77 : i32
    }
    %scan3A_60 = arith.constant 196 : i32
    %barrier3A_61 = arith.constant 0 : index
    tpu.barrier barrier_id(%barrier3A_61)
    %mul3A_62 = arith.constant 3128 : i32
    %mul3A_63 = arith.muli %arg1, %mul3A_62 : i32
    %mul3A_64 = arith.constant 3128 : i32
    %mul3A_65 = arith.muli %arg1, %mul3A_64 : i32
    %run_scoped3A_66 = arith.constant 3 : i32
    "tpu.region"() ({
      %run_scoped3A_68 = tpu.sem_alloc : memref<!tpu.dma_semaphore, #tpu.memory_space<semaphore_mem>>
      %dma_start3A = arith.constant 0 : i32
      %dma_start3A_69 = tpu.memref_slice %arg10[%arg0, %run_scoped3A_66, %mul3A_65, %dma_start3A] : memref<2x4x50048x32xf32, #tpu.memory_space<hbm>> -> memref<1x1x3128x32xf32, #tpu.memory_space<hbm>>
      %dma_start3A_70 = tpu.memref_squeeze %dma_start3A_69 : memref<1x1x3128x32xf32, #tpu.memory_space<hbm>> -> memref<3128x32xf32, #tpu.memory_space<hbm>>
      %dma_start3A_71 = arith.constant 0 : i32
      %dma_start3A_72 = tpu.memref_slice %arg14[%mul3A_63, %dma_start3A_71] : memref<50048x32xf32, #tpu.memory_space<vmem_shared>> -> memref<3128x32xf32, #tpu.memory_space<vmem_shared>>
      tpu.enqueue_dma source(%dma_start3A_72 : memref<3128x32xf32, #tpu.memory_space<vmem_shared>>) target(%dma_start3A_70 : memref<3128x32xf32, #tpu.memory_space<hbm>>) target_semaphore(%run_scoped3A_68 : memref<!tpu.dma_semaphore, #tpu.memory_space<semaphore_mem>>)
      %dma_wait3A = arith.constant 0 : i32
      %dma_wait3A_73 = tpu.memref_slice %arg10[%arg0, %run_scoped3A_66, %mul3A_65, %dma_wait3A] : memref<2x4x50048x32xf32, #tpu.memory_space<hbm>> -> memref<1x1x3128x32xf32, #tpu.memory_space<hbm>>
      %dma_wait3A_74 = tpu.memref_squeeze %dma_wait3A_73 : memref<1x1x3128x32xf32, #tpu.memory_space<hbm>> -> memref<3128x32xf32, #tpu.memory_space<hbm>>
      %dma_wait3A_75 = arith.constant 0 : i32
      %dma_wait3A_76 = tpu.memref_slice %arg14[%mul3A_63, %dma_wait3A_75] : memref<50048x32xf32, #tpu.memory_space<vmem_shared>> -> memref<3128x32xf32, #tpu.memory_space<vmem_shared>>
      tpu.wait_dma2 semaphore(%run_scoped3A_68 : memref<!tpu.dma_semaphore, #tpu.memory_space<semaphore_mem>>) src(%dma_wait3A_76 : memref<3128x32xf32, #tpu.memory_space<vmem_shared>>) dst(%dma_wait3A_74 : memref<3128x32xf32, #tpu.memory_space<hbm>>)
      tpu.yield
    }) : () -> ()
    %barrier3A_67 = arith.constant 0 : index
    tpu.barrier barrier_id(%barrier3A_67)
    return
  }
}

module attributes {stable_mosaic.version = 14 : i64} {
  func.func @_k_pre(%arg0: i32, %arg1: memref<128x128xf32, #tpu.memory_space<vmem>>, %arg2: memref<128x128xf32, #tpu.memory_space<vmem>>, %arg3: memref<128x128xf32, #tpu.memory_space<vmem>>, %arg4: memref<128x128xf32, #tpu.memory_space<vmem>>) attributes {dimension_semantics = [#tpu.dimension_semantics<arbitrary>], iteration_bounds = array<i64: 391>, scalar_prefetch = 0 : i64, scratch_operands = 0 : i64, tpu.core_type = #tpu.core_type<tc>, window_params = [{transform_indices = @transform_0, window_bounds = array<i64: 128, 128>}, {pipeline_mode = #tpu.pipeline_mode<synchronous>, transform_indices = @transform_1, window_bounds = array<i64: 128, 128>}, {transform_indices = @transform_2, window_bounds = array<i64: 128, 128>}, {transform_indices = @transform_3, window_bounds = array<i64: 128, 128>}]} {
    %get3A = arith.constant 0 : index
    %get3A_0 = arith.constant 0 : index
    %get3A_1 = vector.load %arg3[%get3A, %get3A_0] : memref<128x128xf32, #tpu.memory_space<vmem>>, vector<128x1xf32>
    %add3A = arith.constant 1.000000e+00 : f32
    %add3A_2 = vector.broadcast %add3A : f32 to vector<128x1xf32>
    %add3A_3 = arith.addf %get3A_1, %add3A_2 : vector<128x1xf32>
    %rsqrt3A = math.rsqrt %add3A_3 : vector<128x1xf32>
    %get3A_4 = arith.constant 0 : index
    %get3A_5 = arith.constant 0 : index
    %get3A_6 = vector.load %arg1[%get3A_4, %get3A_5] : memref<128x128xf32, #tpu.memory_space<vmem>>, vector<128x128xf32>
    %get3A_7 = arith.constant 0 : index
    %get3A_8 = arith.constant 0 : index
    %get3A_9 = vector.load %arg2[%get3A_7, %get3A_8] : memref<128x128xf32, #tpu.memory_space<vmem>>, vector<128x128xf32>
    %dot_general3A = arith.constant dense<0.000000e+00> : vector<128x128xf32>
    %dot_general3A_10 = tpu.matmul %get3A_6, %get3A_9, %dot_general3A {dimension_numbers = #tpu.dot_dimension_numbers<[1], [0], [0], [1], [0, 0, 1, 1], [], []>, transpose_lhs_hint = false} : vector<128x128xf32>, vector<128x128xf32>, vector<128x128xf32> -> vector<128x128xf32>
    %mul3A = vector.broadcast %rsqrt3A : vector<128x1xf32> to vector<128x128xf32>
    %mul3A_11 = arith.mulf %mul3A, %dot_general3A_10 : vector<128x128xf32>
    %swap3A = arith.constant 0 : index
    %swap3A_12 = arith.constant 0 : index
    %swap3A_13 = vector.load %arg4[%swap3A, %swap3A_12] : memref<128x128xf32, #tpu.memory_space<vmem>>, vector<128x128xf32>
    tpu.vector_store %arg4[%swap3A, %swap3A_12], %mul3A_11 {strides = array<i32>} : memref<128x128xf32, #tpu.memory_space<vmem>>, vector<128x128xf32>,
    return
  }
  func.func @transform_0(%arg0: i32) -> (i32, i32) {
    %c0_i32 = arith.constant 0 : i32
    %c0_i32_0 = arith.constant 0 : i32
    return %arg0, %c0_i32 : i32, i32
  }
  func.func @transform_1(%arg0: i32) -> (i32, i32) {
    %c0_i32 = arith.constant 0 : i32
    %c0_i32_0 = arith.constant 0 : i32
    %c0_i32_1 = arith.constant 0 : i32
    return %c0_i32, %c0_i32_0 : i32, i32
  }
  func.func @transform_2(%arg0: i32) -> (i32, i32) {
    %c0_i32 = arith.constant 0 : i32
    %c0_i32_0 = arith.constant 0 : i32
    return %arg0, %c0_i32 : i32, i32
  }
  func.func @transform_3(%arg0: i32) -> (i32, i32) {
    %c0_i32 = arith.constant 0 : i32
    %c0_i32_0 = arith.constant 0 : i32
    return %arg0, %c0_i32 : i32, i32
  }
}

module attributes {stable_mosaic.version = 14 : i64} {
  func.func @_k_mid(%arg0: i32, %arg1: memref<128x128xf32, #tpu.memory_space<vmem>>, %arg2: memref<128x128xf32, #tpu.memory_space<vmem>>, %arg3: memref<128x128xf32, #tpu.memory_space<vmem>>, %arg4: memref<8x128xf32, #tpu.memory_space<vmem>>, %arg5: memref<128x128xf32, #tpu.memory_space<vmem>>, %arg6: memref<128x128xf32, #tpu.memory_space<vmem>>) attributes {dimension_semantics = [#tpu.dimension_semantics<arbitrary>], iteration_bounds = array<i64: 391>, scalar_prefetch = 0 : i64, scratch_operands = 0 : i64, tpu.core_type = #tpu.core_type<tc>, window_params = [{transform_indices = @transform_0, window_bounds = array<i64: 128, 128>}, {transform_indices = @transform_1, window_bounds = array<i64: 128, 128>}, {transform_indices = @transform_2, window_bounds = array<i64: 128, 128>}, {pipeline_mode = #tpu.pipeline_mode<synchronous>, transform_indices = @transform_3, window_bounds = array<i64: 8, 128>}, {pipeline_mode = #tpu.pipeline_mode<synchronous>, transform_indices = @transform_4, window_bounds = array<i64: 128, 128>}, {transform_indices = @transform_5, window_bounds = array<i64: 128, 128>}]} {
    %get3A = arith.constant 0 : index
    %get3A_0 = arith.constant 0 : index
    %get3A_1 = vector.load %arg3[%get3A, %get3A_0] : memref<128x128xf32, #tpu.memory_space<vmem>>, vector<128x1xf32>
    %add3A = arith.constant 1.000000e+00 : f32
    %add3A_2 = vector.broadcast %add3A : f32 to vector<128x1xf32>
    %add3A_3 = arith.addf %get3A_1, %add3A_2 : vector<128x1xf32>
    %rsqrt3A = math.rsqrt %add3A_3 : vector<128x1xf32>
    %get3A_4 = arith.constant 0 : index
    %get3A_5 = arith.constant 0 : index
    %get3A_6 = vector.load %arg1[%get3A_4, %get3A_5] : memref<128x128xf32, #tpu.memory_space<vmem>>, vector<128x128xf32>
    %get3A_7 = arith.constant 0 : index
    %get3A_8 = arith.constant 0 : index
    %get3A_9 = vector.load %arg2[%get3A_7, %get3A_8] : memref<128x128xf32, #tpu.memory_space<vmem>>, vector<128x128xf32>
    %add3A_10 = arith.addf %get3A_6, %get3A_9 : vector<128x128xf32>
    %mul3A = vector.broadcast %rsqrt3A : vector<128x1xf32> to vector<128x128xf32>
    %mul3A_11 = arith.mulf %mul3A, %add3A_10 : vector<128x128xf32>
    %get3A_12 = arith.constant 0 : index
    %get3A_13 = arith.constant 0 : index
    %get3A_14 = vector.load %arg4[%get3A_12, %get3A_13] : memref<8x128xf32, #tpu.memory_space<vmem>>, vector<1x128xf32>
    %add3A_15 = vector.broadcast %get3A_14 : vector<1x128xf32> to vector<128x128xf32>
    %add3A_16 = arith.addf %mul3A_11, %add3A_15 : vector<128x128xf32>
    %max3A = arith.constant 0.000000e+00 : f32
    %max3A_17 = vector.broadcast %max3A : f32 to vector<128x128xf32>
    %max3A_18 = arith.maximumf %add3A_16, %max3A_17 : vector<128x128xf32>
    %get3A_19 = arith.constant 0 : index
    %get3A_20 = arith.constant 0 : index
    %get3A_21 = vector.load %arg5[%get3A_19, %get3A_20] : memref<128x128xf32, #tpu.memory_space<vmem>>, vector<128x128xf32>
    %dot_general3A = arith.constant dense<0.000000e+00> : vector<128x128xf32>
    %dot_general3A_22 = tpu.matmul %max3A_18, %get3A_21, %dot_general3A {dimension_numbers = #tpu.dot_dimension_numbers<[1], [0], [0], [1], [0, 0, 1, 1], [], []>, transpose_lhs_hint = false} : vector<128x128xf32>, vector<128x128xf32>, vector<128x128xf32> -> vector<128x128xf32>
    %mul3A_23 = vector.broadcast %rsqrt3A : vector<128x1xf32> to vector<128x128xf32>
    %mul3A_24 = arith.mulf %mul3A_23, %dot_general3A_22 : vector<128x128xf32>
    %swap3A = arith.constant 0 : index
    %swap3A_25 = arith.constant 0 : index
    %swap3A_26 = vector.load %arg6[%swap3A, %swap3A_25] : memref<128x128xf32, #tpu.memory_space<vmem>>, vector<128x128xf32>
    tpu.vector_store %arg6[%swap3A, %swap3A_25], %mul3A_24 {strides = array<i32>} : memref<128x128xf32, #tpu.memory_space<vmem>>, vector<128x128xf32>,
    return
  }
  func.func @transform_0(%arg0: i32) -> (i32, i32) {
    %c0_i32 = arith.constant 0 : i32
    %c0_i32_0 = arith.constant 0 : i32
    return %arg0, %c0_i32 : i32, i32
  }
  func.func @transform_1(%arg0: i32) -> (i32, i32) {
    %c0_i32 = arith.constant 0 : i32
    %c0_i32_0 = arith.constant 0 : i32
    return %arg0, %c0_i32 : i32, i32
  }
  func.func @transform_2(%arg0: i32) -> (i32, i32) {
    %c0_i32 = arith.constant 0 : i32
    %c0_i32_0 = arith.constant 0 : i32
    return %arg0, %c0_i32 : i32, i32
  }
  func.func @transform_3(%arg0: i32) -> (i32, i32) {
    %c0_i32 = arith.constant 0 : i32
    %c0_i32_0 = arith.constant 0 : i32
    %c0_i32_1 = arith.constant 0 : i32
    return %c0_i32, %c0_i32_0 : i32, i32
  }
  func.func @transform_4(%arg0: i32) -> (i32, i32) {
    %c0_i32 = arith.constant 0 : i32
    %c0_i32_0 = arith.constant 0 : i32
    %c0_i32_1 = arith.constant 0 : i32
    return %c0_i32, %c0_i32_0 : i32, i32
  }
  func.func @transform_5(%arg0: i32) -> (i32, i32) {
    %c0_i32 = arith.constant 0 : i32
    %c0_i32_0 = arith.constant 0 : i32
    return %arg0, %c0_i32 : i32, i32
  }
}

module attributes {stable_mosaic.version = 14 : i64} {
  func.func @_k_post(%arg0: i32, %arg1: memref<128x128xf32, #tpu.memory_space<vmem>>, %arg2: memref<128x128xf32, #tpu.memory_space<vmem>>, %arg3: memref<128x128xf32, #tpu.memory_space<vmem>>, %arg4: memref<8x128xf32, #tpu.memory_space<vmem>>, %arg5: memref<128x1xf32, #tpu.memory_space<vmem>>, %arg6: memref<128x128xf32, #tpu.memory_space<vmem>>, %arg7: memref<128x128xf32, #tpu.memory_space<vmem>>) attributes {dimension_semantics = [#tpu.dimension_semantics<arbitrary>], iteration_bounds = array<i64: 391>, scalar_prefetch = 0 : i64, scratch_operands = 0 : i64, tpu.core_type = #tpu.core_type<tc>, window_params = [{transform_indices = @transform_0, window_bounds = array<i64: 128, 128>}, {transform_indices = @transform_1, window_bounds = array<i64: 128, 128>}, {transform_indices = @transform_2, window_bounds = array<i64: 128, 128>}, {pipeline_mode = #tpu.pipeline_mode<synchronous>, transform_indices = @transform_3, window_bounds = array<i64: 8, 128>}, {pipeline_mode = #tpu.pipeline_mode<synchronous>, transform_indices = @transform_4, window_bounds = array<i64: 128, 1>}, {transform_indices = @transform_5, window_bounds = array<i64: 128, 128>}, {transform_indices = @transform_6, window_bounds = array<i64: 128, 128>}]} {
    %get3A = arith.constant 0 : index
    %get3A_0 = arith.constant 0 : index
    %get3A_1 = vector.load %arg3[%get3A, %get3A_0] : memref<128x128xf32, #tpu.memory_space<vmem>>, vector<128x1xf32>
    %add3A = arith.constant 1.000000e+00 : f32
    %add3A_2 = vector.broadcast %add3A : f32 to vector<128x1xf32>
    %add3A_3 = arith.addf %get3A_1, %add3A_2 : vector<128x1xf32>
    %rsqrt3A = math.rsqrt %add3A_3 : vector<128x1xf32>
    %get3A_4 = arith.constant 0 : index
    %get3A_5 = arith.constant 0 : index
    %get3A_6 = vector.load %arg1[%get3A_4, %get3A_5] : memref<128x128xf32, #tpu.memory_space<vmem>>, vector<128x128xf32>
    %get3A_7 = arith.constant 0 : index
    %get3A_8 = arith.constant 0 : index
    %get3A_9 = vector.load %arg2[%get3A_7, %get3A_8] : memref<128x128xf32, #tpu.memory_space<vmem>>, vector<128x128xf32>
    %add3A_10 = arith.addf %get3A_6, %get3A_9 : vector<128x128xf32>
    %mul3A = vector.broadcast %rsqrt3A : vector<128x1xf32> to vector<128x128xf32>
    %mul3A_11 = arith.mulf %mul3A, %add3A_10 : vector<128x128xf32>
    %get3A_12 = arith.constant 0 : index
    %get3A_13 = arith.constant 0 : index
    %get3A_14 = vector.load %arg4[%get3A_12, %get3A_13] : memref<8x128xf32, #tpu.memory_space<vmem>>, vector<1x128xf32>
    %add3A_15 = vector.broadcast %get3A_14 : vector<1x128xf32> to vector<128x128xf32>
    %add3A_16 = arith.addf %mul3A_11, %add3A_15 : vector<128x128xf32>
    %max3A = arith.constant 0.000000e+00 : f32
    %max3A_17 = vector.broadcast %max3A : f32 to vector<128x128xf32>
    %max3A_18 = arith.maximumf %add3A_16, %max3A_17 : vector<128x128xf32>
    %swap3A = arith.constant 0 : index
    %swap3A_19 = arith.constant 0 : index
    %swap3A_20 = vector.load %arg6[%swap3A, %swap3A_19] : memref<128x128xf32, #tpu.memory_space<vmem>>, vector<128x128xf32>
    tpu.vector_store %arg6[%swap3A, %swap3A_19], %max3A_18 {strides = array<i32>} : memref<128x128xf32, #tpu.memory_space<vmem>>, vector<128x128xf32>,
    %get3A_21 = arith.constant 0 : index
    %get3A_22 = arith.constant 0 : index
    %get3A_23 = vector.load %arg5[%get3A_21, %get3A_22] : memref<128x1xf32, #tpu.memory_space<vmem>>, vector<128x1xf32>
    %dot_general3A = arith.constant dense<0.000000e+00> : vector<128x1xf32>
    %dot_general3A_24 = tpu.matmul %max3A_18, %get3A_23, %dot_general3A {dimension_numbers = #tpu.dot_dimension_numbers<[1], [0], [0], [1], [0, 0, 1, 1], [], []>, transpose_lhs_hint = false} : vector<128x128xf32>, vector<128x1xf32>, vector<128x1xf32> -> vector<128x1xf32>
    %broadcast_in_dim3A = vector.shape_cast %dot_general3A_24 : vector<128x1xf32> to vector<128x1xf32>
    %broadcast_in_dim3A_25 = vector.broadcast %broadcast_in_dim3A : vector<128x1xf32> to vector<128x128xf32>
    %swap3A_26 = arith.constant 0 : index
    %swap3A_27 = arith.constant 0 : index
    %swap3A_28 = vector.load %arg7[%swap3A_26, %swap3A_27] : memref<128x128xf32, #tpu.memory_space<vmem>>, vector<128x128xf32>
    tpu.vector_store %arg7[%swap3A_26, %swap3A_27], %broadcast_in_dim3A_25 {strides = array<i32>} : memref<128x128xf32, #tpu.memory_space<vmem>>, vector<128x128xf32>,
    return
  }
  func.func @transform_0(%arg0: i32) -> (i32, i32) {
    %c0_i32 = arith.constant 0 : i32
    %c0_i32_0 = arith.constant 0 : i32
    return %arg0, %c0_i32 : i32, i32
  }
  func.func @transform_1(%arg0: i32) -> (i32, i32) {
    %c0_i32 = arith.constant 0 : i32
    %c0_i32_0 = arith.constant 0 : i32
    return %arg0, %c0_i32 : i32, i32
  }
  func.func @transform_2(%arg0: i32) -> (i32, i32) {
    %c0_i32 = arith.constant 0 : i32
    %c0_i32_0 = arith.constant 0 : i32
    return %arg0, %c0_i32 : i32, i32
  }
  func.func @transform_3(%arg0: i32) -> (i32, i32) {
    %c0_i32 = arith.constant 0 : i32
    %c0_i32_0 = arith.constant 0 : i32
    %c0_i32_1 = arith.constant 0 : i32
    return %c0_i32, %c0_i32_0 : i32, i32
  }
  func.func @transform_4(%arg0: i32) -> (i32, i32) {
    %c0_i32 = arith.constant 0 : i32
    %c0_i32_0 = arith.constant 0 : i32
    %c0_i32_1 = arith.constant 0 : i32
    return %c0_i32, %c0_i32_0 : i32, i32
  }
  func.func @transform_5(%arg0: i32) -> (i32, i32) {
    %c0_i32 = arith.constant 0 : i32
    %c0_i32_0 = arith.constant 0 : i32
    return %arg0, %c0_i32 : i32, i32
  }
  func.func @transform_6(%arg0: i32) -> (i32, i32) {
    %c0_i32 = arith.constant 0 : i32
    %c0_i32_0 = arith.constant 0 : i32
    return %arg0, %c0_i32 : i32, i32
  }
}

module attributes {stable_mosaic.version = 14 : i64} {
  func.func @_k_segmax(%arg0: i32, %arg1: memref<128x128xf32, #tpu.memory_space<vmem>>, %arg2: memref<128x128xi32, #tpu.memory_space<vmem>>, %arg3: memref<8x1024xf32, #tpu.memory_space<vmem>>) attributes {dimension_semantics = [#tpu.dimension_semantics<arbitrary>], iteration_bounds = array<i64: 391>, scalar_prefetch = 0 : i64, scratch_operands = 0 : i64, tpu.core_type = #tpu.core_type<tc>, window_params = [{transform_indices = @transform_0, window_bounds = array<i64: 128, 128>}, {transform_indices = @transform_1, window_bounds = array<i64: 128, 128>}, {pipeline_mode = #tpu.pipeline_mode<synchronous>, transform_indices = @transform_2, window_bounds = array<i64: 8, 1024>}]} {
    %get3A = arith.constant 0 : index
    %get3A_0 = arith.constant 0 : index
    %get3A_1 = vector.load %arg2[%get3A, %get3A_0] : memref<128x128xi32, #tpu.memory_space<vmem>>, vector<128x1xi32>
    %iota3A = tpu.iota {dimensions = array<i32: 1>} : vector<128x1024xi32>
    %eq3A = vector.broadcast %get3A_1 : vector<128x1xi32> to vector<128x1024xi32>
    %eq3A_2 = arith.cmpi eq, %eq3A, %iota3A : vector<128x1024xi32>
    %get3A_3 = arith.constant 0 : index
    %get3A_4 = arith.constant 0 : index
    %get3A_5 = vector.load %arg1[%get3A_3, %get3A_4] : memref<128x128xf32, #tpu.memory_space<vmem>>, vector<128x1xf32>
    %broadcast_in_dim3A = vector.shape_cast %get3A_5 : vector<128x1xf32> to vector<128x1xf32>
    %broadcast_in_dim3A_6 = vector.broadcast %broadcast_in_dim3A : vector<128x1xf32> to vector<128x1024xf32>
    %jit3A = arith.constant -3.000000e+38 : f32
    %broadcast_in_dim3A_7 = vector.broadcast %jit3A : f32 to vector<128x1024xf32>
    %select_n3A = arith.select %eq3A_2, %broadcast_in_dim3A_6, %broadcast_in_dim3A_7 : vector<128x1024xi1>, vector<128x1024xf32>
    %reduce_max3A = arith.constant dense<0xFF800000> : vector<1024xf32>
    %reduce_max3A_8 = vector.multi_reduction <maximumf>, %select_n3A, %reduce_max3A [0] : vector<128x1024xf32> to vector<1024xf32>
    %broadcast_in_dim3A_9 = vector.shape_cast %reduce_max3A_8 : vector<1024xf32> to vector<1x1024xf32>
    %broadcast_in_dim3A_10 = vector.shape_cast %broadcast_in_dim3A_9 : vector<1x1024xf32> to vector<1x1024xf32>
    %broadcast_in_dim3A_11 = vector.broadcast %broadcast_in_dim3A_10 : vector<1x1024xf32> to vector<8x1024xf32>
    %eq3A_12 = arith.constant 0 : i32
    %eq3A_13 = arith.cmpi eq, %arg0, %eq3A_12 : i32
    %convert_element_type3A = arith.extui %eq3A_13 : i1 to i32
    %cond3A = arith.constant 0 : i32
    %cond3A_14 = arith.cmpi ne, %convert_element_type3A, %cond3A : i32
    scf.if %cond3A_14 {
      %swap3A = arith.constant 0 : index
      %swap3A_19 = arith.constant 0 : index
      %swap3A_20 = vector.load %arg3[%swap3A, %swap3A_19] : memref<8x1024xf32, #tpu.memory_space<vmem>>, vector<8x1024xf32>
      tpu.vector_store %arg3[%swap3A, %swap3A_19], %broadcast_in_dim3A_11 {strides = array<i32>} : memref<8x1024xf32, #tpu.memory_space<vmem>>, vector<8x1024xf32>,
    } else {
    }
    %gt3A = arith.constant 0 : i32
    %gt3A_15 = arith.cmpi sgt, %arg0, %gt3A : i32
    %convert_element_type3A_16 = arith.extui %gt3A_15 : i1 to i32
    %cond3A_17 = arith.constant 0 : i32
    %cond3A_18 = arith.cmpi ne, %convert_element_type3A_16, %cond3A_17 : i32
    scf.if %cond3A_18 {
      %get3A_19 = arith.constant 0 : index
      %get3A_20 = arith.constant 0 : index
      %get3A_21 = vector.load %arg3[%get3A_19, %get3A_20] : memref<8x1024xf32, #tpu.memory_space<vmem>>, vector<8x1024xf32>
      %max3A = arith.maximumf %get3A_21, %broadcast_in_dim3A_11 : vector<8x1024xf32>
      %swap3A = arith.constant 0 : index
      %swap3A_22 = arith.constant 0 : index
      %swap3A_23 = vector.load %arg3[%swap3A, %swap3A_22] : memref<8x1024xf32, #tpu.memory_space<vmem>>, vector<8x1024xf32>
      tpu.vector_store %arg3[%swap3A, %swap3A_22], %max3A {strides = array<i32>} : memref<8x1024xf32, #tpu.memory_space<vmem>>, vector<8x1024xf32>,
    } else {
    }
    return
  }
  func.func @transform_0(%arg0: i32) -> (i32, i32) {
    %c0_i32 = arith.constant 0 : i32
    %c0_i32_0 = arith.constant 0 : i32
    return %arg0, %c0_i32 : i32, i32
  }
  func.func @transform_1(%arg0: i32) -> (i32, i32) {
    %c0_i32 = arith.constant 0 : i32
    %c0_i32_0 = arith.constant 0 : i32
    return %arg0, %c0_i32 : i32, i32
  }
  func.func @transform_2(%arg0: i32) -> (i32, i32) {
    %c0_i32 = arith.constant 0 : i32
    %c0_i32_0 = arith.constant 0 : i32
    %c0_i32_1 = arith.constant 0 : i32
    return %c0_i32, %c0_i32_0 : i32, i32
  }
}

module attributes {stable_mosaic.version = 14 : i64} {
  func.func @_k_segsum(%arg0: i32, %arg1: memref<128x128xf32, #tpu.memory_space<vmem>>, %arg2: memref<128x128xf32, #tpu.memory_space<vmem>>, %arg3: memref<128x128xi32, #tpu.memory_space<vmem>>, %arg4: memref<1x1x128xi32, #tpu.memory_space<vmem>>, %arg5: memref<1024x128xf32, #tpu.memory_space<vmem>>, %arg6: memref<1024x128xf32, #tpu.memory_space<vmem>>, %arg7: memref<1024x128xf32, #tpu.memory_space<vmem>>) attributes {dimension_semantics = [#tpu.dimension_semantics<arbitrary>], iteration_bounds = array<i64: 391>, scalar_prefetch = 0 : i64, scratch_operands = 0 : i64, tpu.core_type = #tpu.core_type<tc>, window_params = [{transform_indices = @transform_0, window_bounds = array<i64: 128, 128>}, {transform_indices = @transform_1, window_bounds = array<i64: 128, 128>}, {transform_indices = @transform_2, window_bounds = array<i64: 128, 128>}, {transform_indices = @transform_3, window_bounds = array<i64: 1, 1, 128>}, {pipeline_mode = #tpu.pipeline_mode<synchronous>, transform_indices = @transform_4, window_bounds = array<i64: 1024, 128>}, {pipeline_mode = #tpu.pipeline_mode<synchronous>, transform_indices = @transform_5, window_bounds = array<i64: 1024, 128>}, {pipeline_mode = #tpu.pipeline_mode<synchronous>, transform_indices = @transform_6, window_bounds = array<i64: 1024, 128>}]} {
    %get3A = arith.constant 0 : index
    %get3A_0 = arith.constant 0 : index
    %get3A_1 = vector.load %arg3[%get3A, %get3A_0] : memref<128x128xi32, #tpu.memory_space<vmem>>, vector<128x1xi32>
    %iota3A = tpu.iota {dimensions = array<i32: 1>} : vector<128x1024xi32>
    %eq3A = vector.broadcast %get3A_1 : vector<128x1xi32> to vector<128x1024xi32>
    %eq3A_2 = arith.cmpi eq, %eq3A, %iota3A : vector<128x1024xi32>
    %convert_element_type3A = arith.extui %eq3A_2 : vector<128x1024xi1> to vector<128x1024xi32>
    %convert_element_type3A_3 = arith.sitofp %convert_element_type3A : vector<128x1024xi32> to vector<128x1024xf32>
    %get3A_4 = arith.constant 0 : index
    %get3A_5 = arith.constant 0 : index
    %get3A_6 = arith.constant 0 : index
    %get3A_7 = vector.load %arg4[%get3A_4, %get3A_5, %get3A_6] : memref<1x1x128xi32, #tpu.memory_space<vmem>>, vector<1x1x128xi32>
    %reshape3A = vector.shape_cast %get3A_7 : vector<1x1x128xi32> to vector<1x128xi32>
    %iota3A_8 = tpu.iota {dimensions = array<i32: 0>} : vector<1024x128xi32>
    %eq3A_9 = vector.broadcast %reshape3A : vector<1x128xi32> to vector<1024x128xi32>
    %eq3A_10 = arith.cmpi eq, %iota3A_8, %eq3A_9 : vector<1024x128xi32>
    %convert_element_type3A_11 = arith.extui %eq3A_10 : vector<1024x128xi1> to vector<1024x128xi32>
    %convert_element_type3A_12 = arith.sitofp %convert_element_type3A_11 : vector<1024x128xi32> to vector<1024x128xf32>
    %get3A_13 = arith.constant 0 : index
    %get3A_14 = arith.constant 0 : index
    %get3A_15 = vector.load %arg5[%get3A_13, %get3A_14] : memref<1024x128xf32, #tpu.memory_space<vmem>>, vector<1024x1xf32>
    %dot_general3A = arith.constant dense<0.000000e+00> : vector<128x1xf32>
    %dot_general3A_16 = tpu.matmul %convert_element_type3A_3, %get3A_15, %dot_general3A {dimension_numbers = #tpu.dot_dimension_numbers<[1], [0], [0], [1], [0, 0, 1, 1], [], []>, transpose_lhs_hint = false} : vector<128x1024xf32>, vector<1024x1xf32>, vector<128x1xf32> -> vector<128x1xf32>
    %get3A_17 = arith.constant 0 : index
    %get3A_18 = arith.constant 0 : index
    %get3A_19 = vector.load %arg1[%get3A_17, %get3A_18] : memref<128x128xf32, #tpu.memory_space<vmem>>, vector<128x1xf32>
    %sub3A = arith.subf %get3A_19, %dot_general3A_16 : vector<128x1xf32>
    %exp3A = math.exp %sub3A : vector<128x1xf32>
    %get3A_20 = arith.constant 0 : index
    %get3A_21 = arith.constant 0 : index
    %get3A_22 = vector.load %arg2[%get3A_20, %get3A_21] : memref<128x128xf32, #tpu.memory_space<vmem>>, vector<128x128xf32>
    %mul3A = vector.broadcast %exp3A : vector<128x1xf32> to vector<128x128xf32>
    %mul3A_23 = arith.mulf %mul3A, %get3A_22 : vector<128x128xf32>
    %dot_general3A_24 = arith.constant dense<0.000000e+00> : vector<1024x128xf32>
    %dot_general3A_25 = tpu.matmul %convert_element_type3A_12, %mul3A_23, %dot_general3A_24 {dimension_numbers = #tpu.dot_dimension_numbers<[1], [0], [0], [1], [0, 0, 1, 1], [], []>, transpose_lhs_hint = false} : vector<1024x128xf32>, vector<128x128xf32>, vector<1024x128xf32> -> vector<1024x128xf32>
    %broadcast_in_dim3A = vector.shape_cast %exp3A : vector<128x1xf32> to vector<128x1xf32>
    %broadcast_in_dim3A_26 = vector.broadcast %broadcast_in_dim3A : vector<128x1xf32> to vector<128x128xf32>
    %dot_general3A_27 = arith.constant dense<0.000000e+00> : vector<1024x128xf32>
    %dot_general3A_28 = tpu.matmul %convert_element_type3A_12, %broadcast_in_dim3A_26, %dot_general3A_27 {dimension_numbers = #tpu.dot_dimension_numbers<[1], [0], [0], [1], [0, 0, 1, 1], [], []>, transpose_lhs_hint = false} : vector<1024x128xf32>, vector<128x128xf32>, vector<1024x128xf32> -> vector<1024x128xf32>
    %eq3A_29 = arith.constant 0 : i32
    %eq3A_30 = arith.cmpi eq, %arg0, %eq3A_29 : i32
    %convert_element_type3A_31 = arith.extui %eq3A_30 : i1 to i32
    %cond3A = arith.constant 0 : i32
    %cond3A_32 = arith.cmpi ne, %convert_element_type3A_31, %cond3A : i32
    scf.if %cond3A_32 {
      %swap3A = arith.constant 0 : index
      %swap3A_37 = arith.constant 0 : index
      %swap3A_38 = vector.load %arg6[%swap3A, %swap3A_37] : memref<1024x128xf32, #tpu.memory_space<vmem>>, vector<1024x128xf32>
      tpu.vector_store %arg6[%swap3A, %swap3A_37], %dot_general3A_25 {strides = array<i32>} : memref<1024x128xf32, #tpu.memory_space<vmem>>, vector<1024x128xf32>,
      %swap3A_39 = arith.constant 0 : index
      %swap3A_40 = arith.constant 0 : index
      %swap3A_41 = vector.load %arg7[%swap3A_39, %swap3A_40] : memref<1024x128xf32, #tpu.memory_space<vmem>>, vector<1024x128xf32>
      tpu.vector_store %arg7[%swap3A_39, %swap3A_40], %dot_general3A_28 {strides = array<i32>} : memref<1024x128xf32, #tpu.memory_space<vmem>>, vector<1024x128xf32>,
    } else {
    }
    %gt3A = arith.constant 0 : i32
    %gt3A_33 = arith.cmpi sgt, %arg0, %gt3A : i32
    %convert_element_type3A_34 = arith.extui %gt3A_33 : i1 to i32
    %cond3A_35 = arith.constant 0 : i32
    %cond3A_36 = arith.cmpi ne, %convert_element_type3A_34, %cond3A_35 : i32
    scf.if %cond3A_36 {
      %get3A_37 = arith.constant 0 : index
      %get3A_38 = arith.constant 0 : index
      %get3A_39 = vector.load %arg6[%get3A_37, %get3A_38] : memref<1024x128xf32, #tpu.memory_space<vmem>>, vector<1024x128xf32>
      %add3A = arith.addf %get3A_39, %dot_general3A_25 : vector<1024x128xf32>
      %swap3A = arith.constant 0 : index
      %swap3A_40 = arith.constant 0 : index
      %swap3A_41 = vector.load %arg6[%swap3A, %swap3A_40] : memref<1024x128xf32, #tpu.memory_space<vmem>>, vector<1024x128xf32>
      tpu.vector_store %arg6[%swap3A, %swap3A_40], %add3A {strides = array<i32>} : memref<1024x128xf32, #tpu.memory_space<vmem>>, vector<1024x128xf32>,
      %get3A_42 = arith.constant 0 : index
      %get3A_43 = arith.constant 0 : index
      %get3A_44 = vector.load %arg7[%get3A_42, %get3A_43] : memref<1024x128xf32, #tpu.memory_space<vmem>>, vector<1024x128xf32>
      %add3A_45 = arith.addf %get3A_44, %dot_general3A_28 : vector<1024x128xf32>
      %swap3A_46 = arith.constant 0 : index
      %swap3A_47 = arith.constant 0 : index
      %swap3A_48 = vector.load %arg7[%swap3A_46, %swap3A_47] : memref<1024x128xf32, #tpu.memory_space<vmem>>, vector<1024x128xf32>
      tpu.vector_store %arg7[%swap3A_46, %swap3A_47], %add3A_45 {strides = array<i32>} : memref<1024x128xf32, #tpu.memory_space<vmem>>, vector<1024x128xf32>,
    } else {
    }
    return
  }
  func.func @transform_0(%arg0: i32) -> (i32, i32) {
    %c0_i32 = arith.constant 0 : i32
    %c0_i32_0 = arith.constant 0 : i32
    return %arg0, %c0_i32 : i32, i32
  }
  func.func @transform_1(%arg0: i32) -> (i32, i32) {
    %c0_i32 = arith.constant 0 : i32
    %c0_i32_0 = arith.constant 0 : i32
    return %arg0, %c0_i32 : i32, i32
  }
  func.func @transform_2(%arg0: i32) -> (i32, i32) {
    %c0_i32 = arith.constant 0 : i32
    %c0_i32_0 = arith.constant 0 : i32
    return %arg0, %c0_i32 : i32, i32
  }
  func.func @transform_3(%arg0: i32) -> (i32, i32, i32) {
    %c0_i32 = arith.constant 0 : i32
    %c0_i32_0 = arith.constant 0 : i32
    %c0_i32_1 = arith.constant 0 : i32
    return %arg0, %c0_i32, %c0_i32_0 : i32, i32, i32
  }
  func.func @transform_4(%arg0: i32) -> (i32, i32) {
    %c0_i32 = arith.constant 0 : i32
    %c0_i32_0 = arith.constant 0 : i32
    %c0_i32_1 = arith.constant 0 : i32
    return %c0_i32, %c0_i32_0 : i32, i32
  }
  func.func @transform_5(%arg0: i32) -> (i32, i32) {
    %c0_i32 = arith.constant 0 : i32
    %c0_i32_0 = arith.constant 0 : i32
    %c0_i32_1 = arith.constant 0 : i32
    return %c0_i32, %c0_i32_0 : i32, i32
  }
  func.func @transform_6(%arg0: i32) -> (i32, i32) {
    %c0_i32 = arith.constant 0 : i32
    %c0_i32_0 = arith.constant 0 : i32
    %c0_i32_1 = arith.constant 0 : i32
    return %c0_i32, %c0_i32_0 : i32, i32
  }
}

module attributes {stable_mosaic.version = 14 : i64} {
  func.func @_k_proj(%arg0: i32, %arg1: memref<128x128xf32, #tpu.memory_space<vmem>>, %arg2: memref<128x128xf32, #tpu.memory_space<vmem>>, %arg3: memref<128x256xf32, #tpu.memory_space<vmem>>, %arg4: memref<8x256xf32, #tpu.memory_space<vmem>>, %arg5: memref<128x256xf32, #tpu.memory_space<vmem>>) attributes {dimension_semantics = [#tpu.dimension_semantics<arbitrary>], iteration_bounds = array<i64: 8>, scalar_prefetch = 0 : i64, scratch_operands = 0 : i64, tpu.core_type = #tpu.core_type<tc>, window_params = [{transform_indices = @transform_0, window_bounds = array<i64: 128, 128>}, {transform_indices = @transform_1, window_bounds = array<i64: 128, 128>}, {pipeline_mode = #tpu.pipeline_mode<synchronous>, transform_indices = @transform_2, window_bounds = array<i64: 128, 256>}, {pipeline_mode = #tpu.pipeline_mode<synchronous>, transform_indices = @transform_3, window_bounds = array<i64: 8, 256>}, {transform_indices = @transform_4, window_bounds = array<i64: 128, 256>}]} {
    %get3A = arith.constant 0 : index
    %get3A_0 = arith.constant 0 : index
    %get3A_1 = vector.load %arg2[%get3A, %get3A_0] : memref<128x128xf32, #tpu.memory_space<vmem>>, vector<128x128xf32>
    %get3A_2 = arith.constant 0 : index
    %get3A_3 = arith.constant 0 : index
    %get3A_4 = vector.load %arg1[%get3A_2, %get3A_3] : memref<128x128xf32, #tpu.memory_space<vmem>>, vector<128x128xf32>
    %gt3A = arith.constant 0.000000e+00 : f32
    %gt3A_5 = vector.broadcast %gt3A : f32 to vector<128x128xf32>
    %gt3A_6 = arith.cmpf ogt, %get3A_1, %gt3A_5 : vector<128x128xf32>
    %jit3A = arith.constant 1.000000e+00 : f32
    %broadcast_in_dim3A = vector.broadcast %jit3A : f32 to vector<128x128xf32>
    %select_n3A = arith.select %gt3A_6, %get3A_1, %broadcast_in_dim3A : vector<128x128xi1>, vector<128x128xf32>
    %div3A = arith.divf %get3A_4, %select_n3A : vector<128x128xf32>
    %get3A_7 = arith.constant 0 : index
    %get3A_8 = arith.constant 0 : index
    %get3A_9 = vector.load %arg3[%get3A_7, %get3A_8] : memref<128x256xf32, #tpu.memory_space<vmem>>, vector<128x256xf32>
    %dot_general3A = arith.constant dense<0.000000e+00> : vector<128x256xf32>
    %dot_general3A_10 = tpu.matmul %div3A, %get3A_9, %dot_general3A {dimension_numbers = #tpu.dot_dimension_numbers<[1], [0], [0], [1], [0, 0, 1, 1], [], []>, transpose_lhs_hint = false} : vector<128x128xf32>, vector<128x256xf32>, vector<128x256xf32> -> vector<128x256xf32>
    %get3A_11 = arith.constant 0 : index
    %get3A_12 = arith.constant 0 : index
    %get3A_13 = vector.load %arg4[%get3A_11, %get3A_12] : memref<8x256xf32, #tpu.memory_space<vmem>>, vector<1x256xf32>
    %add3A = vector.broadcast %get3A_13 : vector<1x256xf32> to vector<128x256xf32>
    %add3A_14 = arith.addf %dot_general3A_10, %add3A : vector<128x256xf32>
    %swap3A = arith.constant 0 : index
    %swap3A_15 = arith.constant 0 : index
    %swap3A_16 = vector.load %arg5[%swap3A, %swap3A_15] : memref<128x256xf32, #tpu.memory_space<vmem>>, vector<128x256xf32>
    tpu.vector_store %arg5[%swap3A, %swap3A_15], %add3A_14 {strides = array<i32>} : memref<128x256xf32, #tpu.memory_space<vmem>>, vector<128x256xf32>,
    return
  }
  func.func @transform_0(%arg0: i32) -> (i32, i32) {
    %c0_i32 = arith.constant 0 : i32
    %c0_i32_0 = arith.constant 0 : i32
    return %arg0, %c0_i32 : i32, i32
  }
  func.func @transform_1(%arg0: i32) -> (i32, i32) {
    %c0_i32 = arith.constant 0 : i32
    %c0_i32_0 = arith.constant 0 : i32
    return %arg0, %c0_i32 : i32, i32
  }
  func.func @transform_2(%arg0: i32) -> (i32, i32) {
    %c0_i32 = arith.constant 0 : i32
    %c0_i32_0 = arith.constant 0 : i32
    %c0_i32_1 = arith.constant 0 : i32
    return %c0_i32, %c0_i32_0 : i32, i32
  }
  func.func @transform_3(%arg0: i32) -> (i32, i32) {
    %c0_i32 = arith.constant 0 : i32
    %c0_i32_0 = arith.constant 0 : i32
    %c0_i32_1 = arith.constant 0 : i32
    return %c0_i32, %c0_i32_0 : i32, i32
  }
  func.func @transform_4(%arg0: i32) -> (i32, i32) {
    %c0_i32 = arith.constant 0 : i32
    %c0_i32_0 = arith.constant 0 : i32
    return %arg0, %c0_i32 : i32, i32
  }
}

</mosaic_0001>

<sc_bundles>
// kernel: kernel.13.cloned.1.call-start
scs
__scs_entry_jumppad:
0x0: {  	(pc) =	sbr.rel $0x88, $3  }
0x1: {  	(tag) =	ssettag $0x0;
	lr =	simm.s32 $0x1  }
0x2: {  	[smem:$0x3F95] =	sst lr;
	_ =	strace $0xD0000000  }
0x3: {  	_ = 	snop  }
0x4: {  	_ = 	snop  }
0x5: {  	_ = 	snop  }
0x6: {  	_ = 	snop  }
0x7: {  	_ = 	snop  }
__scs_overlays_trampoline_lowered:
0x8: {  	[smem:$0x3FA4] =	sst s0  }
0x9: {  	[smem:$0x3FA5] =	sst s1  }
0xa: {  	[smem:$0x3FA6] =	sst s2  }
0xb: {  	[smem:$0x3FA7] =	sst s3  }
0xc: {  	[smem:$0x3FA8] =	sst s4  }
0xd: {  	[smem:$0x3FA9] =	sst s5  }
0xe: {  	[smem:$0x3FAA] =	sst s6  }
0xf: {  	[smem:$0x3FAB] =	sst s7  }
0x10: {  	[smem:$0x3FAC] =	sst s8  }
0x11: {  	[smem:$0x3FAD] =	sst s9;
	s0 =	simm.s32 @!p0 $0x0  }
0x12: {  	s1 =	sld [smem:$0x3F93];
	s0 =	simm.s32 @p0 $0x1  }
0x13: {  	[smem:$0x3FAE] =	sst s0;
	s0 =	simm.s32 @!p1 $0x0  }
0x14: {  	s2 =	sld [smem:$0x3F92];
	s0 =	simm.s32 @p1 $0x1  }
0x15: {  	[smem:$0x3FAF] =	sst s0;
	s0 =	simm.s32 @!p2 $0x0  }
0x16: {  	s3 =	sld [smem:$0x3FDB];
	s0 =	simm.s32 @p2 $0x1  }
0x17: {  	s4 =	simm.s32 $0x1BF5;
	[smem:$0x3FB1] =	sst s0  }
0x18: {  	s0 =	sld [smem:$0x3F94];
	_ =	swait.ge [sflag:s4], $0x0  }
0x19: {  	s7 =	sld [smem:$0x3F95]  }
0x1a: {  	s8 =	sadd.s32 $0xFFFFE003, lr  }
0x1b: {  	s9 =	sadd.s32 $0xFFFFFEF7, lr;
	s5 =	simm.s32 $0xFFFFFFFF;
	p2 =	slt.u32 s8, $0xFFFFF086  }
0x1c: {  	p1 =	slt.u32 s9, $0xF7A;
	s5 =	simm.s32 @!p2 $0x0  }
0x1d: {  	s5 =	simm.s32 @p1 $0x1;
	p0 =	seq.s32 s7, s2  }
0x1e: {  	s7 =	smul.u32 @!p0 $0xF7A, s2;
	p2 =	seq.s32 @!p0 s5, $0x0  }
0x1f: {  	s9 =	smul.u32 $0xF7A, s1;
	s8 =	simm.s32 @!p0 $0x1BF5;
	p2 =	por !p2, p0  }
0x20: {  	[sflag:s8] =	ssyncset.s32 @!p0 $0xFFFFF086;
	s6 =	sadd.s32 @!p0 s3, s7;
	s7 =	simm.s32 @!p0 $0x108  }
0x21: {  	s3 =	sadd.s32 s3, s9;
	s6 =	sadd.s32 @!p0 $0x88, s6;
	s7 =	simm.s32 @p2 $0x1082  }
0x22: {  	[simem:s7], [sflag:s8] =	dma.local @!p0 [hbm:s6], $0xF7A  }
0x23: {  	s9 =	sor.u32 $0xD0000000, s2;
	s6 =	simm.s32 $0x108;
	_ =	swait.ge @!p0 [sflag:s8], $0x0  }
0x24: {  	s3 =	sadd.s32 $0x88, s3;
	s6 =	simm.s32 @!p1 $0x1082;
	[sflag:s4] =	ssyncset.s32 $0xFFFFF086  }
0x25: {  	[simem:s6], [sflag:s4] =	dma.local [hbm:s3], $0xF7A  }
0x26: {  	[smem:$0x3F95] =	sst s1;
	(tag) =	ssettag s2;
	_ =	strace s9  }
0x27: {  	s1 =	sld [smem:$0x3FA5]  }
0x28: {  	s2 =	sld [smem:$0x3FA6]  }
0x29: {  	s4 =	sld [smem:$0x3FA8]  }
0x2a: {  	p0 =	seq.s32 s5, $0x0;
	s5 =	sld [smem:$0x3FA9]  }
0x2b: {  	s6 =	sld [smem:$0x3FAA]  }
0x2c: {  	s7 =	sld [smem:$0x3FAB]  }
0x2d: {  	s3 =	simm.s32 $0x108;
	s8 =	sld [smem:$0x3FAC]  }
0x2e: {  	s3 =	simm.s32 @!p0 $0x1082;
	s9 =	sld [smem:$0x3FAD]  }
0x2f: {  	lr =	sadd.s32 s0, s3;
	s0 =	sld [smem:$0x3FA4]  }
0x30: {  	s3 =	sld [smem:$0x3FA7]  }
0x31: {  	[smem:$0x3FB0] =	sst s10  }
0x32: {  	s10 =	sld [smem:$0x3FAE];
	_ =	sdelay $0x3  }
0x33: {  	p0 =	seq.s32 s10, $0x1;
	s10 =	sld [smem:$0x3FB0];
	_ =	sdelay $0x3  }
0x34: {  	[smem:$0x3FB0] =	sst s10  }
0x35: {  	s10 =	sld [smem:$0x3FAF];
	_ =	sdelay $0x3  }
0x36: {  	p1 =	seq.s32 s10, $0x1;
	s10 =	sld [smem:$0x3FB0];
	_ =	sdelay $0x3  }
0x37: {  	[smem:$0x3FB0] =	sst s10  }
0x38: {  	s10 =	sld [smem:$0x3FB1]  }
0x39: {  	_ = 	snop;
	(pc) =	sbr.ind lr, $3  }
0x3a: {  	_ = 	snop  }
0x3b: {  	_ = 	snop  }
0x3c: {  	p2 =	seq.s32 s10, $0x1;
	s10 =	sld [smem:$0x3FB0]  }
0x3d: {  	_ =	shalt  }
0x3e: {  	_ =	shalt  }
0x3f: {  	_ =	shalt  }
0x40: {  	_ =	shalt  }
0x41: {  	_ =	shalt  }
0x42: {  	_ =	shalt  }
0x43: {  	_ =	shalt  }
0x44: {  	_ =	shalt  }
0x45: {  	_ =	shalt  }
0x46: {  	_ =	shalt  }
0x47: {  	_ =	shalt  }
0x48: {  	_ =	shalt  }
0x49: {  	_ =	shalt  }
0x4a: {  	_ =	shalt  }
0x4b: {  	_ =	shalt  }
0x4c: {  	_ =	shalt  }
0x4d: {  	_ =	shalt  }
0x4e: {  	_ =	shalt  }
0x4f: {  	_ =	shalt  }
0x50: {  	_ =	shalt  }
0x51: {  	_ =	shalt  }
0x52: {  	_ =	shalt  }
0x53: {  	_ =	shalt  }
0x54: {  	_ =	shalt  }
0x55: {  	_ =	shalt  }
0x56: {  	_ =	shalt  }
0x57: {  	_ =	shalt  }
0x58: {  	_ =	shalt  }
0x59: {  	_ =	shalt  }
0x5a: {  	_ =	shalt  }
0x5b: {  	_ =	shalt  }
0x5c: {  	_ =	shalt  }
0x5d: {  	_ =	shalt  }
0x5e: {  	_ =	shalt  }
0x5f: {  	_ =	shalt  }
0x60: {  	_ =	shalt  }
0x61: {  	_ =	shalt  }
0x62: {  	_ =	shalt  }
0x63: {  	_ =	shalt  }
0x64: {  	_ =	shalt  }
0x65: {  	_ =	shalt  }
0x66: {  	_ =	shalt  }
0x67: {  	_ =	shalt  }
0x68: {  	_ =	shalt  }
0x69: {  	_ =	shalt  }
0x6a: {  	_ =	shalt  }
0x6b: {  	_ =	shalt  }
0x6c: {  	_ =	shalt  }
0x6d: {  	_ =	shalt  }
0x6e: {  	_ =	shalt  }
0x6f: {  	_ =	shalt  }
0x70: {  	_ =	shalt  }
0x71: {  	_ =	shalt  }
0x72: {  	_ =	shalt  }
0x73: {  	_ =	shalt  }
0x74: {  	_ =	shalt  }
0x75: {  	_ =	shalt  }
0x76: {  	_ =	shalt  }
0x77: {  	_ =	shalt  }
0x78: {  	_ =	shalt  }
0x79: {  	_ =	shalt  }
0x7a: {  	_ =	shalt  }
0x7b: {  	_ =	shalt  }
0x7c: {  	_ =	shalt  }
0x7d: {  	_ =	shalt  }
0x7e: {  	_ =	shalt  }
0x7f: {  	_ =	shalt  }
0x80: {  	_ =	shalt  }
0x81: {  	_ =	shalt  }
0x82: {  	_ =	shalt  }
0x83: {  	_ =	shalt  }
0x84: {  	_ =	shalt  }
0x85: {  	_ =	shalt  }
0x86: {  	_ =	shalt  }
0x87: {  	_ =	shalt  }
.Lfunc_end0:
.L_simem_size_0:
called_computation_lowered:
.L_overlay_start_0:
0x88: {  	s2 =	sld [smem:$0x3FD9]  }
0x89: {  	s3 =	sld [smem:$0x3FFE];
	_ =	sdelay $0x1  }
0x8a: {  	s1 =	srdreg.scid  }
0x8b: {  	s0 =	sand.u32 $0x1, s1  }
0x8c: {  	s17 =	sshll.u32 s0, $0xA;
	s2 =	sadd.s32 s3, s2  }
0x8d: {  	s2 =	sadd.s32 s2, s17  }
0x8e: {  	[smem:$0x3FBC] =	sst s2  }
0x8f: {  	_ = 	snop  }
0x90: {  	s2 =	sld [smem:$0x3FD0];
	(tm) =	ssettm $0x1  }
0x91: {  	s18 =	sld [smem:$0x3FFB];
	_ =	sdelay $0x3  }
0x92: {  	_ =	strace s18  }
0x93: {  	s3 =	sld [smem:$0x3FFC];
	_ =	sdelay $0x3  }
0x94: {  	_ =	strace s3  }
0x95: {  	s3 =	sld [smem:$0x3FFD];
	_ =	sdelay $0x3  }
0x96: {  	_ =	strace s3  }
0x97: {  	_ =	strace $0x8FFFFFFF  }
0x98: {  	s19 =	sld [smem:$0x3FDB];
	_ =	sdelay $0x1  }
0x99: {  	s4 =	simm.s32 $_scs_section_size  }
0x9a: {  	s5 =	simm.s32 $_size__tile_overlayer_lowered;
	s6 =	simm.s32 $_tile_overlayer_lowered  }
0x9b: {  	s22 =	simm.s32 $0x1BFF;
	s21 =	sshll.u32 s6, $0x1;
	s3 =	sadd.s32 s4, s19  }
0x9c: {  	s7 =	simm.s32 $0x0;
	s20 =	sshll.u32 s5, $0x1;
	s5 =	sadd.s32 s21, s3  }
0x9d: {  	[timem:s7], [sflag:s22] =	dma.local [hbm:s5], s20  }
0x9e: {  	_ =	swait.ge [sflag:s22], s20  }
0x9f: {  	s4 =	ssub.s32 $0x0, s20;
	[sflag:s22] =	ssyncset.done $0x0  }
0xa0: {  	[sflag:s22] =	ssyncadd.s32 s4;
	_ =	sdelay $0x1  }
0xa1: {  	s23 =	simm.s32 $0x1B8B  }
0xa2: {  	_ =	swait.ge [sflag:s23], $0x1  }
0xa3: {  	[sflag:s23] =	ssyncset.done $0x0  }
0xa4: {  	s25 =	simm.s32 $0x1B8E;
	s24 =	sld [smem:$0x3FFE];
	[sflag:s23] =	ssyncadd.s32 $0xFFFFFFFF  }
0xa5: {  	s26 =	simm.s32 $execute0_lowered;
	[smem:$0x3FD2] =	sst s25  }
0xa6: {  	s5 =	sshll.u32 s26, $0x1;
	_ =	strace $0x80000046;
	[dreg:$0x1] =	wrdreg $0xFFFFFFFF  }
0xa7: {  	s28 =	simm.s32 $_size_execute0_lowered;
	s3 =	sadd.s32 s3, s5;
	[dreg:$0x0] =	wrdreg $0x0  }
0xa8: {  	s5 =	sshll.u32 s28, $0x1;
	[dreg:$0x2] =	wrdreg s3  }
0xa9: {  	[dreg:$0x3] =	wrdreg s5  }
0xaa: {  	[dreg:$0x4] =	wrdreg $0xC0  }
0xab: {  	_ =	task [dreg:s7], $0x5FFFF  }
0xac: {  	[dreg:$0x1] =	wrdreg $0xFFFFFFFF  }
0xad: {  	[dreg:$0x0] =	wrdreg $0x60  }
0xae: {  	[dreg:$0x2] =	wrdreg s24  }
0xaf: {  	[dreg:$0x3] =	wrdreg s2  }
0xb0: {  	[dreg:$0x4] =	wrdreg $0x10800  }
0xb1: {  	[dreg:$0x5] =	wrdreg $0x9  }
0xb2: {  	_ =	task.clear_ibuf [dreg:s7], $0x6FFFF;
	_ =	strace $0x90000046  }
0xb3: {  	s29 =	simm.s32 $0x9;
	_ =	strace $0x80000048  }
0xb4: {  	_ =	swait.ge [sflag:s29], $0x1  }
0xb5: {  	[sflag:s29] =	ssyncadd.s32 $0xFFFFFFFF  }
0xb6: {  	_ =	strace $0x90000048  }
0xb7: {  	_ =	sfence  }
0xb8: {  	s30 =	sld [smem:$0x0];
	_ =	sdelay $0x2  }
0xb9: {  	s31 =	sshll.u32 s1, $0xD;
	s1 =	sshrl.u32 s1, $0x2  }
0xba: {  	s3 =	sand.u32 $0x4000, s31;
	s1 =	sadd.s32 s1, s30  }
0xbb: {  	s0 =	sor.u32 s3, s0;
	s1 =	sshll.u32 s1, $0x11  }
0xbc: {  	s0 =	sor.u32 s1, s0  }
0xbd: {  	s0 =	sadd.s32 $0x8F2B, s0  }
0xbe: {  	[sflag:s0] =	ssyncadd.remote.s32 $0x1  }
0xbf: {  	_ =	sfence.sel $0xFFFF  }
0xc0: {  	[dreg:$0x0] =	wrdreg $0xFFFFFFFF;
	(pc) =	sbr.abs _section_cstart, $3  }
0xc1: {  	[dreg:$0x1] =	wrdreg $0xFFFFFFFF  }
0xc2: {  	_ =	task.clear_ibuf [dreg:s7], $0x2FFFF;
	_ =	strace $0x9FFFFFFF  }
0xc3: {  	(tm) =	ssettm $0x7FFFFFFF  }
tec
execute0_lowered:
.L_overlay_start_1:
0x0: {  	(tag) =	ssettag $0x1  }
0x1: {  	s6 =	rddreg [dreg:$0x0];
	s1 =	srdreg.scid  }
0x2: {  	s0 =	stileid.u32;
	s2 =	rddreg [dreg:$0x1]  }
0x3: {  	s3 =	rddreg [dreg:$0x2];
	s4 =	simm.s32 $0x0;
	s7 =	smul.u32 $0xC400, s0  }
0x4: {  	s5 =	sand.u32 $0x1, s1;
	s1 =	rddreg [dreg:$0x3];
	s9 =	smul.u32 $0x18700, s0  }
0x5: {  	s13 =	simm.s32 $0x0;
	[smem:$0x7FF] =	sst s4;
	s8 =	smul.u32 $0x6200, s5  }
0x6: {  	s31 =	sshll.u32 s0, $0x6;
	s26 =	smul.u32 $0x187000, s5;
	s29 =	ssub.s32 $0x2, s5  }
0x7: {  	_ =	strace $0x80000047;
	s5 =	sadd.s32 $0x33800, s6;
	s11 =	sshrl.u32 s29, $0x1  }
0x8: {  	s12 =	sadd.s32 s9, s3;
	s7 =	sadd.s32 s8, s7;
	s28 =	sadd.s32 s9, s26  }
0x9: {  	s30 =	ssub.s32 s29, s11;
	s9 =	simm.s32 $0x80;
	s7 =	sshrl.u32 s7, $0x3  }
0xa: {  	s11 =	sor.u32 $0x1C01, s31;
	s10 =	sadd.s32 s7, s6;
	s7 =	sshrl.u32 s28, $0x3  }
0xb: {  	s12 =	sshrl.u32 s12, $0x3;
	s6 =	sadd.s32 s7, s6;
	s7 =	smax.u32 s30, $0x1  }
0xc: {  	s8 =	sadd.s32 $0x2800, s10;
	s10 =	simm.s32 $0x1;
	s6 =	sadd.s32 $0x64800, s6  }
.LBB2_1:
0xd: {  	[tilespmem:s9], [sflag:$0x1] =	stream.linear.gather [hbm4b:s5+s4], $0x1000, $0x38;
	[tilespmem:$0x19780] =	vst v63  }
0xe: {  	_ =	swait.ge [sflag:s10], $0x1000  }
0xf: {  	[sflag:s10] =	ssyncset.done $0x0  }
0x10: {  	[sflag:s10] =	ssyncadd.s32 $0xFFFFF000  }
0x11: {  	[spmem:s12], [sflag:s11] =	dma.local [hbm:s2], $0x30E0  }
0x12: {  	_ =	swait.ge [sflag:s10], $0x30E0  }
0x13: {  	[sflag:s10] =	ssyncset.done $0x0  }
0x14: {  	[sflag:s10] =	ssyncadd.s32 $0xFFFFCF20  }
0x15: {  	s14 =	sadd.s32 $0x0, s8;
	[bflag:$0x0] =	sbarrier.arrive $0xFFFF  }
0x16: {  	[tilespmem:s4], [sflag:$0x1] =	stream.linear.gather [hbm4b:s14+s4], $0x80, $0x38;
	[tilespmem:$0x19780] =	vst v63  }
0x17: {  	_ =	swait.ge [sflag:s10], $0x80  }
0x18: {  	[sflag:s10] =	ssyncset.done $0x0  }
0x19: {  	[sflag:s10] =	ssyncadd.s32 $0xFFFFFF80  }
0x1a: {  	[spmem:s3] =	stream.indirect.scatter.add.f32 [tilespmem:s9], [sflag:$0x1], $0x20, s4, s9, $0xb8;
	[tilespmem:$0x19780] =	vst v63  }
0x1b: {  	_ =	swait.ge [sflag:s10], $0x1000  }
0x1c: {  	s15 =	simm.s32 $0x20;
	s14 =	simm.s32 $0x10;
	[sflag:s10] =	ssyncset.done $0x0  }
.LBB2_2:
0x1d: {  	s16 =	sadd.s32 s14, s8  }
0x1e: {  	[sflag:s10] =	ssyncadd.s32 $0xFFFFF000;
	s14 =	smov.u32 s15;
	s17 =	sadd.s32 $0x10, s15  }
0x1f: {  	[tilespmem:s4], [sflag:$0x1] =	stream.linear.gather [hbm4b:s16+s4], $0x80, $0x38;
	[tilespmem:$0x19780] =	vst v63  }
0x20: {  	p0 =	sne.s32 s15, $0xC30;
	_ =	swait.ge [sflag:s10], $0x80  }
.Ltmp0:
0x21: {  	[sflag:s10] =	ssyncset.done $0x0;
	(pc) =	sbr.rel @p0 .LBB2_2-.Ltmp0, $4  }
0x22: {  	[sflag:s10] =	ssyncadd.s32 $0xFFFFFF80  }
0x23: {  	[spmem:s3] =	stream.indirect.scatter.add.f32 [tilespmem:s9], [sflag:$0x1], $0x20, s4, s9, $0xb8;
	[tilespmem:$0x19780] =	vst v63  }
0x24: {  	_ =	swait.ge [sflag:s10], $0x1000  }
0x25: {  	s15 =	smov.u32 s17;
	[sflag:s10] =	ssyncset.done $0x0  }
0x26: {  	s14 =	sadd.s32 s14, s8;
	[sflag:s10] =	ssyncadd.s32 $0xFFFFF000  }
0x27: {  	[tilespmem:s4], [sflag:$0x1] =	stream.linear.gather [hbm4b:s14+s4], $0x80, $0x38;
	[tilespmem:$0x19780] =	vst v63  }
0x28: {  	_ =	swait.ge [sflag:s10], $0x80  }
0x29: {  	[sflag:s10] =	ssyncset.done $0x0  }
0x2a: {  	[sflag:s10] =	ssyncadd.s32 $0xFFFFFF80  }
0x2b: {  	[spmem:s3] =	stream.indirect.scatter.add.f32 [tilespmem:s9], [sflag:$0x1], $0x20, s4, s9, $0xb8;
	[tilespmem:$0x19780] =	vst v63  }
0x2c: {  	_ =	swait.ge [sflag:s10], $0x1000  }
0x2d: {  	[sflag:s10] =	ssyncset.done $0x0  }
0x2e: {  	s13 =	sadd.s32 $0x1, s13;
	[sflag:s10] =	ssyncadd.s32 $0xFFFFF000  }
0x2f: {  	p0 =	sne.s32 s13, s7;
	[bflag:$0x0] =	sbarrier.arrive $0xFFFF  }
0x30: {  	[hbm:s6], [sflag:s11] =	dma.local [spmem:s12], $0x30E0  }
.Ltmp1:
0x31: {  	_ =	swait.ge [sflag:s10], $0x30E0;
	(pc) =	sbr.rel @p0 .LBB2_1-.Ltmp1, $3  }
0x32: {  	[sflag:s10] =	ssyncset.done $0x0  }
0x33: {  	[sflag:s10] =	ssyncadd.s32 $0xFFFFCF20  }
0x34: {  	[bflag:$0x0] =	sbarrier.arrive $0xFFFF;
	_ =	sdelay $0x1  }
0x35: {  	_ =	sfence.sel $0x180000  }
0x36: {  	[bflag:$0x0] =	sbarrier.arrive $0xFFFF  }
0x37: {  	p0 =	sne.s32 s0, $0x0;
	_ =	strace $0x90000047  }
0x38: {  	s0 =	sadd.s32 @!p0 $0x100000, s1;
	[bflag:$0x2] =	sbarrier.arrive $0xFFFF  }
0x39: {  	[sflag:s0] =	ssyncadd.tile.s32 @!p0 $0x1;
	_ =	shalt  }
.Lfunc_end2:
_tile_overlayer_lowered:
.L_overlay_start_2:
0x3a: {  	(tag) =	ssettag $0x2  }
0x3b: {  	s0 =	rddreg [dreg:$0x0];
	s2 =	stileid.u32  }
0x3c: {  	s1 =	rddreg [dreg:$0x1];
	p0 =	sne.s32 s2, $0x0  }
0x3d: {  	s3 =	rddreg [dreg:$0x2];
	[bflag:$0x3] =	sbarrier.arrive $0xFFFF;
	s2 =	simm.s32 @!p0 $0x1C01  }
0x3e: {  	[timem:s3], [sflag:s2] =	dma.local @!p0 [hbm:s0], s1  }
0x3f: {  	s0 =	simm.s32 @!p0 $0x1  }
0x40: {  	_ =	swait.ge @!p0 [sflag:s0], s1  }
0x41: {  	s1 =	ssub.s32 @!p0 $0x0, s1;
	[sflag:s0] =	ssyncset.done @!p0 $0x0  }
0x42: {  	[sflag:s0] =	ssyncadd.s32 @!p0 s1  }
0x43: {  	[bflag:$0x3] =	sbarrier.arrive $0xFFFF  }
0x44: {  	_ =	shalt  }

// kernel: kernel.16.cloned.1.call-start
scs
__scs_entry_jumppad:
0x0: {  	(pc) =	sbr.rel $0x88, $3  }
0x1: {  	(tag) =	ssettag $0x0;
	lr =	simm.s32 $0x1  }
0x2: {  	[smem:$0x3F95] =	sst lr;
	_ =	strace $0xD0000000  }
0x3: {  	_ = 	snop  }
0x4: {  	_ = 	snop  }
0x5: {  	_ = 	snop  }
0x6: {  	_ = 	snop  }
0x7: {  	_ = 	snop  }
__scs_overlays_trampoline_lowered:
0x8: {  	[smem:$0x3FA4] =	sst s0  }
0x9: {  	[smem:$0x3FA5] =	sst s1  }
0xa: {  	[smem:$0x3FA6] =	sst s2  }
0xb: {  	[smem:$0x3FA7] =	sst s3  }
0xc: {  	[smem:$0x3FA8] =	sst s4  }
0xd: {  	[smem:$0x3FA9] =	sst s5  }
0xe: {  	[smem:$0x3FAA] =	sst s6  }
0xf: {  	[smem:$0x3FAB] =	sst s7  }
0x10: {  	[smem:$0x3FAC] =	sst s8  }
0x11: {  	[smem:$0x3FAD] =	sst s9;
	s0 =	simm.s32 @!p0 $0x0  }
0x12: {  	s1 =	sld [smem:$0x3F93];
	s0 =	simm.s32 @p0 $0x1  }
0x13: {  	[smem:$0x3FAE] =	sst s0;
	s0 =	simm.s32 @!p1 $0x0  }
0x14: {  	s2 =	sld [smem:$0x3F92];
	s0 =	simm.s32 @p1 $0x1  }
0x15: {  	[smem:$0x3FAF] =	sst s0;
	s0 =	simm.s32 @!p2 $0x0  }
0x16: {  	s3 =	sld [smem:$0x3FDB];
	s0 =	simm.s32 @p2 $0x1  }
0x17: {  	s4 =	simm.s32 $0x1BF5;
	[smem:$0x3FB1] =	sst s0  }
0x18: {  	s0 =	sld [smem:$0x3F94];
	_ =	swait.ge [sflag:s4], $0x0  }
0x19: {  	s7 =	sld [smem:$0x3F95]  }
0x1a: {  	s8 =	sadd.s32 $0xFFFFE003, lr  }
0x1b: {  	s9 =	sadd.s32 $0xFFFFFEF7, lr;
	s5 =	simm.s32 $0xFFFFFFFF;
	p2 =	slt.u32 s8, $0xFFFFF086  }
0x1c: {  	p1 =	slt.u32 s9, $0xF7A;
	s5 =	simm.s32 @!p2 $0x0  }
0x1d: {  	s5 =	simm.s32 @p1 $0x1;
	p0 =	seq.s32 s7, s2  }
0x1e: {  	s7 =	smul.u32 @!p0 $0xF7A, s2;
	p2 =	seq.s32 @!p0 s5, $0x0  }
0x1f: {  	s9 =	smul.u32 $0xF7A, s1;
	s8 =	simm.s32 @!p0 $0x1BF5;
	p2 =	por !p2, p0  }
0x20: {  	[sflag:s8] =	ssyncset.s32 @!p0 $0xFFFFF086;
	s6 =	sadd.s32 @!p0 s3, s7;
	s7 =	simm.s32 @!p0 $0x108  }
0x21: {  	s3 =	sadd.s32 s3, s9;
	s6 =	sadd.s32 @!p0 $0x88, s6;
	s7 =	simm.s32 @p2 $0x1082  }
0x22: {  	[simem:s7], [sflag:s8] =	dma.local @!p0 [hbm:s6], $0xF7A  }
0x23: {  	s9 =	sor.u32 $0xD0000000, s2;
	s6 =	simm.s32 $0x108;
	_ =	swait.ge @!p0 [sflag:s8], $0x0  }
0x24: {  	s3 =	sadd.s32 $0x88, s3;
	s6 =	simm.s32 @!p1 $0x1082;
	[sflag:s4] =	ssyncset.s32 $0xFFFFF086  }
0x25: {  	[simem:s6], [sflag:s4] =	dma.local [hbm:s3], $0xF7A  }
0x26: {  	[smem:$0x3F95] =	sst s1;
	(tag) =	ssettag s2;
	_ =	strace s9  }
0x27: {  	s1 =	sld [smem:$0x3FA5]  }
0x28: {  	s2 =	sld [smem:$0x3FA6]  }
0x29: {  	s4 =	sld [smem:$0x3FA8]  }
0x2a: {  	p0 =	seq.s32 s5, $0x0;
	s5 =	sld [smem:$0x3FA9]  }
0x2b: {  	s6 =	sld [smem:$0x3FAA]  }
0x2c: {  	s7 =	sld [smem:$0x3FAB]  }
0x2d: {  	s3 =	simm.s32 $0x108;
	s8 =	sld [smem:$0x3FAC]  }
0x2e: {  	s3 =	simm.s32 @!p0 $0x1082;
	s9 =	sld [smem:$0x3FAD]  }
0x2f: {  	lr =	sadd.s32 s0, s3;
	s0 =	sld [smem:$0x3FA4]  }
0x30: {  	s3 =	sld [smem:$0x3FA7]  }
0x31: {  	[smem:$0x3FB0] =	sst s10  }
0x32: {  	s10 =	sld [smem:$0x3FAE];
	_ =	sdelay $0x3  }
0x33: {  	p0 =	seq.s32 s10, $0x1;
	s10 =	sld [smem:$0x3FB0];
	_ =	sdelay $0x3  }
0x34: {  	[smem:$0x3FB0] =	sst s10  }
0x35: {  	s10 =	sld [smem:$0x3FAF];
	_ =	sdelay $0x3  }
0x36: {  	p1 =	seq.s32 s10, $0x1;
	s10 =	sld [smem:$0x3FB0];
	_ =	sdelay $0x3  }
0x37: {  	[smem:$0x3FB0] =	sst s10  }
0x38: {  	s10 =	sld [smem:$0x3FB1]  }
0x39: {  	_ = 	snop;
	(pc) =	sbr.ind lr, $3  }
0x3a: {  	_ = 	snop  }
0x3b: {  	_ = 	snop  }
0x3c: {  	p2 =	seq.s32 s10, $0x1;
	s10 =	sld [smem:$0x3FB0]  }
0x3d: {  	_ =	shalt  }
0x3e: {  	_ =	shalt  }
0x3f: {  	_ =	shalt  }
0x40: {  	_ =	shalt  }
0x41: {  	_ =	shalt  }
0x42: {  	_ =	shalt  }
0x43: {  	_ =	shalt  }
0x44: {  	_ =	shalt  }
0x45: {  	_ =	shalt  }
0x46: {  	_ =	shalt  }
0x47: {  	_ =	shalt  }
0x48: {  	_ =	shalt  }
0x49: {  	_ =	shalt  }
0x4a: {  	_ =	shalt  }
0x4b: {  	_ =	shalt  }
0x4c: {  	_ =	shalt  }
0x4d: {  	_ =	shalt  }
0x4e: {  	_ =	shalt  }
0x4f: {  	_ =	shalt  }
0x50: {  	_ =	shalt  }
0x51: {  	_ =	shalt  }
0x52: {  	_ =	shalt  }
0x53: {  	_ =	shalt  }
0x54: {  	_ =	shalt  }
0x55: {  	_ =	shalt  }
0x56: {  	_ =	shalt  }
0x57: {  	_ =	shalt  }
0x58: {  	_ =	shalt  }
0x59: {  	_ =	shalt  }
0x5a: {  	_ =	shalt  }
0x5b: {  	_ =	shalt  }
0x5c: {  	_ =	shalt  }
0x5d: {  	_ =	shalt  }
0x5e: {  	_ =	shalt  }
0x5f: {  	_ =	shalt  }
0x60: {  	_ =	shalt  }
0x61: {  	_ =	shalt  }
0x62: {  	_ =	shalt  }
0x63: {  	_ =	shalt  }
0x64: {  	_ =	shalt  }
0x65: {  	_ =	shalt  }
0x66: {  	_ =	shalt  }
0x67: {  	_ =	shalt  }
0x68: {  	_ =	shalt  }
0x69: {  	_ =	shalt  }
0x6a: {  	_ =	shalt  }
0x6b: {  	_ =	shalt  }
0x6c: {  	_ =	shalt  }
0x6d: {  	_ =	shalt  }
0x6e: {  	_ =	shalt  }
0x6f: {  	_ =	shalt  }
0x70: {  	_ =	shalt  }
0x71: {  	_ =	shalt  }
0x72: {  	_ =	shalt  }
0x73: {  	_ =	shalt  }
0x74: {  	_ =	shalt  }
0x75: {  	_ =	shalt  }
0x76: {  	_ =	shalt  }
0x77: {  	_ =	shalt  }
0x78: {  	_ =	shalt  }
0x79: {  	_ =	shalt  }
0x7a: {  	_ =	shalt  }
0x7b: {  	_ =	shalt  }
0x7c: {  	_ =	shalt  }
0x7d: {  	_ =	shalt  }
0x7e: {  	_ =	shalt  }
0x7f: {  	_ =	shalt  }
0x80: {  	_ =	shalt  }
0x81: {  	_ =	shalt  }
0x82: {  	_ =	shalt  }
0x83: {  	_ =	shalt  }
0x84: {  	_ =	shalt  }
0x85: {  	_ =	shalt  }
0x86: {  	_ =	shalt  }
0x87: {  	_ =	shalt  }
.Lfunc_end0:
.L_simem_size_0:
called_computation.1_lowered:
.L_overlay_start_0:
0x88: {  	s2 =	sld [smem:$0x3FD9]  }
0x89: {  	s3 =	sld [smem:$0x3FFE];
	_ =	sdelay $0x1  }
0x8a: {  	s1 =	srdreg.scid  }
0x8b: {  	s0 =	sand.u32 $0x1, s1  }
0x8c: {  	s17 =	sshll.u32 s0, $0xA;
	s2 =	sadd.s32 s3, s2  }
0x8d: {  	s2 =	sadd.s32 s2, s17  }
0x8e: {  	[smem:$0x3FBC] =	sst s2  }
0x8f: {  	_ = 	snop  }
0x90: {  	s2 =	sld [smem:$0x3FD0];
	(tm) =	ssettm $0x1  }
0x91: {  	s18 =	sld [smem:$0x3FFB];
	_ =	sdelay $0x3  }
0x92: {  	_ =	strace s18  }
0x93: {  	s3 =	sld [smem:$0x3FFC];
	_ =	sdelay $0x3  }
0x94: {  	_ =	strace s3  }
0x95: {  	s3 =	sld [smem:$0x3FFD];
	_ =	sdelay $0x3  }
0x96: {  	_ =	strace s3  }
0x97: {  	_ =	strace $0x8FFFFFFF  }
0x98: {  	s19 =	sld [smem:$0x3FDB];
	_ =	sdelay $0x1  }
0x99: {  	s4 =	simm.s32 $_scs_section_size  }
0x9a: {  	s5 =	simm.s32 $_size__tile_overlayer_lowered;
	s6 =	simm.s32 $_tile_overlayer_lowered  }
0x9b: {  	s22 =	simm.s32 $0x1BFF;
	s21 =	sshll.u32 s6, $0x1;
	s3 =	sadd.s32 s4, s19  }
0x9c: {  	s7 =	simm.s32 $0x0;
	s20 =	sshll.u32 s5, $0x1;
	s5 =	sadd.s32 s21, s3  }
0x9d: {  	[timem:s7], [sflag:s22] =	dma.local [hbm:s5], s20  }
0x9e: {  	_ =	swait.ge [sflag:s22], s20  }
0x9f: {  	s4 =	ssub.s32 $0x0, s20;
	[sflag:s22] =	ssyncset.done $0x0  }
0xa0: {  	[sflag:s22] =	ssyncadd.s32 s4;
	_ =	sdelay $0x1  }
0xa1: {  	s23 =	simm.s32 $0x1B8B  }
0xa2: {  	_ =	swait.ge [sflag:s23], $0x1  }
0xa3: {  	[sflag:s23] =	ssyncset.done $0x0  }
0xa4: {  	s25 =	simm.s32 $0x1B8E;
	s24 =	sld [smem:$0x3FFE];
	[sflag:s23] =	ssyncadd.s32 $0xFFFFFFFF  }
0xa5: {  	s26 =	simm.s32 $execute0_lowered;
	[smem:$0x3FD2] =	sst s25  }
0xa6: {  	s5 =	sshll.u32 s26, $0x1;
	_ =	strace $0x80000049;
	[dreg:$0x1] =	wrdreg $0xFFFFFFFF  }
0xa7: {  	s28 =	simm.s32 $_size_execute0_lowered;
	s3 =	sadd.s32 s3, s5;
	[dreg:$0x0] =	wrdreg $0x0  }
0xa8: {  	s5 =	sshll.u32 s28, $0x1;
	[dreg:$0x2] =	wrdreg s3  }
0xa9: {  	[dreg:$0x3] =	wrdreg s5  }
0xaa: {  	[dreg:$0x4] =	wrdreg $0xC0  }
0xab: {  	_ =	task [dreg:s7], $0x5FFFF  }
0xac: {  	[dreg:$0x1] =	wrdreg $0xFFFFFFFF  }
0xad: {  	[dreg:$0x0] =	wrdreg $0x60  }
0xae: {  	[dreg:$0x2] =	wrdreg s24  }
0xaf: {  	[dreg:$0x3] =	wrdreg s2  }
0xb0: {  	[dreg:$0x4] =	wrdreg $0x11000  }
0xb1: {  	[dreg:$0x5] =	wrdreg $0x9  }
0xb2: {  	_ =	task.clear_ibuf [dreg:s7], $0x6FFFF;
	_ =	strace $0x90000049  }
0xb3: {  	s29 =	simm.s32 $0x9;
	_ =	strace $0x8000004B  }
0xb4: {  	_ =	swait.ge [sflag:s29], $0x1  }
0xb5: {  	[sflag:s29] =	ssyncadd.s32 $0xFFFFFFFF  }
0xb6: {  	_ =	strace $0x9000004B  }
0xb7: {  	_ =	sfence  }
0xb8: {  	s30 =	sld [smem:$0x0];
	_ =	sdelay $0x2  }
0xb9: {  	s31 =	sshll.u32 s1, $0xD;
	s1 =	sshrl.u32 s1, $0x2  }
0xba: {  	s3 =	sand.u32 $0x4000, s31;
	s1 =	sadd.s32 s1, s30  }
0xbb: {  	s0 =	sor.u32 s3, s0;
	s1 =	sshll.u32 s1, $0x11  }
0xbc: {  	s0 =	sor.u32 s1, s0  }
0xbd: {  	s0 =	sadd.s32 $0x8F2B, s0  }
0xbe: {  	[sflag:s0] =	ssyncadd.remote.s32 $0x1  }
0xbf: {  	_ =	sfence.sel $0xFFFF  }
0xc0: {  	[dreg:$0x0] =	wrdreg $0xFFFFFFFF;
	(pc) =	sbr.abs _section_cstart, $3  }
0xc1: {  	[dreg:$0x1] =	wrdreg $0xFFFFFFFF  }
0xc2: {  	_ =	task.clear_ibuf [dreg:s7], $0x2FFFF;
	_ =	strace $0x9FFFFFFF  }
0xc3: {  	(tm) =	ssettm $0x7FFFFFFF  }
tec
execute0_lowered:
.L_overlay_start_1:
0x0: {  	(tag) =	ssettag $0x1  }
0x1: {  	s9 =	rddreg [dreg:$0x0];
	s1 =	srdreg.scid  }
0x2: {  	s0 =	stileid.u32;
	s2 =	rddreg [dreg:$0x1]  }
0x3: {  	s3 =	rddreg [dreg:$0x2];
	s4 =	simm.s32 $0x0;
	s18 =	simm.s32 $0x2  }
0x4: {  	s19 =	simm.s32 $0x80;
	s20 =	simm.s32 $0x100;
	s21 =	simm.s32 $0x1  }
0x5: {  	s10 =	sand.u32 $0x1, s1;
	s5 =	smul.u32 $0xC400, s0;
	s1 =	rddreg [dreg:$0x3]  }
0x6: {  	s22 =	simm.s32 $0x0;
	[smem:$0x7FF] =	sst s4;
	s12 =	smul.u32 $0x18700, s0  }
0x7: {  	s7 =	sadd.s32 $0x128000, s9;
	s8 =	sadd.s32 $0xF7200, s9;
	s6 =	smul.u32 $0x6200, s10  }
0x8: {  	s13 =	sshll.u32 s0, $0x6;
	s11 =	smul.u32 $0x61C000, s10;
	s10 =	ssub.s32 $0x2, s10  }
0x9: {  	_ =	strace $0x8000004A;
	s31 =	sshrl.u32 s10, $0x1;
	s5 =	sadd.s32 s6, s5  }
0xa: {  	s17 =	sadd.s32 s12, s3;
	s11 =	sadd.s32 s12, s11;
	s5 =	sshrl.u32 s5, $0x3  }
0xb: {  	s6 =	sadd.s32 $0x158E00, s9;
	s11 =	sshrl.u32 s11, $0x3;
	s16 =	sadd.s32 s5, s9  }
0xc: {  	s5 =	sadd.s32 $0x33A00, s9;
	s14 =	sadd.s32 s11, s9;
	s9 =	sor.u32 $0x1C02, s13  }
0xd: {  	s15 =	ssub.s32 s10, s31;
	s10 =	sadd.s32 $0x310C00, s14;
	s11 =	sadd.s32 $0x341A00, s14  }
0xe: {  	s17 =	sshrl.u32 s17, $0x3;
	s12 =	sadd.s32 $0x372800, s14;
	s13 =	sadd.s32 $0x3A3600, s14  }
0xf: {  	s14 =	smax.u32 s15, $0x1;
	s15 =	sadd.s32 $0x1B000, s16;
	s16 =	sadd.s32 $0x2800, s16  }
.LBB2_1:
0x10: {  	[spmem:s17], [sflag:s9] =	dma.local [hbm:s2], $0x30E0  }
0x11: {  	_ =	swait.ge [sflag:s18], $0x30E0  }
0x12: {  	[sflag:s18] =	ssyncset.done $0x0  }
0x13: {  	[sflag:s18] =	ssyncadd.s32 $0xFFFFCF20  }
0x14: {  	s23 =	sadd.s32 $0x0, s16;
	[bflag:$0x0] =	sbarrier.arrive $0xFFFF  }
0x15: {  	[tilespmem:s19], [sflag:$0x2] =	stream.linear.gather [hbm4b:s23+s4], $0x80, $0x38;
	[tilespmem:$0x19800] =	vst v63  }
0x16: {  	_ =	swait.ge [sflag:s18], $0x80  }
0x17: {  	[sflag:s18] =	ssyncset.done $0x0  }
0x18: {  	s31 =	sadd.s32 $0x0, s15;
	[sflag:s18] =	ssyncadd.s32 $0xFFFFFF80  }
0x19: {  	[tilespmem:s4], [sflag:$0x2] =	stream.linear.gather [hbm4b:s31+s4], $0x80, $0x38;
	[tilespmem:$0x19800] =	vst v63  }
0x1a: {  	_ =	swait.ge [sflag:s18], $0x80  }
0x1b: {  	[sflag:s18] =	ssyncset.done $0x0  }
0x1c: {  	[sflag:s18] =	ssyncadd.s32 $0xFFFFFF80  }
0x1d: {  	[tilespmem:s20], [sflag:$0x1] =	stream.indirect.gather [hbm4b:s5+s19], $0x20, s4, s19, $0xb8;
	[tilespmem:$0x19800] =	vst v63  }
0x1e: {  	_ =	swait.ge [sflag:s21], $0x1000  }
0x1f: {  	[sflag:s21] =	ssyncset.done $0x0  }
0x20: {  	[sflag:s21] =	ssyncadd.s32 $0xFFFFF000  }
0x21: {  	[spmem:s3] =	stream.indirect.scatter.add.f32 [tilespmem:s20], [sflag:$0x2], $0x20, s19, s19, $0xb8;
	[tilespmem:$0x19800] =	vst v63  }
0x22: {  	_ =	swait.ge [sflag:s18], $0x1000  }
0x23: {  	s24 =	simm.s32 $0x20;
	s23 =	simm.s32 $0x10;
	[sflag:s18] =	ssyncset.done $0x0  }
.LBB2_2:
0x24: {  	s25 =	sadd.s32 s23, s16  }
0x25: {  	[sflag:s18] =	ssyncadd.s32 $0xFFFFF000;
	s26 =	smov.u32 s24;
	s28 =	sadd.s32 $0x10, s24  }
0x26: {  	[tilespmem:s19], [sflag:$0x2] =	stream.linear.gather [hbm4b:s25+s4], $0x80, $0x38;
	[tilespmem:$0x19800] =	vst v63  }
0x27: {  	p0 =	sne.s32 s24, $0xC30;
	_ =	swait.ge [sflag:s18], $0x80  }
0x28: {  	[sflag:s18] =	ssyncset.done $0x0  }
0x29: {  	s24 =	sadd.s32 s23, s15;
	s23 =	smov.u32 s26;
	[sflag:s18] =	ssyncadd.s32 $0xFFFFFF80  }
0x2a: {  	[tilespmem:s4], [sflag:$0x2] =	stream.linear.gather [hbm4b:s24+s4], $0x80, $0x38;
	[tilespmem:$0x19800] =	vst v63  }
0x2b: {  	_ =	swait.ge [sflag:s18], $0x80  }
0x2c: {  	[sflag:s18] =	ssyncset.done $0x0  }
0x2d: {  	[sflag:s18] =	ssyncadd.s32 $0xFFFFFF80  }
0x2e: {  	[tilespmem:s20], [sflag:$0x1] =	stream.indirect.gather [hbm4b:s5+s19], $0x20, s4, s19, $0xb8;
	[tilespmem:$0x19800] =	vst v63  }
0x2f: {  	_ =	swait.ge [sflag:s21], $0x1000  }
.Ltmp0:
0x30: {  	[sflag:s21] =	ssyncset.done $0x0;
	(pc) =	sbr.rel @p0 .LBB2_2-.Ltmp0, $4  }
0x31: {  	[sflag:s21] =	ssyncadd.s32 $0xFFFFF000  }
0x32: {  	[spmem:s3] =	stream.indirect.scatter.add.f32 [tilespmem:s20], [sflag:$0x2], $0x20, s19, s19, $0xb8;
	[tilespmem:$0x19800] =	vst v63  }
0x33: {  	_ =	swait.ge [sflag:s18], $0x1000  }
0x34: {  	s24 =	smov.u32 s28;
	[sflag:s18] =	ssyncset.done $0x0  }
0x35: {  	s24 =	sadd.s32 s23, s16;
	[sflag:s18] =	ssyncadd.s32 $0xFFFFF000  }
0x36: {  	[tilespmem:s19], [sflag:$0x2] =	stream.linear.gather [hbm4b:s24+s4], $0x80, $0x38;
	[tilespmem:$0x19800] =	vst v63  }
0x37: {  	_ =	swait.ge [sflag:s18], $0x80  }
0x38: {  	[sflag:s18] =	ssyncset.done $0x0  }
0x39: {  	s29 =	sadd.s32 s23, s15;
	[sflag:s18] =	ssyncadd.s32 $0xFFFFFF80  }
0x3a: {  	[tilespmem:s4], [sflag:$0x2] =	stream.linear.gather [hbm4b:s29+s4], $0x80, $0x38;
	[tilespmem:$0x19800] =	vst v63  }
0x3b: {  	_ =	swait.ge [sflag:s18], $0x80  }
0x3c: {  	[sflag:s18] =	ssyncset.done $0x0  }
0x3d: {  	[sflag:s18] =	ssyncadd.s32 $0xFFFFFF80  }
0x3e: {  	[tilespmem:s20], [sflag:$0x1] =	stream.indirect.gather [hbm4b:s5+s19], $0x20, s4, s19, $0xb8;
	[tilespmem:$0x19800] =	vst v63  }
0x3f: {  	_ =	swait.ge [sflag:s21], $0x1000  }
0x40: {  	[sflag:s21] =	ssyncset.done $0x0  }
0x41: {  	[sflag:s21] =	ssyncadd.s32 $0xFFFFF000  }
0x42: {  	[spmem:s3] =	stream.indirect.scatter.add.f32 [tilespmem:s20], [sflag:$0x2], $0x20, s19, s19, $0xb8;
	[tilespmem:$0x19800] =	vst v63  }
0x43: {  	_ =	swait.ge [sflag:s18], $0x1000  }
0x44: {  	[sflag:s18] =	ssyncset.done $0x0  }
0x45: {  	[sflag:s18] =	ssyncadd.s32 $0xFFFFF000  }
0x46: {  	[bflag:$0x0] =	sbarrier.arrive $0xFFFF  }
0x47: {  	[hbm:s10], [sflag:s9] =	dma.local [spmem:s17], $0x30E0  }
0x48: {  	_ =	swait.ge [sflag:s18], $0x30E0  }
0x49: {  	[sflag:s18] =	ssyncset.done $0x0  }
0x4a: {  	[sflag:s18] =	ssyncadd.s32 $0xFFFFCF20  }
0x4b: {  	[bflag:$0x0] =	sbarrier.arrive $0xFFFF  }
0x4c: {  	[spmem:s17], [sflag:s9] =	dma.local [hbm:s2], $0x30E0  }
0x4d: {  	_ =	swait.ge [sflag:s18], $0x30E0  }
0x4e: {  	[sflag:s18] =	ssyncset.done $0x0  }
0x4f: {  	[sflag:s18] =	ssyncadd.s32 $0xFFFFCF20  }
0x50: {  	s30 =	sadd.s32 $0x0, s16;
	[bflag:$0x0] =	sbarrier.arrive $0xFFFF  }
0x51: {  	[tilespmem:s19], [sflag:$0x2] =	stream.linear.gather [hbm4b:s30+s4], $0x80, $0x38;
	[tilespmem:$0x19800] =	vst v63  }
0x52: {  	_ =	swait.ge [sflag:s18], $0x80  }
0x53: {  	[sflag:s18] =	ssyncset.done $0x0  }
0x54: {  	s31 =	sadd.s32 $0x0, s15;
	[sflag:s18] =	ssyncadd.s32 $0xFFFFFF80  }
0x55: {  	[tilespmem:s4], [sflag:$0x2] =	stream.linear.gather [hbm4b:s31+s4], $0x80, $0x38;
	[tilespmem:$0x19800] =	vst v63  }
0x56: {  	_ =	swait.ge [sflag:s18], $0x80  }
0x57: {  	[sflag:s18] =	ssyncset.done $0x0  }
0x58: {  	[sflag:s18] =	ssyncadd.s32 $0xFFFFFF80  }
0x59: {  	[tilespmem:s20], [sflag:$0x1] =	stream.indirect.gather [hbm4b:s6+s19], $0x20, s4, s19, $0xb8;
	[tilespmem:$0x19800] =	vst v63  }
0x5a: {  	_ =	swait.ge [sflag:s21], $0x1000  }
0x5b: {  	[sflag:s21] =	ssyncset.done $0x0  }
0x5c: {  	[sflag:s21] =	ssyncadd.s32 $0xFFFFF000  }
0x5d: {  	[spmem:s3] =	stream.indirect.scatter.add.f32 [tilespmem:s20], [sflag:$0x2], $0x20, s19, s19, $0xb8;
	[tilespmem:$0x19800] =	vst v63  }
0x5e: {  	_ =	swait.ge [sflag:s18], $0x1000  }
0x5f: {  	s23 =	simm.s32 $0x10;
	s24 =	simm.s32 $0x20;
	[sflag:s18] =	ssyncset.done $0x0  }
.LBB2_4:
0x60: {  	s25 =	sadd.s32 s23, s16  }
0x61: {  	[sflag:s18] =	ssyncadd.s32 $0xFFFFF000;
	s26 =	smov.u32 s24;
	s28 =	sadd.s32 $0x10, s24  }
0x62: {  	[tilespmem:s19], [sflag:$0x2] =	stream.linear.gather [hbm4b:s25+s4], $0x80, $0x38;
	[tilespmem:$0x19800] =	vst v63  }
0x63: {  	p0 =	sne.s32 s24, $0xC30;
	_ =	swait.ge [sflag:s18], $0x80  }
0x64: {  	[sflag:s18] =	ssyncset.done $0x0  }
0x65: {  	s24 =	sadd.s32 s23, s15;
	s23 =	smov.u32 s26;
	[sflag:s18] =	ssyncadd.s32 $0xFFFFFF80  }
0x66: {  	[tilespmem:s4], [sflag:$0x2] =	stream.linear.gather [hbm4b:s24+s4], $0x80, $0x38;
	[tilespmem:$0x19800] =	vst v63  }
0x67: {  	_ =	swait.ge [sflag:s18], $0x80  }
0x68: {  	[sflag:s18] =	ssyncset.done $0x0  }
0x69: {  	[sflag:s18] =	ssyncadd.s32 $0xFFFFFF80  }
0x6a: {  	[tilespmem:s20], [sflag:$0x1] =	stream.indirect.gather [hbm4b:s6+s19], $0x20, s4, s19, $0xb8;
	[tilespmem:$0x19800] =	vst v63  }
0x6b: {  	_ =	swait.ge [sflag:s21], $0x1000  }
.Ltmp1:
0x6c: {  	[sflag:s21] =	ssyncset.done $0x0;
	(pc) =	sbr.rel @p0 .LBB2_4-.Ltmp1, $4  }
0x6d: {  	[sflag:s21] =	ssyncadd.s32 $0xFFFFF000  }
0x6e: {  	[spmem:s3] =	stream.indirect.scatter.add.f32 [tilespmem:s20], [sflag:$0x2], $0x20, s19, s19, $0xb8;
	[tilespmem:$0x19800] =	vst v63  }
0x6f: {  	_ =	swait.ge [sflag:s18], $0x1000  }
0x70: {  	s24 =	smov.u32 s28;
	[sflag:s18] =	ssyncset.done $0x0  }
0x71: {  	s24 =	sadd.s32 s23, s16;
	[sflag:s18] =	ssyncadd.s32 $0xFFFFF000  }
0x72: {  	[tilespmem:s19], [sflag:$0x2] =	stream.linear.gather [hbm4b:s24+s4], $0x80, $0x38;
	[tilespmem:$0x19800] =	vst v63  }
0x73: {  	_ =	swait.ge [sflag:s18], $0x80  }
0x74: {  	[sflag:s18] =	ssyncset.done $0x0  }
0x75: {  	s29 =	sadd.s32 s23, s15;
	[sflag:s18] =	ssyncadd.s32 $0xFFFFFF80  }
0x76: {  	[tilespmem:s4], [sflag:$0x2] =	stream.linear.gather [hbm4b:s29+s4], $0x80, $0x38;
	[tilespmem:$0x19800] =	vst v63  }
0x77: {  	_ =	swait.ge [sflag:s18], $0x80  }
0x78: {  	[sflag:s18] =	ssyncset.done $0x0  }
0x79: {  	[sflag:s18] =	ssyncadd.s32 $0xFFFFFF80  }
0x7a: {  	[tilespmem:s20], [sflag:$0x1] =	stream.indirect.gather [hbm4b:s6+s19], $0x20, s4, s19, $0xb8;
	[tilespmem:$0x19800] =	vst v63  }
0x7b: {  	_ =	swait.ge [sflag:s21], $0x1000  }
0x7c: {  	[sflag:s21] =	ssyncset.done $0x0  }
0x7d: {  	[sflag:s21] =	ssyncadd.s32 $0xFFFFF000  }
0x7e: {  	[spmem:s3] =	stream.indirect.scatter.add.f32 [tilespmem:s20], [sflag:$0x2], $0x20, s19, s19, $0xb8;
	[tilespmem:$0x19800] =	vst v63  }
0x7f: {  	_ =	swait.ge [sflag:s18], $0x1000  }
0x80: {  	[sflag:s18] =	ssyncset.done $0x0  }
0x81: {  	[sflag:s18] =	ssyncadd.s32 $0xFFFFF000  }
0x82: {  	[bflag:$0x0] =	sbarrier.arrive $0xFFFF  }
0x83: {  	[hbm:s11], [sflag:s9] =	dma.local [spmem:s17], $0x30E0  }
0x84: {  	_ =	swait.ge [sflag:s18], $0x30E0  }
0x85: {  	[sflag:s18] =	ssyncset.done $0x0  }
0x86: {  	[sflag:s18] =	ssyncadd.s32 $0xFFFFCF20  }
0x87: {  	[bflag:$0x0] =	sbarrier.arrive $0xFFFF  }
0x88: {  	[spmem:s17], [sflag:s9] =	dma.local [hbm:s2], $0x30E0  }
0x89: {  	_ =	swait.ge [sflag:s18], $0x30E0  }
0x8a: {  	[sflag:s18] =	ssyncset.done $0x0  }
0x8b: {  	[sflag:s18] =	ssyncadd.s32 $0xFFFFCF20  }
0x8c: {  	s30 =	sadd.s32 $0x0, s16;
	[bflag:$0x0] =	sbarrier.arrive $0xFFFF  }
0x8d: {  	[tilespmem:s19], [sflag:$0x2] =	stream.linear.gather [hbm4b:s30+s4], $0x80, $0x38;
	[tilespmem:$0x19800] =	vst v63  }
0x8e: {  	_ =	swait.ge [sflag:s18], $0x80  }
0x8f: {  	[sflag:s18] =	ssyncset.done $0x0  }
0x90: {  	s31 =	sadd.s32 $0x0, s15;
	[sflag:s18] =	ssyncadd.s32 $0xFFFFFF80  }
0x91: {  	[tilespmem:s4], [sflag:$0x2] =	stream.linear.gather [hbm4b:s31+s4], $0x80, $0x38;
	[tilespmem:$0x19800] =	vst v63  }
0x92: {  	_ =	swait.ge [sflag:s18], $0x80  }
0x93: {  	[sflag:s18] =	ssyncset.done $0x0  }
0x94: {  	[sflag:s18] =	ssyncadd.s32 $0xFFFFFF80  }
0x95: {  	[tilespmem:s20], [sflag:$0x1] =	stream.indirect.gather [hbm4b:s7+s19], $0x20, s4, s19, $0xb8;
	[tilespmem:$0x19800] =	vst v63  }
0x96: {  	_ =	swait.ge [sflag:s21], $0x1000  }
0x97: {  	[sflag:s21] =	ssyncset.done $0x0  }
0x98: {  	[sflag:s21] =	ssyncadd.s32 $0xFFFFF000  }
0x99: {  	[spmem:s3] =	stream.indirect.scatter.add.f32 [tilespmem:s20], [sflag:$0x2], $0x20, s19, s19, $0xb8;
	[tilespmem:$0x19800] =	vst v63  }
0x9a: {  	_ =	swait.ge [sflag:s18], $0x1000  }
0x9b: {  	s23 =	simm.s32 $0x10;
	s24 =	simm.s32 $0x20;
	[sflag:s18] =	ssyncset.done $0x0  }
.LBB2_6:
0x9c: {  	s25 =	sadd.s32 s23, s16  }
0x9d: {  	[sflag:s18] =	ssyncadd.s32 $0xFFFFF000;
	s26 =	smov.u32 s24;
	s28 =	sadd.s32 $0x10, s24  }
0x9e: {  	[tilespmem:s19], [sflag:$0x2] =	stream.linear.gather [hbm4b:s25+s4], $0x80, $0x38;
	[tilespmem:$0x19800] =	vst v63  }
0x9f: {  	p0 =	sne.s32 s24, $0xC30;
	_ =	swait.ge [sflag:s18], $0x80  }
0xa0: {  	[sflag:s18] =	ssyncset.done $0x0  }
0xa1: {  	s24 =	sadd.s32 s23, s15;
	s23 =	smov.u32 s26;
	[sflag:s18] =	ssyncadd.s32 $0xFFFFFF80  }
0xa2: {  	[tilespmem:s4], [sflag:$0x2] =	stream.linear.gather [hbm4b:s24+s4], $0x80, $0x38;
	[tilespmem:$0x19800] =	vst v63  }
0xa3: {  	_ =	swait.ge [sflag:s18], $0x80  }
0xa4: {  	[sflag:s18] =	ssyncset.done $0x0  }
0xa5: {  	[sflag:s18] =	ssyncadd.s32 $0xFFFFFF80  }
0xa6: {  	[tilespmem:s20], [sflag:$0x1] =	stream.indirect.gather [hbm4b:s7+s19], $0x20, s4, s19, $0xb8;
	[tilespmem:$0x19800] =	vst v63  }
0xa7: {  	_ =	swait.ge [sflag:s21], $0x1000  }
.Ltmp2:
0xa8: {  	[sflag:s21] =	ssyncset.done $0x0;
	(pc) =	sbr.rel @p0 .LBB2_6-.Ltmp2, $4  }
0xa9: {  	[sflag:s21] =	ssyncadd.s32 $0xFFFFF000  }
0xaa: {  	[spmem:s3] =	stream.indirect.scatter.add.f32 [tilespmem:s20], [sflag:$0x2], $0x20, s19, s19, $0xb8;
	[tilespmem:$0x19800] =	vst v63  }
0xab: {  	_ =	swait.ge [sflag:s18], $0x1000  }
0xac: {  	s24 =	smov.u32 s28;
	[sflag:s18] =	ssyncset.done $0x0  }
0xad: {  	s24 =	sadd.s32 s23, s16;
	[sflag:s18] =	ssyncadd.s32 $0xFFFFF000  }
0xae: {  	[tilespmem:s19], [sflag:$0x2] =	stream.linear.gather [hbm4b:s24+s4], $0x80, $0x38;
	[tilespmem:$0x19800] =	vst v63  }
0xaf: {  	_ =	swait.ge [sflag:s18], $0x80  }
0xb0: {  	[sflag:s18] =	ssyncset.done $0x0  }
0xb1: {  	s29 =	sadd.s32 s23, s15;
	[sflag:s18] =	ssyncadd.s32 $0xFFFFFF80  }
0xb2: {  	[tilespmem:s4], [sflag:$0x2] =	stream.linear.gather [hbm4b:s29+s4], $0x80, $0x38;
	[tilespmem:$0x19800] =	vst v63  }
0xb3: {  	_ =	swait.ge [sflag:s18], $0x80  }
0xb4: {  	[sflag:s18] =	ssyncset.done $0x0  }
0xb5: {  	[sflag:s18] =	ssyncadd.s32 $0xFFFFFF80  }
0xb6: {  	[tilespmem:s20], [sflag:$0x1] =	stream.indirect.gather [hbm4b:s7+s19], $0x20, s4, s19, $0xb8;
	[tilespmem:$0x19800] =	vst v63  }
0xb7: {  	_ =	swait.ge [sflag:s21], $0x1000  }
0xb8: {  	[sflag:s21] =	ssyncset.done $0x0  }
0xb9: {  	[sflag:s21] =	ssyncadd.s32 $0xFFFFF000  }
0xba: {  	[spmem:s3] =	stream.indirect.scatter.add.f32 [tilespmem:s20], [sflag:$0x2], $0x20, s19, s19, $0xb8;
	[tilespmem:$0x19800] =	vst v63  }
0xbb: {  	_ =	swait.ge [sflag:s18], $0x1000  }
0xbc: {  	[sflag:s18] =	ssyncset.done $0x0  }
0xbd: {  	[sflag:s18] =	ssyncadd.s32 $0xFFFFF000  }
0xbe: {  	[bflag:$0x0] =	sbarrier.arrive $0xFFFF  }
0xbf: {  	[hbm:s12], [sflag:s9] =	dma.local [spmem:s17], $0x30E0  }
0xc0: {  	_ =	swait.ge [sflag:s18], $0x30E0  }
0xc1: {  	[sflag:s18] =	ssyncset.done $0x0  }
0xc2: {  	[sflag:s18] =	ssyncadd.s32 $0xFFFFCF20  }
0xc3: {  	[bflag:$0x0] =	sbarrier.arrive $0xFFFF  }
0xc4: {  	[spmem:s17], [sflag:s9] =	dma.local [hbm:s2], $0x30E0  }
0xc5: {  	_ =	swait.ge [sflag:s18], $0x30E0  }
0xc6: {  	[sflag:s18] =	ssyncset.done $0x0  }
0xc7: {  	[sflag:s18] =	ssyncadd.s32 $0xFFFFCF20  }
0xc8: {  	s30 =	sadd.s32 $0x0, s16;
	[bflag:$0x0] =	sbarrier.arrive $0xFFFF  }
0xc9: {  	[tilespmem:s19], [sflag:$0x2] =	stream.linear.gather [hbm4b:s30+s4], $0x80, $0x38;
	[tilespmem:$0x19800] =	vst v63  }
0xca: {  	_ =	swait.ge [sflag:s18], $0x80  }
0xcb: {  	[sflag:s18] =	ssyncset.done $0x0  }
0xcc: {  	s31 =	sadd.s32 $0x0, s15;
	[sflag:s18] =	ssyncadd.s32 $0xFFFFFF80  }
0xcd: {  	[tilespmem:s4], [sflag:$0x2] =	stream.linear.gather [hbm4b:s31+s4], $0x80, $0x38;
	[tilespmem:$0x19800] =	vst v63  }
0xce: {  	_ =	swait.ge [sflag:s18], $0x80  }
0xcf: {  	[sflag:s18] =	ssyncset.done $0x0  }
0xd0: {  	[sflag:s18] =	ssyncadd.s32 $0xFFFFFF80  }
0xd1: {  	[tilespmem:s20], [sflag:$0x1] =	stream.indirect.gather [hbm4b:s8+s19], $0x20, s4, s19, $0xb8;
	[tilespmem:$0x19800] =	vst v63  }
0xd2: {  	_ =	swait.ge [sflag:s21], $0x1000  }
0xd3: {  	[sflag:s21] =	ssyncset.done $0x0  }
0xd4: {  	[sflag:s21] =	ssyncadd.s32 $0xFFFFF000  }
0xd5: {  	[spmem:s3] =	stream.indirect.scatter.add.f32 [tilespmem:s20], [sflag:$0x2], $0x20, s19, s19, $0xb8;
	[tilespmem:$0x19800] =	vst v63  }
0xd6: {  	_ =	swait.ge [sflag:s18], $0x1000  }
0xd7: {  	s23 =	simm.s32 $0x10;
	s24 =	simm.s32 $0x20;
	[sflag:s18] =	ssyncset.done $0x0  }
.LBB2_8:
0xd8: {  	s25 =	sadd.s32 s23, s16  }
0xd9: {  	[sflag:s18] =	ssyncadd.s32 $0xFFFFF000;
	s26 =	smov.u32 s24;
	s28 =	sadd.s32 $0x10, s24  }
0xda: {  	[tilespmem:s19], [sflag:$0x2] =	stream.linear.gather [hbm4b:s25+s4], $0x80, $0x38;
	[tilespmem:$0x19800] =	vst v63  }
0xdb: {  	p0 =	sne.s32 s24, $0xC30;
	_ =	swait.ge [sflag:s18], $0x80  }
0xdc: {  	[sflag:s18] =	ssyncset.done $0x0  }
0xdd: {  	s24 =	sadd.s32 s23, s15;
	s23 =	smov.u32 s26;
	[sflag:s18] =	ssyncadd.s32 $0xFFFFFF80  }
0xde: {  	[tilespmem:s4], [sflag:$0x2] =	stream.linear.gather [hbm4b:s24+s4], $0x80, $0x38;
	[tilespmem:$0x19800] =	vst v63  }
0xdf: {  	_ =	swait.ge [sflag:s18], $0x80  }
0xe0: {  	[sflag:s18] =	ssyncset.done $0x0  }
0xe1: {  	[sflag:s18] =	ssyncadd.s32 $0xFFFFFF80  }
0xe2: {  	[tilespmem:s20], [sflag:$0x1] =	stream.indirect.gather [hbm4b:s8+s19], $0x20, s4, s19, $0xb8;
	[tilespmem:$0x19800] =	vst v63  }
0xe3: {  	_ =	swait.ge [sflag:s21], $0x1000  }
.Ltmp3:
0xe4: {  	[sflag:s21] =	ssyncset.done $0x0;
	(pc) =	sbr.rel @p0 .LBB2_8-.Ltmp3, $4  }
0xe5: {  	[sflag:s21] =	ssyncadd.s32 $0xFFFFF000  }
0xe6: {  	[spmem:s3] =	stream.indirect.scatter.add.f32 [tilespmem:s20], [sflag:$0x2], $0x20, s19, s19, $0xb8;
	[tilespmem:$0x19800] =	vst v63  }
0xe7: {  	_ =	swait.ge [sflag:s18], $0x1000  }
0xe8: {  	s24 =	smov.u32 s28;
	[sflag:s18] =	ssyncset.done $0x0  }
0xe9: {  	s24 =	sadd.s32 s23, s16;
	[sflag:s18] =	ssyncadd.s32 $0xFFFFF000  }
0xea: {  	[tilespmem:s19], [sflag:$0x2] =	stream.linear.gather [hbm4b:s24+s4], $0x80, $0x38;
	[tilespmem:$0x19800] =	vst v63  }
0xeb: {  	_ =	swait.ge [sflag:s18], $0x80  }
0xec: {  	[sflag:s18] =	ssyncset.done $0x0  }
0xed: {  	s31 =	sadd.s32 s23, s15;
	[sflag:s18] =	ssyncadd.s32 $0xFFFFFF80  }
0xee: {  	[tilespmem:s4], [sflag:$0x2] =	stream.linear.gather [hbm4b:s31+s4], $0x80, $0x38;
	[tilespmem:$0x19800] =	vst v63  }
0xef: {  	_ =	swait.ge [sflag:s18], $0x80  }
0xf0: {  	[sflag:s18] =	ssyncset.done $0x0  }
0xf1: {  	[sflag:s18] =	ssyncadd.s32 $0xFFFFFF80  }
0xf2: {  	[tilespmem:s20], [sflag:$0x1] =	stream.indirect.gather [hbm4b:s8+s19], $0x20, s4, s19, $0xb8;
	[tilespmem:$0x19800] =	vst v63  }
0xf3: {  	_ =	swait.ge [sflag:s21], $0x1000  }
0xf4: {  	[sflag:s21] =	ssyncset.done $0x0  }
0xf5: {  	[sflag:s21] =	ssyncadd.s32 $0xFFFFF000  }
0xf6: {  	[spmem:s3] =	stream.indirect.scatter.add.f32 [tilespmem:s20], [sflag:$0x2], $0x20, s19, s19, $0xb8;
	[tilespmem:$0x19800] =	vst v63  }
0xf7: {  	_ =	swait.ge [sflag:s18], $0x1000  }
0xf8: {  	[sflag:s18] =	ssyncset.done $0x0  }
0xf9: {  	s22 =	sadd.s32 $0x1, s22;
	[sflag:s18] =	ssyncadd.s32 $0xFFFFF000  }
0xfa: {  	p0 =	sne.s32 s22, s14;
	[bflag:$0x0] =	sbarrier.arrive $0xFFFF  }
0xfb: {  	[hbm:s13], [sflag:s9] =	dma.local [spmem:s17], $0x30E0  }
.Ltmp4:
0xfc: {  	_ =	swait.ge [sflag:s18], $0x30E0;
	(pc) =	sbr.rel @p0 .LBB2_1-.Ltmp4, $3  }
0xfd: {  	[sflag:s18] =	ssyncset.done $0x0  }
0xfe: {  	[sflag:s18] =	ssyncadd.s32 $0xFFFFCF20  }
0xff: {  	[bflag:$0x0] =	sbarrier.arrive $0xFFFF;
	_ =	sdelay $0x1  }
0x100: {  	_ =	sfence.sel $0x180000  }
0x101: {  	[bflag:$0x0] =	sbarrier.arrive $0xFFFF  }
0x102: {  	p0 =	sne.s32 s0, $0x0;
	_ =	strace $0x9000004A  }
0x103: {  	s0 =	sadd.s32 @!p0 $0x100000, s1;
	[bflag:$0x2] =	sbarrier.arrive $0xFFFF  }
0x104: {  	[sflag:s0] =	ssyncadd.tile.s32 @!p0 $0x1;
	_ =	shalt  }
.Lfunc_end2:
_tile_overlayer_lowered:
.L_overlay_start_2:
0x105: {  	(tag) =	ssettag $0x2  }
0x106: {  	s0 =	rddreg [dreg:$0x0];
	s2 =	stileid.u32  }
0x107: {  	s1 =	rddreg [dreg:$0x1];
	p0 =	sne.s32 s2, $0x0  }
0x108: {  	s3 =	rddreg [dreg:$0x2];
	[bflag:$0x3] =	sbarrier.arrive $0xFFFF;
	s2 =	simm.s32 @!p0 $0x1C02  }
0x109: {  	[timem:s3], [sflag:s2] =	dma.local @!p0 [hbm:s0], s1  }
0x10a: {  	s0 =	simm.s32 @!p0 $0x2  }
0x10b: {  	_ =	swait.ge @!p0 [sflag:s0], s1  }
0x10c: {  	s1 =	ssub.s32 @!p0 $0x0, s1;
	[sflag:s0] =	ssyncset.done @!p0 $0x0  }
0x10d: {  	[sflag:s0] =	ssyncadd.s32 @!p0 s1  }
0x10e: {  	[bflag:$0x3] =	sbarrier.arrive $0xFFFF  }
0x10f: {  	_ =	shalt  }

// kernel: kernel.19.cloned.1.call-start
scs
__scs_entry_jumppad:
0x0: {  	(pc) =	sbr.rel $0x88, $3  }
0x1: {  	(tag) =	ssettag $0x0;
	lr =	simm.s32 $0x1  }
0x2: {  	[smem:$0x3F95] =	sst lr;
	_ =	strace $0xD0000000  }
0x3: {  	_ = 	snop  }
0x4: {  	_ = 	snop  }
0x5: {  	_ = 	snop  }
0x6: {  	_ = 	snop  }
0x7: {  	_ = 	snop  }
__scs_overlays_trampoline_lowered:
0x8: {  	[smem:$0x3FA4] =	sst s0  }
0x9: {  	[smem:$0x3FA5] =	sst s1  }
0xa: {  	[smem:$0x3FA6] =	sst s2  }
0xb: {  	[smem:$0x3FA7] =	sst s3  }
0xc: {  	[smem:$0x3FA8] =	sst s4  }
0xd: {  	[smem:$0x3FA9] =	sst s5  }
0xe: {  	[smem:$0x3FAA] =	sst s6  }
0xf: {  	[smem:$0x3FAB] =	sst s7  }
0x10: {  	[smem:$0x3FAC] =	sst s8  }
0x11: {  	[smem:$0x3FAD] =	sst s9;
	s0 =	simm.s32 @!p0 $0x0  }
0x12: {  	s1 =	sld [smem:$0x3F93];
	s0 =	simm.s32 @p0 $0x1  }
0x13: {  	[smem:$0x3FAE] =	sst s0;
	s0 =	simm.s32 @!p1 $0x0  }
0x14: {  	s2 =	sld [smem:$0x3F92];
	s0 =	simm.s32 @p1 $0x1  }
0x15: {  	[smem:$0x3FAF] =	sst s0;
	s0 =	simm.s32 @!p2 $0x0  }
0x16: {  	s3 =	sld [smem:$0x3FDB];
	s0 =	simm.s32 @p2 $0x1  }
0x17: {  	s4 =	simm.s32 $0x1BF5;
	[smem:$0x3FB1] =	sst s0  }
0x18: {  	s0 =	sld [smem:$0x3F94];
	_ =	swait.ge [sflag:s4], $0x0  }
0x19: {  	s7 =	sld [smem:$0x3F95]  }
0x1a: {  	s8 =	sadd.s32 $0xFFFFE003, lr  }
0x1b: {  	s9 =	sadd.s32 $0xFFFFFEF7, lr;
	s5 =	simm.s32 $0xFFFFFFFF;
	p2 =	slt.u32 s8, $0xFFFFF086  }
0x1c: {  	p1 =	slt.u32 s9, $0xF7A;
	s5 =	simm.s32 @!p2 $0x0  }
0x1d: {  	s5 =	simm.s32 @p1 $0x1;
	p0 =	seq.s32 s7, s2  }
0x1e: {  	s7 =	smul.u32 @!p0 $0xF7A, s2;
	p2 =	seq.s32 @!p0 s5, $0x0  }
0x1f: {  	s9 =	smul.u32 $0xF7A, s1;
	s8 =	simm.s32 @!p0 $0x1BF5;
	p2 =	por !p2, p0  }
0x20: {  	[sflag:s8] =	ssyncset.s32 @!p0 $0xFFFFF086;
	s6 =	sadd.s32 @!p0 s3, s7;
	s7 =	simm.s32 @!p0 $0x108  }
0x21: {  	s3 =	sadd.s32 s3, s9;
	s6 =	sadd.s32 @!p0 $0x88, s6;
	s7 =	simm.s32 @p2 $0x1082  }
0x22: {  	[simem:s7], [sflag:s8] =	dma.local @!p0 [hbm:s6], $0xF7A  }
0x23: {  	s9 =	sor.u32 $0xD0000000, s2;
	s6 =	simm.s32 $0x108;
	_ =	swait.ge @!p0 [sflag:s8], $0x0  }
0x24: {  	s3 =	sadd.s32 $0x88, s3;
	s6 =	simm.s32 @!p1 $0x1082;
	[sflag:s4] =	ssyncset.s32 $0xFFFFF086  }
0x25: {  	[simem:s6], [sflag:s4] =	dma.local [hbm:s3], $0xF7A  }
0x26: {  	[smem:$0x3F95] =	sst s1;
	(tag) =	ssettag s2;
	_ =	strace s9  }
0x27: {  	s1 =	sld [smem:$0x3FA5]  }
0x28: {  	s2 =	sld [smem:$0x3FA6]  }
0x29: {  	s4 =	sld [smem:$0x3FA8]  }
0x2a: {  	p0 =	seq.s32 s5, $0x0;
	s5 =	sld [smem:$0x3FA9]  }
0x2b: {  	s6 =	sld [smem:$0x3FAA]  }
0x2c: {  	s7 =	sld [smem:$0x3FAB]  }
0x2d: {  	s3 =	simm.s32 $0x108;
	s8 =	sld [smem:$0x3FAC]  }
0x2e: {  	s3 =	simm.s32 @!p0 $0x1082;
	s9 =	sld [smem:$0x3FAD]  }
0x2f: {  	lr =	sadd.s32 s0, s3;
	s0 =	sld [smem:$0x3FA4]  }
0x30: {  	s3 =	sld [smem:$0x3FA7]  }
0x31: {  	[smem:$0x3FB0] =	sst s10  }
0x32: {  	s10 =	sld [smem:$0x3FAE];
	_ =	sdelay $0x3  }
0x33: {  	p0 =	seq.s32 s10, $0x1;
	s10 =	sld [smem:$0x3FB0];
	_ =	sdelay $0x3  }
0x34: {  	[smem:$0x3FB0] =	sst s10  }
0x35: {  	s10 =	sld [smem:$0x3FAF];
	_ =	sdelay $0x3  }
0x36: {  	p1 =	seq.s32 s10, $0x1;
	s10 =	sld [smem:$0x3FB0];
	_ =	sdelay $0x3  }
0x37: {  	[smem:$0x3FB0] =	sst s10  }
0x38: {  	s10 =	sld [smem:$0x3FB1]  }
0x39: {  	_ = 	snop;
	(pc) =	sbr.ind lr, $3  }
0x3a: {  	_ = 	snop  }
0x3b: {  	_ = 	snop  }
0x3c: {  	p2 =	seq.s32 s10, $0x1;
	s10 =	sld [smem:$0x3FB0]  }
0x3d: {  	_ =	shalt  }
0x3e: {  	_ =	shalt  }
0x3f: {  	_ =	shalt  }
0x40: {  	_ =	shalt  }
0x41: {  	_ =	shalt  }
0x42: {  	_ =	shalt  }
0x43: {  	_ =	shalt  }
0x44: {  	_ =	shalt  }
0x45: {  	_ =	shalt  }
0x46: {  	_ =	shalt  }
0x47: {  	_ =	shalt  }
0x48: {  	_ =	shalt  }
0x49: {  	_ =	shalt  }
0x4a: {  	_ =	shalt  }
0x4b: {  	_ =	shalt  }
0x4c: {  	_ =	shalt  }
0x4d: {  	_ =	shalt  }
0x4e: {  	_ =	shalt  }
0x4f: {  	_ =	shalt  }
0x50: {  	_ =	shalt  }
0x51: {  	_ =	shalt  }
0x52: {  	_ =	shalt  }
0x53: {  	_ =	shalt  }
0x54: {  	_ =	shalt  }
0x55: {  	_ =	shalt  }
0x56: {  	_ =	shalt  }
0x57: {  	_ =	shalt  }
0x58: {  	_ =	shalt  }
0x59: {  	_ =	shalt  }
0x5a: {  	_ =	shalt  }
0x5b: {  	_ =	shalt  }
0x5c: {  	_ =	shalt  }
0x5d: {  	_ =	shalt  }
0x5e: {  	_ =	shalt  }
0x5f: {  	_ =	shalt  }
0x60: {  	_ =	shalt  }
0x61: {  	_ =	shalt  }
0x62: {  	_ =	shalt  }
0x63: {  	_ =	shalt  }
0x64: {  	_ =	shalt  }
0x65: {  	_ =	shalt  }
0x66: {  	_ =	shalt  }
0x67: {  	_ =	shalt  }
0x68: {  	_ =	shalt  }
0x69: {  	_ =	shalt  }
0x6a: {  	_ =	shalt  }
0x6b: {  	_ =	shalt  }
0x6c: {  	_ =	shalt  }
0x6d: {  	_ =	shalt  }
0x6e: {  	_ =	shalt  }
0x6f: {  	_ =	shalt  }
0x70: {  	_ =	shalt  }
0x71: {  	_ =	shalt  }
0x72: {  	_ =	shalt  }
0x73: {  	_ =	shalt  }
0x74: {  	_ =	shalt  }
0x75: {  	_ =	shalt  }
0x76: {  	_ =	shalt  }
0x77: {  	_ =	shalt  }
0x78: {  	_ =	shalt  }
0x79: {  	_ =	shalt  }
0x7a: {  	_ =	shalt  }
0x7b: {  	_ =	shalt  }
0x7c: {  	_ =	shalt  }
0x7d: {  	_ =	shalt  }
0x7e: {  	_ =	shalt  }
0x7f: {  	_ =	shalt  }
0x80: {  	_ =	shalt  }
0x81: {  	_ =	shalt  }
0x82: {  	_ =	shalt  }
0x83: {  	_ =	shalt  }
0x84: {  	_ =	shalt  }
0x85: {  	_ =	shalt  }
0x86: {  	_ =	shalt  }
0x87: {  	_ =	shalt  }
.Lfunc_end0:
.L_simem_size_0:
called_computation.2_lowered:
.L_overlay_start_0:
0x88: {  	s2 =	sld [smem:$0x3FD9]  }
0x89: {  	s3 =	sld [smem:$0x3FFE];
	_ =	sdelay $0x1  }
0x8a: {  	s1 =	srdreg.scid  }
0x8b: {  	s0 =	sand.u32 $0x1, s1  }
0x8c: {  	s17 =	sshll.u32 s0, $0xA;
	s2 =	sadd.s32 s3, s2  }
0x8d: {  	s2 =	sadd.s32 s2, s17  }
0x8e: {  	[smem:$0x3FBC] =	sst s2  }
0x8f: {  	_ = 	snop  }
0x90: {  	s2 =	sld [smem:$0x3FD0];
	(tm) =	ssettm $0x1  }
0x91: {  	s18 =	sld [smem:$0x3FFB];
	_ =	sdelay $0x3  }
0x92: {  	_ =	strace s18  }
0x93: {  	s3 =	sld [smem:$0x3FFC];
	_ =	sdelay $0x3  }
0x94: {  	_ =	strace s3  }
0x95: {  	s3 =	sld [smem:$0x3FFD];
	_ =	sdelay $0x3  }
0x96: {  	_ =	strace s3  }
0x97: {  	_ =	strace $0x8FFFFFFF  }
0x98: {  	s19 =	sld [smem:$0x3FDB];
	_ =	sdelay $0x1  }
0x99: {  	s4 =	simm.s32 $_scs_section_size  }
0x9a: {  	s5 =	simm.s32 $_size__tile_overlayer_lowered;
	s6 =	simm.s32 $_tile_overlayer_lowered  }
0x9b: {  	s22 =	simm.s32 $0x1BFF;
	s21 =	sshll.u32 s6, $0x1;
	s3 =	sadd.s32 s4, s19  }
0x9c: {  	s7 =	simm.s32 $0x0;
	s20 =	sshll.u32 s5, $0x1;
	s5 =	sadd.s32 s21, s3  }
0x9d: {  	[timem:s7], [sflag:s22] =	dma.local [hbm:s5], s20  }
0x9e: {  	_ =	swait.ge [sflag:s22], s20  }
0x9f: {  	s4 =	ssub.s32 $0x0, s20;
	[sflag:s22] =	ssyncset.done $0x0  }
0xa0: {  	[sflag:s22] =	ssyncadd.s32 s4;
	_ =	sdelay $0x1  }
0xa1: {  	s23 =	simm.s32 $0x1B8B  }
0xa2: {  	_ =	swait.ge [sflag:s23], $0x1  }
0xa3: {  	[sflag:s23] =	ssyncset.done $0x0  }
0xa4: {  	s25 =	simm.s32 $0x1B8E;
	s24 =	sld [smem:$0x3FFE];
	[sflag:s23] =	ssyncadd.s32 $0xFFFFFFFF  }
0xa5: {  	s26 =	simm.s32 $execute0_lowered;
	[smem:$0x3FD2] =	sst s25  }
0xa6: {  	s5 =	sshll.u32 s26, $0x1;
	_ =	strace $0x8000004C;
	[dreg:$0x1] =	wrdreg $0xFFFFFFFF  }
0xa7: {  	s28 =	simm.s32 $_size_execute0_lowered;
	s3 =	sadd.s32 s3, s5;
	[dreg:$0x0] =	wrdreg $0x0  }
0xa8: {  	s5 =	sshll.u32 s28, $0x1;
	[dreg:$0x2] =	wrdreg s3  }
0xa9: {  	[dreg:$0x3] =	wrdreg s5  }
0xaa: {  	[dreg:$0x4] =	wrdreg $0xC0  }
0xab: {  	_ =	task [dreg:s7], $0x5FFFF  }
0xac: {  	[dreg:$0x1] =	wrdreg $0xFFFFFFFF  }
0xad: {  	[dreg:$0x0] =	wrdreg $0x60  }
0xae: {  	[dreg:$0x2] =	wrdreg s24  }
0xaf: {  	[dreg:$0x3] =	wrdreg s2  }
0xb0: {  	[dreg:$0x4] =	wrdreg $0x11000  }
0xb1: {  	[dreg:$0x5] =	wrdreg $0x9  }
0xb2: {  	_ =	task.clear_ibuf [dreg:s7], $0x6FFFF;
	_ =	strace $0x9000004C  }
0xb3: {  	s29 =	simm.s32 $0x9;
	_ =	strace $0x8000004E  }
0xb4: {  	_ =	swait.ge [sflag:s29], $0x1  }
0xb5: {  	[sflag:s29] =	ssyncadd.s32 $0xFFFFFFFF  }
0xb6: {  	_ =	strace $0x9000004E  }
0xb7: {  	_ =	sfence  }
0xb8: {  	s30 =	sld [smem:$0x0];
	_ =	sdelay $0x2  }
0xb9: {  	s31 =	sshll.u32 s1, $0xD;
	s1 =	sshrl.u32 s1, $0x2  }
0xba: {  	s3 =	sand.u32 $0x4000, s31;
	s1 =	sadd.s32 s1, s30  }
0xbb: {  	s0 =	sor.u32 s3, s0;
	s1 =	sshll.u32 s1, $0x11  }
0xbc: {  	s0 =	sor.u32 s1, s0  }
0xbd: {  	s0 =	sadd.s32 $0x8F2B, s0  }
0xbe: {  	[sflag:s0] =	ssyncadd.remote.s32 $0x1  }
0xbf: {  	_ =	sfence.sel $0xFFFF  }
0xc0: {  	[dreg:$0x0] =	wrdreg $0xFFFFFFFF;
	(pc) =	sbr.abs _section_cstart, $3  }
0xc1: {  	[dreg:$0x1] =	wrdreg $0xFFFFFFFF  }
0xc2: {  	_ =	task.clear_ibuf [dreg:s7], $0x2FFFF;
	_ =	strace $0x9FFFFFFF  }
0xc3: {  	(tm) =	ssettm $0x7FFFFFFF  }
tec
execute0_lowered:
.L_overlay_start_1:
0x0: {  	(tag) =	ssettag $0x1  }
0x1: {  	s9 =	rddreg [dreg:$0x0];
	s1 =	srdreg.scid  }
0x2: {  	s0 =	stileid.u32;
	s2 =	rddreg [dreg:$0x1]  }
0x3: {  	s3 =	rddreg [dreg:$0x2];
	s4 =	simm.s32 $0x0;
	s18 =	simm.s32 $0x2  }
0x4: {  	s19 =	simm.s32 $0x80;
	s20 =	simm.s32 $0x100;
	s21 =	simm.s32 $0x1  }
0x5: {  	s8 =	sand.u32 $0x1, s1;
	s5 =	smul.u32 $0xC400, s0;
	s1 =	rddreg [dreg:$0x3]  }
0x6: {  	s22 =	simm.s32 $0x0;
	[smem:$0x7FF] =	sst s4;
	s10 =	smul.u32 $0x18700, s0  }
0x7: {  	s7 =	sadd.s32 $0x33A00, s9;
	s31 =	sshll.u32 s0, $0x6;
	s6 =	smul.u32 $0x6200, s8  }
0x8: {  	_ =	strace $0x8000004D;
	s11 =	smul.u32 $0x61C000, s8;
	s12 =	ssub.s32 $0x2, s8  }
0x9: {  	s8 =	sadd.s32 $0x158E00, s9;
	s13 =	sshrl.u32 s12, $0x1;
	s17 =	sadd.s32 s10, s3  }
0xa: {  	s5 =	sadd.s32 s6, s5;
	s6 =	sadd.s32 $0xF7200, s9;
	s11 =	sadd.s32 s10, s11  }
0xb: {  	s15 =	ssub.s32 s12, s13;
	s5 =	sshrl.u32 s5, $0x3;
	s11 =	sshrl.u32 s11, $0x3  }
0xc: {  	s16 =	sadd.s32 s5, s9;
	s5 =	sadd.s32 $0x128000, s9;
	s14 =	sadd.s32 s11, s9  }
0xd: {  	s17 =	sshrl.u32 s17, $0x3;
	s9 =	sadd.s32 $0x3D4400, s14;
	s10 =	sadd.s32 $0x405200, s14  }
0xe: {  	s11 =	sor.u32 $0x1C02, s31;
	s12 =	sadd.s32 $0x436000, s14;
	s13 =	sadd.s32 $0x466E00, s14  }
0xf: {  	s14 =	smax.u32 s15, $0x1;
	s15 =	sadd.s32 $0x1B000, s16;
	s16 =	sadd.s32 $0x2800, s16  }
.LBB2_1:
0x10: {  	[spmem:s17], [sflag:s11] =	dma.local [hbm:s2], $0x30E0  }
0x11: {  	_ =	swait.ge [sflag:s18], $0x30E0  }
0x12: {  	[sflag:s18] =	ssyncset.done $0x0  }
0x13: {  	[sflag:s18] =	ssyncadd.s32 $0xFFFFCF20  }
0x14: {  	s23 =	sadd.s32 $0x0, s16;
	[bflag:$0x0] =	sbarrier.arrive $0xFFFF  }
0x15: {  	[tilespmem:s19], [sflag:$0x2] =	stream.linear.gather [hbm4b:s23+s4], $0x80, $0x38;
	[tilespmem:$0x19800] =	vst v63  }
0x16: {  	_ =	swait.ge [sflag:s18], $0x80  }
0x17: {  	[sflag:s18] =	ssyncset.done $0x0  }
0x18: {  	s31 =	sadd.s32 $0x0, s15;
	[sflag:s18] =	ssyncadd.s32 $0xFFFFFF80  }
0x19: {  	[tilespmem:s4], [sflag:$0x2] =	stream.linear.gather [hbm4b:s31+s4], $0x80, $0x38;
	[tilespmem:$0x19800] =	vst v63  }
0x1a: {  	_ =	swait.ge [sflag:s18], $0x80  }
0x1b: {  	[sflag:s18] =	ssyncset.done $0x0  }
0x1c: {  	[sflag:s18] =	ssyncadd.s32 $0xFFFFFF80  }
0x1d: {  	[tilespmem:s20], [sflag:$0x1] =	stream.indirect.gather [hbm4b:s5+s19], $0x20, s4, s19, $0xb8;
	[tilespmem:$0x19800] =	vst v63  }
0x1e: {  	_ =	swait.ge [sflag:s21], $0x1000  }
0x1f: {  	[sflag:s21] =	ssyncset.done $0x0  }
0x20: {  	[sflag:s21] =	ssyncadd.s32 $0xFFFFF000  }
0x21: {  	[spmem:s3] =	stream.indirect.scatter.add.f32 [tilespmem:s20], [sflag:$0x2], $0x20, s19, s19, $0xb8;
	[tilespmem:$0x19800] =	vst v63  }
0x22: {  	_ =	swait.ge [sflag:s18], $0x1000  }
0x23: {  	s24 =	simm.s32 $0x20;
	s23 =	simm.s32 $0x10;
	[sflag:s18] =	ssyncset.done $0x0  }
.LBB2_2:
0x24: {  	s25 =	sadd.s32 s23, s16  }
0x25: {  	[sflag:s18] =	ssyncadd.s32 $0xFFFFF000;
	s26 =	smov.u32 s24;
	s28 =	sadd.s32 $0x10, s24  }
0x26: {  	[tilespmem:s19], [sflag:$0x2] =	stream.linear.gather [hbm4b:s25+s4], $0x80, $0x38;
	[tilespmem:$0x19800] =	vst v63  }
0x27: {  	p0 =	sne.s32 s24, $0xC30;
	_ =	swait.ge [sflag:s18], $0x80  }
0x28: {  	[sflag:s18] =	ssyncset.done $0x0  }
0x29: {  	s24 =	sadd.s32 s23, s15;
	s23 =	smov.u32 s26;
	[sflag:s18] =	ssyncadd.s32 $0xFFFFFF80  }
0x2a: {  	[tilespmem:s4], [sflag:$0x2] =	stream.linear.gather [hbm4b:s24+s4], $0x80, $0x38;
	[tilespmem:$0x19800] =	vst v63  }
0x2b: {  	_ =	swait.ge [sflag:s18], $0x80  }
0x2c: {  	[sflag:s18] =	ssyncset.done $0x0  }
0x2d: {  	[sflag:s18] =	ssyncadd.s32 $0xFFFFFF80  }
0x2e: {  	[tilespmem:s20], [sflag:$0x1] =	stream.indirect.gather [hbm4b:s5+s19], $0x20, s4, s19, $0xb8;
	[tilespmem:$0x19800] =	vst v63  }
0x2f: {  	_ =	swait.ge [sflag:s21], $0x1000  }
.Ltmp0:
0x30: {  	[sflag:s21] =	ssyncset.done $0x0;
	(pc) =	sbr.rel @p0 .LBB2_2-.Ltmp0, $4  }
0x31: {  	[sflag:s21] =	ssyncadd.s32 $0xFFFFF000  }
0x32: {  	[spmem:s3] =	stream.indirect.scatter.add.f32 [tilespmem:s20], [sflag:$0x2], $0x20, s19, s19, $0xb8;
	[tilespmem:$0x19800] =	vst v63  }
0x33: {  	_ =	swait.ge [sflag:s18], $0x1000  }
0x34: {  	s24 =	smov.u32 s28;
	[sflag:s18] =	ssyncset.done $0x0  }
0x35: {  	s24 =	sadd.s32 s23, s16;
	[sflag:s18] =	ssyncadd.s32 $0xFFFFF000  }
0x36: {  	[tilespmem:s19], [sflag:$0x2] =	stream.linear.gather [hbm4b:s24+s4], $0x80, $0x38;
	[tilespmem:$0x19800] =	vst v63  }
0x37: {  	_ =	swait.ge [sflag:s18], $0x80  }
0x38: {  	[sflag:s18] =	ssyncset.done $0x0  }
0x39: {  	s29 =	sadd.s32 s23, s15;
	[sflag:s18] =	ssyncadd.s32 $0xFFFFFF80  }
0x3a: {  	[tilespmem:s4], [sflag:$0x2] =	stream.linear.gather [hbm4b:s29+s4], $0x80, $0x38;
	[tilespmem:$0x19800] =	vst v63  }
0x3b: {  	_ =	swait.ge [sflag:s18], $0x80  }
0x3c: {  	[sflag:s18] =	ssyncset.done $0x0  }
0x3d: {  	[sflag:s18] =	ssyncadd.s32 $0xFFFFFF80  }
0x3e: {  	[tilespmem:s20], [sflag:$0x1] =	stream.indirect.gather [hbm4b:s5+s19], $0x20, s4, s19, $0xb8;
	[tilespmem:$0x19800] =	vst v63  }
0x3f: {  	_ =	swait.ge [sflag:s21], $0x1000  }
0x40: {  	[sflag:s21] =	ssyncset.done $0x0  }
0x41: {  	[sflag:s21] =	ssyncadd.s32 $0xFFFFF000  }
0x42: {  	[spmem:s3] =	stream.indirect.scatter.add.f32 [tilespmem:s20], [sflag:$0x2], $0x20, s19, s19, $0xb8;
	[tilespmem:$0x19800] =	vst v63  }
0x43: {  	_ =	swait.ge [sflag:s18], $0x1000  }
0x44: {  	[sflag:s18] =	ssyncset.done $0x0  }
0x45: {  	[sflag:s18] =	ssyncadd.s32 $0xFFFFF000  }
0x46: {  	[bflag:$0x0] =	sbarrier.arrive $0xFFFF  }
0x47: {  	[hbm:s9], [sflag:s11] =	dma.local [spmem:s17], $0x30E0  }
0x48: {  	_ =	swait.ge [sflag:s18], $0x30E0  }
0x49: {  	[sflag:s18] =	ssyncset.done $0x0  }
0x4a: {  	[sflag:s18] =	ssyncadd.s32 $0xFFFFCF20  }
0x4b: {  	[bflag:$0x0] =	sbarrier.arrive $0xFFFF  }
0x4c: {  	[spmem:s17], [sflag:s11] =	dma.local [hbm:s2], $0x30E0  }
0x4d: {  	_ =	swait.ge [sflag:s18], $0x30E0  }
0x4e: {  	[sflag:s18] =	ssyncset.done $0x0  }
0x4f: {  	[sflag:s18] =	ssyncadd.s32 $0xFFFFCF20  }
0x50: {  	s30 =	sadd.s32 $0x0, s16;
	[bflag:$0x0] =	sbarrier.arrive $0xFFFF  }
0x51: {  	[tilespmem:s19], [sflag:$0x2] =	stream.linear.gather [hbm4b:s30+s4], $0x80, $0x38;
	[tilespmem:$0x19800] =	vst v63  }
0x52: {  	_ =	swait.ge [sflag:s18], $0x80  }
0x53: {  	[sflag:s18] =	ssyncset.done $0x0  }
0x54: {  	s31 =	sadd.s32 $0x0, s15;
	[sflag:s18] =	ssyncadd.s32 $0xFFFFFF80  }
0x55: {  	[tilespmem:s4], [sflag:$0x2] =	stream.linear.gather [hbm4b:s31+s4], $0x80, $0x38;
	[tilespmem:$0x19800] =	vst v63  }
0x56: {  	_ =	swait.ge [sflag:s18], $0x80  }
0x57: {  	[sflag:s18] =	ssyncset.done $0x0  }
0x58: {  	[sflag:s18] =	ssyncadd.s32 $0xFFFFFF80  }
0x59: {  	[tilespmem:s20], [sflag:$0x1] =	stream.indirect.gather [hbm4b:s6+s19], $0x20, s4, s19, $0xb8;
	[tilespmem:$0x19800] =	vst v63  }
0x5a: {  	_ =	swait.ge [sflag:s21], $0x1000  }
0x5b: {  	[sflag:s21] =	ssyncset.done $0x0  }
0x5c: {  	[sflag:s21] =	ssyncadd.s32 $0xFFFFF000  }
0x5d: {  	[spmem:s3] =	stream.indirect.scatter.add.f32 [tilespmem:s20], [sflag:$0x2], $0x20, s19, s19, $0xb8;
	[tilespmem:$0x19800] =	vst v63  }
0x5e: {  	_ =	swait.ge [sflag:s18], $0x1000  }
0x5f: {  	s23 =	simm.s32 $0x10;
	s24 =	simm.s32 $0x20;
	[sflag:s18] =	ssyncset.done $0x0  }
.LBB2_4:
0x60: {  	s25 =	sadd.s32 s23, s16  }
0x61: {  	[sflag:s18] =	ssyncadd.s32 $0xFFFFF000;
	s26 =	smov.u32 s24;
	s28 =	sadd.s32 $0x10, s24  }
0x62: {  	[tilespmem:s19], [sflag:$0x2] =	stream.linear.gather [hbm4b:s25+s4], $0x80, $0x38;
	[tilespmem:$0x19800] =	vst v63  }
0x63: {  	p0 =	sne.s32 s24, $0xC30;
	_ =	swait.ge [sflag:s18], $0x80  }
0x64: {  	[sflag:s18] =	ssyncset.done $0x0  }
0x65: {  	s24 =	sadd.s32 s23, s15;
	s23 =	smov.u32 s26;
	[sflag:s18] =	ssyncadd.s32 $0xFFFFFF80  }
0x66: {  	[tilespmem:s4], [sflag:$0x2] =	stream.linear.gather [hbm4b:s24+s4], $0x80, $0x38;
	[tilespmem:$0x19800] =	vst v63  }
0x67: {  	_ =	swait.ge [sflag:s18], $0x80  }
0x68: {  	[sflag:s18] =	ssyncset.done $0x0  }
0x69: {  	[sflag:s18] =	ssyncadd.s32 $0xFFFFFF80  }
0x6a: {  	[tilespmem:s20], [sflag:$0x1] =	stream.indirect.gather [hbm4b:s6+s19], $0x20, s4, s19, $0xb8;
	[tilespmem:$0x19800] =	vst v63  }
0x6b: {  	_ =	swait.ge [sflag:s21], $0x1000  }
.Ltmp1:
0x6c: {  	[sflag:s21] =	ssyncset.done $0x0;
	(pc) =	sbr.rel @p0 .LBB2_4-.Ltmp1, $4  }
0x6d: {  	[sflag:s21] =	ssyncadd.s32 $0xFFFFF000  }
0x6e: {  	[spmem:s3] =	stream.indirect.scatter.add.f32 [tilespmem:s20], [sflag:$0x2], $0x20, s19, s19, $0xb8;
	[tilespmem:$0x19800] =	vst v63  }
0x6f: {  	_ =	swait.ge [sflag:s18], $0x1000  }
0x70: {  	s24 =	smov.u32 s28;
	[sflag:s18] =	ssyncset.done $0x0  }
0x71: {  	s24 =	sadd.s32 s23, s16;
	[sflag:s18] =	ssyncadd.s32 $0xFFFFF000  }
0x72: {  	[tilespmem:s19], [sflag:$0x2] =	stream.linear.gather [hbm4b:s24+s4], $0x80, $0x38;
	[tilespmem:$0x19800] =	vst v63  }
0x73: {  	_ =	swait.ge [sflag:s18], $0x80  }
0x74: {  	[sflag:s18] =	ssyncset.done $0x0  }
0x75: {  	s29 =	sadd.s32 s23, s15;
	[sflag:s18] =	ssyncadd.s32 $0xFFFFFF80  }
0x76: {  	[tilespmem:s4], [sflag:$0x2] =	stream.linear.gather [hbm4b:s29+s4], $0x80, $0x38;
	[tilespmem:$0x19800] =	vst v63  }
0x77: {  	_ =	swait.ge [sflag:s18], $0x80  }
0x78: {  	[sflag:s18] =	ssyncset.done $0x0  }
0x79: {  	[sflag:s18] =	ssyncadd.s32 $0xFFFFFF80  }
0x7a: {  	[tilespmem:s20], [sflag:$0x1] =	stream.indirect.gather [hbm4b:s6+s19], $0x20, s4, s19, $0xb8;
	[tilespmem:$0x19800] =	vst v63  }
0x7b: {  	_ =	swait.ge [sflag:s21], $0x1000  }
0x7c: {  	[sflag:s21] =	ssyncset.done $0x0  }
0x7d: {  	[sflag:s21] =	ssyncadd.s32 $0xFFFFF000  }
0x7e: {  	[spmem:s3] =	stream.indirect.scatter.add.f32 [tilespmem:s20], [sflag:$0x2], $0x20, s19, s19, $0xb8;
	[tilespmem:$0x19800] =	vst v63  }
0x7f: {  	_ =	swait.ge [sflag:s18], $0x1000  }
0x80: {  	[sflag:s18] =	ssyncset.done $0x0  }
0x81: {  	[sflag:s18] =	ssyncadd.s32 $0xFFFFF000  }
0x82: {  	[bflag:$0x0] =	sbarrier.arrive $0xFFFF  }
0x83: {  	[hbm:s10], [sflag:s11] =	dma.local [spmem:s17], $0x30E0  }
0x84: {  	_ =	swait.ge [sflag:s18], $0x30E0  }
0x85: {  	[sflag:s18] =	ssyncset.done $0x0  }
0x86: {  	[sflag:s18] =	ssyncadd.s32 $0xFFFFCF20  }
0x87: {  	[bflag:$0x0] =	sbarrier.arrive $0xFFFF  }
0x88: {  	[spmem:s17], [sflag:s11] =	dma.local [hbm:s2], $0x30E0  }
0x89: {  	_ =	swait.ge [sflag:s18], $0x30E0  }
0x8a: {  	[sflag:s18] =	ssyncset.done $0x0  }
0x8b: {  	[sflag:s18] =	ssyncadd.s32 $0xFFFFCF20  }
0x8c: {  	s30 =	sadd.s32 $0x0, s16;
	[bflag:$0x0] =	sbarrier.arrive $0xFFFF  }
0x8d: {  	[tilespmem:s19], [sflag:$0x2] =	stream.linear.gather [hbm4b:s30+s4], $0x80, $0x38;
	[tilespmem:$0x19800] =	vst v63  }
0x8e: {  	_ =	swait.ge [sflag:s18], $0x80  }
0x8f: {  	[sflag:s18] =	ssyncset.done $0x0  }
0x90: {  	s31 =	sadd.s32 $0x0, s15;
	[sflag:s18] =	ssyncadd.s32 $0xFFFFFF80  }
0x91: {  	[tilespmem:s4], [sflag:$0x2] =	stream.linear.gather [hbm4b:s31+s4], $0x80, $0x38;
	[tilespmem:$0x19800] =	vst v63  }
0x92: {  	_ =	swait.ge [sflag:s18], $0x80  }
0x93: {  	[sflag:s18] =	ssyncset.done $0x0  }
0x94: {  	[sflag:s18] =	ssyncadd.s32 $0xFFFFFF80  }
0x95: {  	[tilespmem:s20], [sflag:$0x1] =	stream.indirect.gather [hbm4b:s7+s19], $0x20, s4, s19, $0xb8;
	[tilespmem:$0x19800] =	vst v63  }
0x96: {  	_ =	swait.ge [sflag:s21], $0x1000  }
0x97: {  	[sflag:s21] =	ssyncset.done $0x0  }
0x98: {  	[sflag:s21] =	ssyncadd.s32 $0xFFFFF000  }
0x99: {  	[spmem:s3] =	stream.indirect.scatter.add.f32 [tilespmem:s20], [sflag:$0x2], $0x20, s19, s19, $0xb8;
	[tilespmem:$0x19800] =	vst v63  }
0x9a: {  	_ =	swait.ge [sflag:s18], $0x1000  }
0x9b: {  	s23 =	simm.s32 $0x10;
	s24 =	simm.s32 $0x20;
	[sflag:s18] =	ssyncset.done $0x0  }
.LBB2_6:
0x9c: {  	s25 =	sadd.s32 s23, s16  }
0x9d: {  	[sflag:s18] =	ssyncadd.s32 $0xFFFFF000;
	s26 =	smov.u32 s24;
	s28 =	sadd.s32 $0x10, s24  }
0x9e: {  	[tilespmem:s19], [sflag:$0x2] =	stream.linear.gather [hbm4b:s25+s4], $0x80, $0x38;
	[tilespmem:$0x19800] =	vst v63  }
0x9f: {  	p0 =	sne.s32 s24, $0xC30;
	_ =	swait.ge [sflag:s18], $0x80  }
0xa0: {  	[sflag:s18] =	ssyncset.done $0x0  }
0xa1: {  	s24 =	sadd.s32 s23, s15;
	s23 =	smov.u32 s26;
	[sflag:s18] =	ssyncadd.s32 $0xFFFFFF80  }
0xa2: {  	[tilespmem:s4], [sflag:$0x2] =	stream.linear.gather [hbm4b:s24+s4], $0x80, $0x38;
	[tilespmem:$0x19800] =	vst v63  }
0xa3: {  	_ =	swait.ge [sflag:s18], $0x80  }
0xa4: {  	[sflag:s18] =	ssyncset.done $0x0  }
0xa5: {  	[sflag:s18] =	ssyncadd.s32 $0xFFFFFF80  }
0xa6: {  	[tilespmem:s20], [sflag:$0x1] =	stream.indirect.gather [hbm4b:s7+s19], $0x20, s4, s19, $0xb8;
	[tilespmem:$0x19800] =	vst v63  }
0xa7: {  	_ =	swait.ge [sflag:s21], $0x1000  }
.Ltmp2:
0xa8: {  	[sflag:s21] =	ssyncset.done $0x0;
	(pc) =	sbr.rel @p0 .LBB2_6-.Ltmp2, $4  }
0xa9: {  	[sflag:s21] =	ssyncadd.s32 $0xFFFFF000  }
0xaa: {  	[spmem:s3] =	stream.indirect.scatter.add.f32 [tilespmem:s20], [sflag:$0x2], $0x20, s19, s19, $0xb8;
	[tilespmem:$0x19800] =	vst v63  }
0xab: {  	_ =	swait.ge [sflag:s18], $0x1000  }
0xac: {  	s24 =	smov.u32 s28;
	[sflag:s18] =	ssyncset.done $0x0  }
0xad: {  	s24 =	sadd.s32 s23, s16;
	[sflag:s18] =	ssyncadd.s32 $0xFFFFF000  }
0xae: {  	[tilespmem:s19], [sflag:$0x2] =	stream.linear.gather [hbm4b:s24+s4], $0x80, $0x38;
	[tilespmem:$0x19800] =	vst v63  }
0xaf: {  	_ =	swait.ge [sflag:s18], $0x80  }
0xb0: {  	[sflag:s18] =	ssyncset.done $0x0  }
0xb1: {  	s29 =	sadd.s32 s23, s15;
	[sflag:s18] =	ssyncadd.s32 $0xFFFFFF80  }
0xb2: {  	[tilespmem:s4], [sflag:$0x2] =	stream.linear.gather [hbm4b:s29+s4], $0x80, $0x38;
	[tilespmem:$0x19800] =	vst v63  }
0xb3: {  	_ =	swait.ge [sflag:s18], $0x80  }
0xb4: {  	[sflag:s18] =	ssyncset.done $0x0  }
0xb5: {  	[sflag:s18] =	ssyncadd.s32 $0xFFFFFF80  }
0xb6: {  	[tilespmem:s20], [sflag:$0x1] =	stream.indirect.gather [hbm4b:s7+s19], $0x20, s4, s19, $0xb8;
	[tilespmem:$0x19800] =	vst v63  }
0xb7: {  	_ =	swait.ge [sflag:s21], $0x1000  }
0xb8: {  	[sflag:s21] =	ssyncset.done $0x0  }
0xb9: {  	[sflag:s21] =	ssyncadd.s32 $0xFFFFF000  }
0xba: {  	[spmem:s3] =	stream.indirect.scatter.add.f32 [tilespmem:s20], [sflag:$0x2], $0x20, s19, s19, $0xb8;
	[tilespmem:$0x19800] =	vst v63  }
0xbb: {  	_ =	swait.ge [sflag:s18], $0x1000  }
0xbc: {  	[sflag:s18] =	ssyncset.done $0x0  }
0xbd: {  	[sflag:s18] =	ssyncadd.s32 $0xFFFFF000  }
0xbe: {  	[bflag:$0x0] =	sbarrier.arrive $0xFFFF  }
0xbf: {  	[hbm:s12], [sflag:s11] =	dma.local [spmem:s17], $0x30E0  }
0xc0: {  	_ =	swait.ge [sflag:s18], $0x30E0  }
0xc1: {  	[sflag:s18] =	ssyncset.done $0x0  }
0xc2: {  	[sflag:s18] =	ssyncadd.s32 $0xFFFFCF20  }
0xc3: {  	[bflag:$0x0] =	sbarrier.arrive $0xFFFF  }
0xc4: {  	[spmem:s17], [sflag:s11] =	dma.local [hbm:s2], $0x30E0  }
0xc5: {  	_ =	swait.ge [sflag:s18], $0x30E0  }
0xc6: {  	[sflag:s18] =	ssyncset.done $0x0  }
0xc7: {  	[sflag:s18] =	ssyncadd.s32 $0xFFFFCF20  }
0xc8: {  	s30 =	sadd.s32 $0x0, s16;
	[bflag:$0x0] =	sbarrier.arrive $0xFFFF  }
0xc9: {  	[tilespmem:s19], [sflag:$0x2] =	stream.linear.gather [hbm4b:s30+s4], $0x80, $0x38;
	[tilespmem:$0x19800] =	vst v63  }
0xca: {  	_ =	swait.ge [sflag:s18], $0x80  }
0xcb: {  	[sflag:s18] =	ssyncset.done $0x0  }
0xcc: {  	s31 =	sadd.s32 $0x0, s15;
	[sflag:s18] =	ssyncadd.s32 $0xFFFFFF80  }
0xcd: {  	[tilespmem:s4], [sflag:$0x2] =	stream.linear.gather [hbm4b:s31+s4], $0x80, $0x38;
	[tilespmem:$0x19800] =	vst v63  }
0xce: {  	_ =	swait.ge [sflag:s18], $0x80  }
0xcf: {  	[sflag:s18] =	ssyncset.done $0x0  }
0xd0: {  	[sflag:s18] =	ssyncadd.s32 $0xFFFFFF80  }
0xd1: {  	[tilespmem:s20], [sflag:$0x1] =	stream.indirect.gather [hbm4b:s8+s19], $0x20, s4, s19, $0xb8;
	[tilespmem:$0x19800] =	vst v63  }
0xd2: {  	_ =	swait.ge [sflag:s21], $0x1000  }
0xd3: {  	[sflag:s21] =	ssyncset.done $0x0  }
0xd4: {  	[sflag:s21] =	ssyncadd.s32 $0xFFFFF000  }
0xd5: {  	[spmem:s3] =	stream.indirect.scatter.add.f32 [tilespmem:s20], [sflag:$0x2], $0x20, s19, s19, $0xb8;
	[tilespmem:$0x19800] =	vst v63  }
0xd6: {  	_ =	swait.ge [sflag:s18], $0x1000  }
0xd7: {  	s23 =	simm.s32 $0x10;
	s24 =	simm.s32 $0x20;
	[sflag:s18] =	ssyncset.done $0x0  }
.LBB2_8:
0xd8: {  	s25 =	sadd.s32 s23, s16  }
0xd9: {  	[sflag:s18] =	ssyncadd.s32 $0xFFFFF000;
	s26 =	smov.u32 s24;
	s28 =	sadd.s32 $0x10, s24  }
0xda: {  	[tilespmem:s19], [sflag:$0x2] =	stream.linear.gather [hbm4b:s25+s4], $0x80, $0x38;
	[tilespmem:$0x19800] =	vst v63  }
0xdb: {  	p0 =	sne.s32 s24, $0xC30;
	_ =	swait.ge [sflag:s18], $0x80  }
0xdc: {  	[sflag:s18] =	ssyncset.done $0x0  }
0xdd: {  	s24 =	sadd.s32 s23, s15;
	s23 =	smov.u32 s26;
	[sflag:s18] =	ssyncadd.s32 $0xFFFFFF80  }
0xde: {  	[tilespmem:s4], [sflag:$0x2] =	stream.linear.gather [hbm4b:s24+s4], $0x80, $0x38;
	[tilespmem:$0x19800] =	vst v63  }
0xdf: {  	_ =	swait.ge [sflag:s18], $0x80  }
0xe0: {  	[sflag:s18] =	ssyncset.done $0x0  }
0xe1: {  	[sflag:s18] =	ssyncadd.s32 $0xFFFFFF80  }
0xe2: {  	[tilespmem:s20], [sflag:$0x1] =	stream.indirect.gather [hbm4b:s8+s19], $0x20, s4, s19, $0xb8;
	[tilespmem:$0x19800] =	vst v63  }
0xe3: {  	_ =	swait.ge [sflag:s21], $0x1000  }
.Ltmp3:
0xe4: {  	[sflag:s21] =	ssyncset.done $0x0;
	(pc) =	sbr.rel @p0 .LBB2_8-.Ltmp3, $4  }
0xe5: {  	[sflag:s21] =	ssyncadd.s32 $0xFFFFF000  }
0xe6: {  	[spmem:s3] =	stream.indirect.scatter.add.f32 [tilespmem:s20], [sflag:$0x2], $0x20, s19, s19, $0xb8;
	[tilespmem:$0x19800] =	vst v63  }
0xe7: {  	_ =	swait.ge [sflag:s18], $0x1000  }
0xe8: {  	s24 =	smov.u32 s28;
	[sflag:s18] =	ssyncset.done $0x0  }
0xe9: {  	s24 =	sadd.s32 s23, s16;
	[sflag:s18] =	ssyncadd.s32 $0xFFFFF000  }
0xea: {  	[tilespmem:s19], [sflag:$0x2] =	stream.linear.gather [hbm4b:s24+s4], $0x80, $0x38;
	[tilespmem:$0x19800] =	vst v63  }
0xeb: {  	_ =	swait.ge [sflag:s18], $0x80  }
0xec: {  	[sflag:s18] =	ssyncset.done $0x0  }
0xed: {  	s31 =	sadd.s32 s23, s15;
	[sflag:s18] =	ssyncadd.s32 $0xFFFFFF80  }
0xee: {  	[tilespmem:s4], [sflag:$0x2] =	stream.linear.gather [hbm4b:s31+s4], $0x80, $0x38;
	[tilespmem:$0x19800] =	vst v63  }
0xef: {  	_ =	swait.ge [sflag:s18], $0x80  }
0xf0: {  	[sflag:s18] =	ssyncset.done $0x0  }
0xf1: {  	[sflag:s18] =	ssyncadd.s32 $0xFFFFFF80  }
0xf2: {  	[tilespmem:s20], [sflag:$0x1] =	stream.indirect.gather [hbm4b:s8+s19], $0x20, s4, s19, $0xb8;
	[tilespmem:$0x19800] =	vst v63  }
0xf3: {  	_ =	swait.ge [sflag:s21], $0x1000  }
0xf4: {  	[sflag:s21] =	ssyncset.done $0x0  }
0xf5: {  	[sflag:s21] =	ssyncadd.s32 $0xFFFFF000  }
0xf6: {  	[spmem:s3] =	stream.indirect.scatter.add.f32 [tilespmem:s20], [sflag:$0x2], $0x20, s19, s19, $0xb8;
	[tilespmem:$0x19800] =	vst v63  }
0xf7: {  	_ =	swait.ge [sflag:s18], $0x1000  }
0xf8: {  	[sflag:s18] =	ssyncset.done $0x0  }
0xf9: {  	s22 =	sadd.s32 $0x1, s22;
	[sflag:s18] =	ssyncadd.s32 $0xFFFFF000  }
0xfa: {  	p0 =	sne.s32 s22, s14;
	[bflag:$0x0] =	sbarrier.arrive $0xFFFF  }
0xfb: {  	[hbm:s13], [sflag:s11] =	dma.local [spmem:s17], $0x30E0  }
.Ltmp4:
0xfc: {  	_ =	swait.ge [sflag:s18], $0x30E0;
	(pc) =	sbr.rel @p0 .LBB2_1-.Ltmp4, $3  }
0xfd: {  	[sflag:s18] =	ssyncset.done $0x0  }
0xfe: {  	[sflag:s18] =	ssyncadd.s32 $0xFFFFCF20  }
0xff: {  	[bflag:$0x0] =	sbarrier.arrive $0xFFFF;
	_ =	sdelay $0x1  }
0x100: {  	_ =	sfence.sel $0x180000  }
0x101: {  	[bflag:$0x0] =	sbarrier.arrive $0xFFFF  }
0x102: {  	p0 =	sne.s32 s0, $0x0;
	_ =	strace $0x9000004D  }
0x103: {  	s0 =	sadd.s32 @!p0 $0x100000, s1;
	[bflag:$0x2] =	sbarrier.arrive $0xFFFF  }
0x104: {  	[sflag:s0] =	ssyncadd.tile.s32 @!p0 $0x1;
	_ =	shalt  }
.Lfunc_end2:
_tile_overlayer_lowered:
.L_overlay_start_2:
0x105: {  	(tag) =	ssettag $0x2  }
0x106: {  	s0 =	rddreg [dreg:$0x0];
	s2 =	stileid.u32  }
0x107: {  	s1 =	rddreg [dreg:$0x1];
	p0 =	sne.s32 s2, $0x0  }
0x108: {  	s3 =	rddreg [dreg:$0x2];
	[bflag:$0x3] =	sbarrier.arrive $0xFFFF;
	s2 =	simm.s32 @!p0 $0x1C02  }
0x109: {  	[timem:s3], [sflag:s2] =	dma.local @!p0 [hbm:s0], s1  }
0x10a: {  	s0 =	simm.s32 @!p0 $0x2  }
0x10b: {  	_ =	swait.ge @!p0 [sflag:s0], s1  }
0x10c: {  	s1 =	ssub.s32 @!p0 $0x0, s1;
	[sflag:s0] =	ssyncset.done @!p0 $0x0  }
0x10d: {  	[sflag:s0] =	ssyncadd.s32 @!p0 s1  }
0x10e: {  	[bflag:$0x3] =	sbarrier.arrive $0xFFFF  }
0x10f: {  	_ =	shalt  }

// kernel: kernel.22.cloned.1.call-start
scs
__scs_entry_jumppad:
0x0: {  	(pc) =	sbr.rel $0x88, $3  }
0x1: {  	(tag) =	ssettag $0x0;
	lr =	simm.s32 $0x1  }
0x2: {  	[smem:$0x3F95] =	sst lr;
	_ =	strace $0xD0000000  }
0x3: {  	_ = 	snop  }
0x4: {  	_ = 	snop  }
0x5: {  	_ = 	snop  }
0x6: {  	_ = 	snop  }
0x7: {  	_ = 	snop  }
__scs_overlays_trampoline_lowered:
0x8: {  	[smem:$0x3FA4] =	sst s0  }
0x9: {  	[smem:$0x3FA5] =	sst s1  }
0xa: {  	[smem:$0x3FA6] =	sst s2  }
0xb: {  	[smem:$0x3FA7] =	sst s3  }
0xc: {  	[smem:$0x3FA8] =	sst s4  }
0xd: {  	[smem:$0x3FA9] =	sst s5  }
0xe: {  	[smem:$0x3FAA] =	sst s6  }
0xf: {  	[smem:$0x3FAB] =	sst s7  }
0x10: {  	[smem:$0x3FAC] =	sst s8  }
0x11: {  	[smem:$0x3FAD] =	sst s9;
	s0 =	simm.s32 @!p0 $0x0  }
0x12: {  	s1 =	sld [smem:$0x3F93];
	s0 =	simm.s32 @p0 $0x1  }
0x13: {  	[smem:$0x3FAE] =	sst s0;
	s0 =	simm.s32 @!p1 $0x0  }
0x14: {  	s2 =	sld [smem:$0x3F92];
	s0 =	simm.s32 @p1 $0x1  }
0x15: {  	[smem:$0x3FAF] =	sst s0;
	s0 =	simm.s32 @!p2 $0x0  }
0x16: {  	s3 =	sld [smem:$0x3FDB];
	s0 =	simm.s32 @p2 $0x1  }
0x17: {  	s4 =	simm.s32 $0x1BF5;
	[smem:$0x3FB1] =	sst s0  }
0x18: {  	s0 =	sld [smem:$0x3F94];
	_ =	swait.ge [sflag:s4], $0x0  }
0x19: {  	s7 =	sld [smem:$0x3F95]  }
0x1a: {  	s8 =	sadd.s32 $0xFFFFE003, lr  }
0x1b: {  	s9 =	sadd.s32 $0xFFFFFEF7, lr;
	s5 =	simm.s32 $0xFFFFFFFF;
	p2 =	slt.u32 s8, $0xFFFFF086  }
0x1c: {  	p1 =	slt.u32 s9, $0xF7A;
	s5 =	simm.s32 @!p2 $0x0  }
0x1d: {  	s5 =	simm.s32 @p1 $0x1;
	p0 =	seq.s32 s7, s2  }
0x1e: {  	s7 =	smul.u32 @!p0 $0xF7A, s2;
	p2 =	seq.s32 @!p0 s5, $0x0  }
0x1f: {  	s9 =	smul.u32 $0xF7A, s1;
	s8 =	simm.s32 @!p0 $0x1BF5;
	p2 =	por !p2, p0  }
0x20: {  	[sflag:s8] =	ssyncset.s32 @!p0 $0xFFFFF086;
	s6 =	sadd.s32 @!p0 s3, s7;
	s7 =	simm.s32 @!p0 $0x108  }
0x21: {  	s3 =	sadd.s32 s3, s9;
	s6 =	sadd.s32 @!p0 $0x88, s6;
	s7 =	simm.s32 @p2 $0x1082  }
0x22: {  	[simem:s7], [sflag:s8] =	dma.local @!p0 [hbm:s6], $0xF7A  }
0x23: {  	s9 =	sor.u32 $0xD0000000, s2;
	s6 =	simm.s32 $0x108;
	_ =	swait.ge @!p0 [sflag:s8], $0x0  }
0x24: {  	s3 =	sadd.s32 $0x88, s3;
	s6 =	simm.s32 @!p1 $0x1082;
	[sflag:s4] =	ssyncset.s32 $0xFFFFF086  }
0x25: {  	[simem:s6], [sflag:s4] =	dma.local [hbm:s3], $0xF7A  }
0x26: {  	[smem:$0x3F95] =	sst s1;
	(tag) =	ssettag s2;
	_ =	strace s9  }
0x27: {  	s1 =	sld [smem:$0x3FA5]  }
0x28: {  	s2 =	sld [smem:$0x3FA6]  }
0x29: {  	s4 =	sld [smem:$0x3FA8]  }
0x2a: {  	p0 =	seq.s32 s5, $0x0;
	s5 =	sld [smem:$0x3FA9]  }
0x2b: {  	s6 =	sld [smem:$0x3FAA]  }
0x2c: {  	s7 =	sld [smem:$0x3FAB]  }
0x2d: {  	s3 =	simm.s32 $0x108;
	s8 =	sld [smem:$0x3FAC]  }
0x2e: {  	s3 =	simm.s32 @!p0 $0x1082;
	s9 =	sld [smem:$0x3FAD]  }
0x2f: {  	lr =	sadd.s32 s0, s3;
	s0 =	sld [smem:$0x3FA4]  }
0x30: {  	s3 =	sld [smem:$0x3FA7]  }
0x31: {  	[smem:$0x3FB0] =	sst s10  }
0x32: {  	s10 =	sld [smem:$0x3FAE];
	_ =	sdelay $0x3  }
0x33: {  	p0 =	seq.s32 s10, $0x1;
	s10 =	sld [smem:$0x3FB0];
	_ =	sdelay $0x3  }
0x34: {  	[smem:$0x3FB0] =	sst s10  }
0x35: {  	s10 =	sld [smem:$0x3FAF];
	_ =	sdelay $0x3  }
0x36: {  	p1 =	seq.s32 s10, $0x1;
	s10 =	sld [smem:$0x3FB0];
	_ =	sdelay $0x3  }
0x37: {  	[smem:$0x3FB0] =	sst s10  }
0x38: {  	s10 =	sld [smem:$0x3FB1]  }
0x39: {  	_ = 	snop;
	(pc) =	sbr.ind lr, $3  }
0x3a: {  	_ = 	snop  }
0x3b: {  	_ = 	snop  }
0x3c: {  	p2 =	seq.s32 s10, $0x1;
	s10 =	sld [smem:$0x3FB0]  }
0x3d: {  	_ =	shalt  }
0x3e: {  	_ =	shalt  }
0x3f: {  	_ =	shalt  }
0x40: {  	_ =	shalt  }
0x41: {  	_ =	shalt  }
0x42: {  	_ =	shalt  }
0x43: {  	_ =	shalt  }
0x44: {  	_ =	shalt  }
0x45: {  	_ =	shalt  }
0x46: {  	_ =	shalt  }
0x47: {  	_ =	shalt  }
0x48: {  	_ =	shalt  }
0x49: {  	_ =	shalt  }
0x4a: {  	_ =	shalt  }
0x4b: {  	_ =	shalt  }
0x4c: {  	_ =	shalt  }
0x4d: {  	_ =	shalt  }
0x4e: {  	_ =	shalt  }
0x4f: {  	_ =	shalt  }
0x50: {  	_ =	shalt  }
0x51: {  	_ =	shalt  }
0x52: {  	_ =	shalt  }
0x53: {  	_ =	shalt  }
0x54: {  	_ =	shalt  }
0x55: {  	_ =	shalt  }
0x56: {  	_ =	shalt  }
0x57: {  	_ =	shalt  }
0x58: {  	_ =	shalt  }
0x59: {  	_ =	shalt  }
0x5a: {  	_ =	shalt  }
0x5b: {  	_ =	shalt  }
0x5c: {  	_ =	shalt  }
0x5d: {  	_ =	shalt  }
0x5e: {  	_ =	shalt  }
0x5f: {  	_ =	shalt  }
0x60: {  	_ =	shalt  }
0x61: {  	_ =	shalt  }
0x62: {  	_ =	shalt  }
0x63: {  	_ =	shalt  }
0x64: {  	_ =	shalt  }
0x65: {  	_ =	shalt  }
0x66: {  	_ =	shalt  }
0x67: {  	_ =	shalt  }
0x68: {  	_ =	shalt  }
0x69: {  	_ =	shalt  }
0x6a: {  	_ =	shalt  }
0x6b: {  	_ =	shalt  }
0x6c: {  	_ =	shalt  }
0x6d: {  	_ =	shalt  }
0x6e: {  	_ =	shalt  }
0x6f: {  	_ =	shalt  }
0x70: {  	_ =	shalt  }
0x71: {  	_ =	shalt  }
0x72: {  	_ =	shalt  }
0x73: {  	_ =	shalt  }
0x74: {  	_ =	shalt  }
0x75: {  	_ =	shalt  }
0x76: {  	_ =	shalt  }
0x77: {  	_ =	shalt  }
0x78: {  	_ =	shalt  }
0x79: {  	_ =	shalt  }
0x7a: {  	_ =	shalt  }
0x7b: {  	_ =	shalt  }
0x7c: {  	_ =	shalt  }
0x7d: {  	_ =	shalt  }
0x7e: {  	_ =	shalt  }
0x7f: {  	_ =	shalt  }
0x80: {  	_ =	shalt  }
0x81: {  	_ =	shalt  }
0x82: {  	_ =	shalt  }
0x83: {  	_ =	shalt  }
0x84: {  	_ =	shalt  }
0x85: {  	_ =	shalt  }
0x86: {  	_ =	shalt  }
0x87: {  	_ =	shalt  }
.Lfunc_end0:
.L_simem_size_0:
called_computation.3_lowered:
.L_overlay_start_0:
0x88: {  	s2 =	sld [smem:$0x3FD9]  }
0x89: {  	s3 =	sld [smem:$0x3FFE];
	_ =	sdelay $0x1  }
0x8a: {  	s1 =	srdreg.scid  }
0x8b: {  	s0 =	sand.u32 $0x1, s1  }
0x8c: {  	s17 =	sshll.u32 s0, $0xA;
	s2 =	sadd.s32 s3, s2  }
0x8d: {  	s2 =	sadd.s32 s2, s17  }
0x8e: {  	[smem:$0x3FBC] =	sst s2  }
0x8f: {  	_ = 	snop  }
0x90: {  	s2 =	sld [smem:$0x3FD0];
	(tm) =	ssettm $0x1  }
0x91: {  	s18 =	sld [smem:$0x3FFB];
	_ =	sdelay $0x3  }
0x92: {  	_ =	strace s18  }
0x93: {  	s3 =	sld [smem:$0x3FFC];
	_ =	sdelay $0x3  }
0x94: {  	_ =	strace s3  }
0x95: {  	s3 =	sld [smem:$0x3FFD];
	_ =	sdelay $0x3  }
0x96: {  	_ =	strace s3  }
0x97: {  	_ =	strace $0x8FFFFFFF  }
0x98: {  	s19 =	sld [smem:$0x3FDB];
	_ =	sdelay $0x1  }
0x99: {  	s4 =	simm.s32 $_scs_section_size  }
0x9a: {  	s5 =	simm.s32 $_size__tile_overlayer_lowered;
	s6 =	simm.s32 $_tile_overlayer_lowered  }
0x9b: {  	s22 =	simm.s32 $0x1BFF;
	s21 =	sshll.u32 s6, $0x1;
	s3 =	sadd.s32 s4, s19  }
0x9c: {  	s7 =	simm.s32 $0x0;
	s20 =	sshll.u32 s5, $0x1;
	s5 =	sadd.s32 s21, s3  }
0x9d: {  	[timem:s7], [sflag:s22] =	dma.local [hbm:s5], s20  }
0x9e: {  	_ =	swait.ge [sflag:s22], s20  }
0x9f: {  	s4 =	ssub.s32 $0x0, s20;
	[sflag:s22] =	ssyncset.done $0x0  }
0xa0: {  	[sflag:s22] =	ssyncadd.s32 s4;
	_ =	sdelay $0x1  }
0xa1: {  	s23 =	simm.s32 $0x1B8B  }
0xa2: {  	_ =	swait.ge [sflag:s23], $0x1  }
0xa3: {  	[sflag:s23] =	ssyncset.done $0x0  }
0xa4: {  	s25 =	simm.s32 $0x1B8E;
	s24 =	sld [smem:$0x3FFE];
	[sflag:s23] =	ssyncadd.s32 $0xFFFFFFFF  }
0xa5: {  	s26 =	simm.s32 $execute0_lowered;
	[smem:$0x3FD2] =	sst s25  }
0xa6: {  	s5 =	sshll.u32 s26, $0x1;
	_ =	strace $0x8000004F;
	[dreg:$0x1] =	wrdreg $0xFFFFFFFF  }
0xa7: {  	s28 =	simm.s32 $_size_execute0_lowered;
	s3 =	sadd.s32 s3, s5;
	[dreg:$0x0] =	wrdreg $0x0  }
0xa8: {  	s5 =	sshll.u32 s28, $0x1;
	[dreg:$0x2] =	wrdreg s3  }
0xa9: {  	[dreg:$0x3] =	wrdreg s5  }
0xaa: {  	[dreg:$0x4] =	wrdreg $0xC0  }
0xab: {  	_ =	task [dreg:s7], $0x5FFFF  }
0xac: {  	[dreg:$0x1] =	wrdreg $0xFFFFFFFF  }
0xad: {  	[dreg:$0x0] =	wrdreg $0x60  }
0xae: {  	[dreg:$0x2] =	wrdreg s24  }
0xaf: {  	[dreg:$0x3] =	wrdreg s2  }
0xb0: {  	[dreg:$0x4] =	wrdreg $0x11000  }
0xb1: {  	[dreg:$0x5] =	wrdreg $0x9  }
0xb2: {  	_ =	task.clear_ibuf [dreg:s7], $0x6FFFF;
	_ =	strace $0x9000004F  }
0xb3: {  	s29 =	simm.s32 $0x9;
	_ =	strace $0x80000051  }
0xb4: {  	_ =	swait.ge [sflag:s29], $0x1  }
0xb5: {  	[sflag:s29] =	ssyncadd.s32 $0xFFFFFFFF  }
0xb6: {  	_ =	strace $0x90000051  }
0xb7: {  	_ =	sfence  }
0xb8: {  	s30 =	sld [smem:$0x0];
	_ =	sdelay $0x2  }
0xb9: {  	s31 =	sshll.u32 s1, $0xD;
	s1 =	sshrl.u32 s1, $0x2  }
0xba: {  	s3 =	sand.u32 $0x4000, s31;
	s1 =	sadd.s32 s1, s30  }
0xbb: {  	s0 =	sor.u32 s3, s0;
	s1 =	sshll.u32 s1, $0x11  }
0xbc: {  	s0 =	sor.u32 s1, s0  }
0xbd: {  	s0 =	sadd.s32 $0x8F2B, s0  }
0xbe: {  	[sflag:s0] =	ssyncadd.remote.s32 $0x1  }
0xbf: {  	_ =	sfence.sel $0xFFFF  }
0xc0: {  	[dreg:$0x0] =	wrdreg $0xFFFFFFFF;
	(pc) =	sbr.abs _section_cstart, $3  }
0xc1: {  	[dreg:$0x1] =	wrdreg $0xFFFFFFFF  }
0xc2: {  	_ =	task.clear_ibuf [dreg:s7], $0x2FFFF;
	_ =	strace $0x9FFFFFFF  }
0xc3: {  	(tm) =	ssettm $0x7FFFFFFF  }
tec
execute0_lowered:
.L_overlay_start_1:
0x0: {  	(tag) =	ssettag $0x1  }
0x1: {  	s9 =	rddreg [dreg:$0x0];
	s1 =	srdreg.scid  }
0x2: {  	s0 =	stileid.u32;
	s2 =	rddreg [dreg:$0x1]  }
0x3: {  	s3 =	rddreg [dreg:$0x2];
	s4 =	simm.s32 $0x0;
	s18 =	simm.s32 $0x2  }
0x4: {  	s19 =	simm.s32 $0x80;
	s20 =	simm.s32 $0x100;
	s21 =	simm.s32 $0x1  }
0x5: {  	s8 =	sand.u32 $0x1, s1;
	s5 =	smul.u32 $0xC400, s0;
	s1 =	rddreg [dreg:$0x3]  }
0x6: {  	s22 =	simm.s32 $0x0;
	[smem:$0x7FF] =	sst s4;
	s12 =	smul.u32 $0x18700, s0  }
0x7: {  	s7 =	sadd.s32 $0x128000, s9;
	s31 =	sshll.u32 s0, $0x6;
	s6 =	smul.u32 $0x6200, s8  }
0x8: {  	_ =	strace $0x80000050;
	s10 =	smul.u32 $0x61C000, s8;
	s11 =	ssub.s32 $0x2, s8  }
0x9: {  	s8 =	sadd.s32 $0xF7200, s9;
	s13 =	sshrl.u32 s11, $0x1;
	s17 =	sadd.s32 s12, s3  }
0xa: {  	s5 =	sadd.s32 s6, s5;
	s6 =	sadd.s32 $0x158E00, s9;
	s10 =	sadd.s32 s12, s10  }
0xb: {  	s15 =	ssub.s32 s11, s13;
	s5 =	sshrl.u32 s5, $0x3;
	s10 =	sshrl.u32 s10, $0x3  }
0xc: {  	s16 =	sadd.s32 s5, s9;
	s5 =	sadd.s32 $0x24D400, s9;
	s14 =	sadd.s32 s10, s9  }
0xd: {  	s9 =	sor.u32 $0x1C02, s31;
	s10 =	sadd.s32 $0x27E200, s14;
	s11 =	sadd.s32 $0x2AF000, s14  }
0xe: {  	s17 =	sshrl.u32 s17, $0x3;
	s12 =	sadd.s32 $0x2DFE00, s14;
	s13 =	sadd.s32 $0x310C00, s14  }
0xf: {  	s14 =	smax.u32 s15, $0x1;
	s15 =	sadd.s32 $0x1B000, s16;
	s16 =	sadd.s32 $0x2800, s16  }
.LBB2_1:
0x10: {  	[spmem:s17], [sflag:s9] =	dma.local [hbm:s2], $0x30E0  }
0x11: {  	_ =	swait.ge [sflag:s18], $0x30E0  }
0x12: {  	[sflag:s18] =	ssyncset.done $0x0  }
0x13: {  	[sflag:s18] =	ssyncadd.s32 $0xFFFFCF20  }
0x14: {  	s23 =	sadd.s32 $0x0, s16;
	[bflag:$0x0] =	sbarrier.arrive $0xFFFF  }
0x15: {  	[tilespmem:s19], [sflag:$0x2] =	stream.linear.gather [hbm4b:s23+s4], $0x80, $0x38;
	[tilespmem:$0x19800] =	vst v63  }
0x16: {  	_ =	swait.ge [sflag:s18], $0x80  }
0x17: {  	[sflag:s18] =	ssyncset.done $0x0  }
0x18: {  	s31 =	sadd.s32 $0x0, s15;
	[sflag:s18] =	ssyncadd.s32 $0xFFFFFF80  }
0x19: {  	[tilespmem:s4], [sflag:$0x2] =	stream.linear.gather [hbm4b:s31+s4], $0x80, $0x38;
	[tilespmem:$0x19800] =	vst v63  }
0x1a: {  	_ =	swait.ge [sflag:s18], $0x80  }
0x1b: {  	[sflag:s18] =	ssyncset.done $0x0  }
0x1c: {  	[sflag:s18] =	ssyncadd.s32 $0xFFFFFF80  }
0x1d: {  	[tilespmem:s20], [sflag:$0x1] =	stream.indirect.gather [hbm4b:s5+s19], $0x20, s4, s19, $0xb8;
	[tilespmem:$0x19800] =	vst v63  }
0x1e: {  	_ =	swait.ge [sflag:s21], $0x1000  }
0x1f: {  	[sflag:s21] =	ssyncset.done $0x0  }
0x20: {  	[sflag:s21] =	ssyncadd.s32 $0xFFFFF000  }
0x21: {  	[spmem:s3] =	stream.indirect.scatter.add.f32 [tilespmem:s20], [sflag:$0x2], $0x20, s19, s19, $0xb8;
	[tilespmem:$0x19800] =	vst v63  }
0x22: {  	_ =	swait.ge [sflag:s18], $0x1000  }
0x23: {  	s24 =	simm.s32 $0x20;
	s23 =	simm.s32 $0x10;
	[sflag:s18] =	ssyncset.done $0x0  }
.LBB2_2:
0x24: {  	s25 =	sadd.s32 s23, s16  }
0x25: {  	[sflag:s18] =	ssyncadd.s32 $0xFFFFF000;
	s26 =	smov.u32 s24;
	s28 =	sadd.s32 $0x10, s24  }
0x26: {  	[tilespmem:s19], [sflag:$0x2] =	stream.linear.gather [hbm4b:s25+s4], $0x80, $0x38;
	[tilespmem:$0x19800] =	vst v63  }
0x27: {  	p0 =	sne.s32 s24, $0xC30;
	_ =	swait.ge [sflag:s18], $0x80  }
0x28: {  	[sflag:s18] =	ssyncset.done $0x0  }
0x29: {  	s24 =	sadd.s32 s23, s15;
	s23 =	smov.u32 s26;
	[sflag:s18] =	ssyncadd.s32 $0xFFFFFF80  }
0x2a: {  	[tilespmem:s4], [sflag:$0x2] =	stream.linear.gather [hbm4b:s24+s4], $0x80, $0x38;
	[tilespmem:$0x19800] =	vst v63  }
0x2b: {  	_ =	swait.ge [sflag:s18], $0x80  }
0x2c: {  	[sflag:s18] =	ssyncset.done $0x0  }
0x2d: {  	[sflag:s18] =	ssyncadd.s32 $0xFFFFFF80  }
0x2e: {  	[tilespmem:s20], [sflag:$0x1] =	stream.indirect.gather [hbm4b:s5+s19], $0x20, s4, s19, $0xb8;
	[tilespmem:$0x19800] =	vst v63  }
0x2f: {  	_ =	swait.ge [sflag:s21], $0x1000  }
.Ltmp0:
0x30: {  	[sflag:s21] =	ssyncset.done $0x0;
	(pc) =	sbr.rel @p0 .LBB2_2-.Ltmp0, $4  }
0x31: {  	[sflag:s21] =	ssyncadd.s32 $0xFFFFF000  }
0x32: {  	[spmem:s3] =	stream.indirect.scatter.add.f32 [tilespmem:s20], [sflag:$0x2], $0x20, s19, s19, $0xb8;
	[tilespmem:$0x19800] =	vst v63  }
0x33: {  	_ =	swait.ge [sflag:s18], $0x1000  }
0x34: {  	s24 =	smov.u32 s28;
	[sflag:s18] =	ssyncset.done $0x0  }
0x35: {  	s24 =	sadd.s32 s23, s16;
	[sflag:s18] =	ssyncadd.s32 $0xFFFFF000  }
0x36: {  	[tilespmem:s19], [sflag:$0x2] =	stream.linear.gather [hbm4b:s24+s4], $0x80, $0x38;
	[tilespmem:$0x19800] =	vst v63  }
0x37: {  	_ =	swait.ge [sflag:s18], $0x80  }
0x38: {  	[sflag:s18] =	ssyncset.done $0x0  }
0x39: {  	s29 =	sadd.s32 s23, s15;
	[sflag:s18] =	ssyncadd.s32 $0xFFFFFF80  }
0x3a: {  	[tilespmem:s4], [sflag:$0x2] =	stream.linear.gather [hbm4b:s29+s4], $0x80, $0x38;
	[tilespmem:$0x19800] =	vst v63  }
0x3b: {  	_ =	swait.ge [sflag:s18], $0x80  }
0x3c: {  	[sflag:s18] =	ssyncset.done $0x0  }
0x3d: {  	[sflag:s18] =	ssyncadd.s32 $0xFFFFFF80  }
0x3e: {  	[tilespmem:s20], [sflag:$0x1] =	stream.indirect.gather [hbm4b:s5+s19], $0x20, s4, s19, $0xb8;
	[tilespmem:$0x19800] =	vst v63  }
0x3f: {  	_ =	swait.ge [sflag:s21], $0x1000  }
0x40: {  	[sflag:s21] =	ssyncset.done $0x0  }
0x41: {  	[sflag:s21] =	ssyncadd.s32 $0xFFFFF000  }
0x42: {  	[spmem:s3] =	stream.indirect.scatter.add.f32 [tilespmem:s20], [sflag:$0x2], $0x20, s19, s19, $0xb8;
	[tilespmem:$0x19800] =	vst v63  }
0x43: {  	_ =	swait.ge [sflag:s18], $0x1000  }
0x44: {  	[sflag:s18] =	ssyncset.done $0x0  }
0x45: {  	[sflag:s18] =	ssyncadd.s32 $0xFFFFF000  }
0x46: {  	[bflag:$0x0] =	sbarrier.arrive $0xFFFF  }
0x47: {  	[hbm:s10], [sflag:s9] =	dma.local [spmem:s17], $0x30E0  }
0x48: {  	_ =	swait.ge [sflag:s18], $0x30E0  }
0x49: {  	[sflag:s18] =	ssyncset.done $0x0  }
0x4a: {  	[sflag:s18] =	ssyncadd.s32 $0xFFFFCF20  }
0x4b: {  	[bflag:$0x0] =	sbarrier.arrive $0xFFFF  }
0x4c: {  	[spmem:s17], [sflag:s9] =	dma.local [hbm:s2], $0x30E0  }
0x4d: {  	_ =	swait.ge [sflag:s18], $0x30E0  }
0x4e: {  	[sflag:s18] =	ssyncset.done $0x0  }
0x4f: {  	[sflag:s18] =	ssyncadd.s32 $0xFFFFCF20  }
0x50: {  	s30 =	sadd.s32 $0x0, s16;
	[bflag:$0x0] =	sbarrier.arrive $0xFFFF  }
0x51: {  	[tilespmem:s19], [sflag:$0x2] =	stream.linear.gather [hbm4b:s30+s4], $0x80, $0x38;
	[tilespmem:$0x19800] =	vst v63  }
0x52: {  	_ =	swait.ge [sflag:s18], $0x80  }
0x53: {  	[sflag:s18] =	ssyncset.done $0x0  }
0x54: {  	s31 =	sadd.s32 $0x0, s15;
	[sflag:s18] =	ssyncadd.s32 $0xFFFFFF80  }
0x55: {  	[tilespmem:s4], [sflag:$0x2] =	stream.linear.gather [hbm4b:s31+s4], $0x80, $0x38;
	[tilespmem:$0x19800] =	vst v63  }
0x56: {  	_ =	swait.ge [sflag:s18], $0x80  }
0x57: {  	[sflag:s18] =	ssyncset.done $0x0  }
0x58: {  	[sflag:s18] =	ssyncadd.s32 $0xFFFFFF80  }
0x59: {  	[tilespmem:s20], [sflag:$0x1] =	stream.indirect.gather [hbm4b:s6+s19], $0x20, s4, s19, $0xb8;
	[tilespmem:$0x19800] =	vst v63  }
0x5a: {  	_ =	swait.ge [sflag:s21], $0x1000  }
0x5b: {  	[sflag:s21] =	ssyncset.done $0x0  }
0x5c: {  	[sflag:s21] =	ssyncadd.s32 $0xFFFFF000  }
0x5d: {  	[spmem:s3] =	stream.indirect.scatter.add.f32 [tilespmem:s20], [sflag:$0x2], $0x20, s19, s19, $0xb8;
	[tilespmem:$0x19800] =	vst v63  }
0x5e: {  	_ =	swait.ge [sflag:s18], $0x1000  }
0x5f: {  	s23 =	simm.s32 $0x10;
	s24 =	simm.s32 $0x20;
	[sflag:s18] =	ssyncset.done $0x0  }
.LBB2_4:
0x60: {  	s25 =	sadd.s32 s23, s16  }
0x61: {  	[sflag:s18] =	ssyncadd.s32 $0xFFFFF000;
	s26 =	smov.u32 s24;
	s28 =	sadd.s32 $0x10, s24  }
0x62: {  	[tilespmem:s19], [sflag:$0x2] =	stream.linear.gather [hbm4b:s25+s4], $0x80, $0x38;
	[tilespmem:$0x19800] =	vst v63  }
0x63: {  	p0 =	sne.s32 s24, $0xC30;
	_ =	swait.ge [sflag:s18], $0x80  }
0x64: {  	[sflag:s18] =	ssyncset.done $0x0  }
0x65: {  	s24 =	sadd.s32 s23, s15;
	s23 =	smov.u32 s26;
	[sflag:s18] =	ssyncadd.s32 $0xFFFFFF80  }
0x66: {  	[tilespmem:s4], [sflag:$0x2] =	stream.linear.gather [hbm4b:s24+s4], $0x80, $0x38;
	[tilespmem:$0x19800] =	vst v63  }
0x67: {  	_ =	swait.ge [sflag:s18], $0x80  }
0x68: {  	[sflag:s18] =	ssyncset.done $0x0  }
0x69: {  	[sflag:s18] =	ssyncadd.s32 $0xFFFFFF80  }
0x6a: {  	[tilespmem:s20], [sflag:$0x1] =	stream.indirect.gather [hbm4b:s6+s19], $0x20, s4, s19, $0xb8;
	[tilespmem:$0x19800] =	vst v63  }
0x6b: {  	_ =	swait.ge [sflag:s21], $0x1000  }
.Ltmp1:
0x6c: {  	[sflag:s21] =	ssyncset.done $0x0;
	(pc) =	sbr.rel @p0 .LBB2_4-.Ltmp1, $4  }
0x6d: {  	[sflag:s21] =	ssyncadd.s32 $0xFFFFF000  }
0x6e: {  	[spmem:s3] =	stream.indirect.scatter.add.f32 [tilespmem:s20], [sflag:$0x2], $0x20, s19, s19, $0xb8;
	[tilespmem:$0x19800] =	vst v63  }
0x6f: {  	_ =	swait.ge [sflag:s18], $0x1000  }
0x70: {  	s24 =	smov.u32 s28;
	[sflag:s18] =	ssyncset.done $0x0  }
0x71: {  	s24 =	sadd.s32 s23, s16;
	[sflag:s18] =	ssyncadd.s32 $0xFFFFF000  }
0x72: {  	[tilespmem:s19], [sflag:$0x2] =	stream.linear.gather [hbm4b:s24+s4], $0x80, $0x38;
	[tilespmem:$0x19800] =	vst v63  }
0x73: {  	_ =	swait.ge [sflag:s18], $0x80  }
0x74: {  	[sflag:s18] =	ssyncset.done $0x0  }
0x75: {  	s29 =	sadd.s32 s23, s15;
	[sflag:s18] =	ssyncadd.s32 $0xFFFFFF80  }
0x76: {  	[tilespmem:s4], [sflag:$0x2] =	stream.linear.gather [hbm4b:s29+s4], $0x80, $0x38;
	[tilespmem:$0x19800] =	vst v63  }
0x77: {  	_ =	swait.ge [sflag:s18], $0x80  }
0x78: {  	[sflag:s18] =	ssyncset.done $0x0  }
0x79: {  	[sflag:s18] =	ssyncadd.s32 $0xFFFFFF80  }
0x7a: {  	[tilespmem:s20], [sflag:$0x1] =	stream.indirect.gather [hbm4b:s6+s19], $0x20, s4, s19, $0xb8;
	[tilespmem:$0x19800] =	vst v63  }
0x7b: {  	_ =	swait.ge [sflag:s21], $0x1000  }
0x7c: {  	[sflag:s21] =	ssyncset.done $0x0  }
0x7d: {  	[sflag:s21] =	ssyncadd.s32 $0xFFFFF000  }
0x7e: {  	[spmem:s3] =	stream.indirect.scatter.add.f32 [tilespmem:s20], [sflag:$0x2], $0x20, s19, s19, $0xb8;
	[tilespmem:$0x19800] =	vst v63  }
0x7f: {  	_ =	swait.ge [sflag:s18], $0x1000  }
0x80: {  	[sflag:s18] =	ssyncset.done $0x0  }
0x81: {  	[sflag:s18] =	ssyncadd.s32 $0xFFFFF000  }
0x82: {  	[bflag:$0x0] =	sbarrier.arrive $0xFFFF  }
0x83: {  	[hbm:s11], [sflag:s9] =	dma.local [spmem:s17], $0x30E0  }
0x84: {  	_ =	swait.ge [sflag:s18], $0x30E0  }
0x85: {  	[sflag:s18] =	ssyncset.done $0x0  }
0x86: {  	[sflag:s18] =	ssyncadd.s32 $0xFFFFCF20  }
0x87: {  	[bflag:$0x0] =	sbarrier.arrive $0xFFFF  }
0x88: {  	[spmem:s17], [sflag:s9] =	dma.local [hbm:s2], $0x30E0  }
0x89: {  	_ =	swait.ge [sflag:s18], $0x30E0  }
0x8a: {  	[sflag:s18] =	ssyncset.done $0x0  }
0x8b: {  	[sflag:s18] =	ssyncadd.s32 $0xFFFFCF20  }
0x8c: {  	s30 =	sadd.s32 $0x0, s16;
	[bflag:$0x0] =	sbarrier.arrive $0xFFFF  }
0x8d: {  	[tilespmem:s19], [sflag:$0x2] =	stream.linear.gather [hbm4b:s30+s4], $0x80, $0x38;
	[tilespmem:$0x19800] =	vst v63  }
0x8e: {  	_ =	swait.ge [sflag:s18], $0x80  }
0x8f: {  	[sflag:s18] =	ssyncset.done $0x0  }
0x90: {  	s31 =	sadd.s32 $0x0, s15;
	[sflag:s18] =	ssyncadd.s32 $0xFFFFFF80  }
0x91: {  	[tilespmem:s4], [sflag:$0x2] =	stream.linear.gather [hbm4b:s31+s4], $0x80, $0x38;
	[tilespmem:$0x19800] =	vst v63  }
0x92: {  	_ =	swait.ge [sflag:s18], $0x80  }
0x93: {  	[sflag:s18] =	ssyncset.done $0x0  }
0x94: {  	[sflag:s18] =	ssyncadd.s32 $0xFFFFFF80  }
0x95: {  	[tilespmem:s20], [sflag:$0x1] =	stream.indirect.gather [hbm4b:s7+s19], $0x20, s4, s19, $0xb8;
	[tilespmem:$0x19800] =	vst v63  }
0x96: {  	_ =	swait.ge [sflag:s21], $0x1000  }
0x97: {  	[sflag:s21] =	ssyncset.done $0x0  }
0x98: {  	[sflag:s21] =	ssyncadd.s32 $0xFFFFF000  }
0x99: {  	[spmem:s3] =	stream.indirect.scatter.add.f32 [tilespmem:s20], [sflag:$0x2], $0x20, s19, s19, $0xb8;
	[tilespmem:$0x19800] =	vst v63  }
0x9a: {  	_ =	swait.ge [sflag:s18], $0x1000  }
0x9b: {  	s23 =	simm.s32 $0x10;
	s24 =	simm.s32 $0x20;
	[sflag:s18] =	ssyncset.done $0x0  }
.LBB2_6:
0x9c: {  	s25 =	sadd.s32 s23, s16  }
0x9d: {  	[sflag:s18] =	ssyncadd.s32 $0xFFFFF000;
	s26 =	smov.u32 s24;
	s28 =	sadd.s32 $0x10, s24  }
0x9e: {  	[tilespmem:s19], [sflag:$0x2] =	stream.linear.gather [hbm4b:s25+s4], $0x80, $0x38;
	[tilespmem:$0x19800] =	vst v63  }
0x9f: {  	p0 =	sne.s32 s24, $0xC30;
	_ =	swait.ge [sflag:s18], $0x80  }
0xa0: {  	[sflag:s18] =	ssyncset.done $0x0  }
0xa1: {  	s24 =	sadd.s32 s23, s15;
	s23 =	smov.u32 s26;
	[sflag:s18] =	ssyncadd.s32 $0xFFFFFF80  }
0xa2: {  	[tilespmem:s4], [sflag:$0x2] =	stream.linear.gather [hbm4b:s24+s4], $0x80, $0x38;
	[tilespmem:$0x19800] =	vst v63  }
0xa3: {  	_ =	swait.ge [sflag:s18], $0x80  }
0xa4: {  	[sflag:s18] =	ssyncset.done $0x0  }
0xa5: {  	[sflag:s18] =	ssyncadd.s32 $0xFFFFFF80  }
0xa6: {  	[tilespmem:s20], [sflag:$0x1] =	stream.indirect.gather [hbm4b:s7+s19], $0x20, s4, s19, $0xb8;
	[tilespmem:$0x19800] =	vst v63  }
0xa7: {  	_ =	swait.ge [sflag:s21], $0x1000  }
.Ltmp2:
0xa8: {  	[sflag:s21] =	ssyncset.done $0x0;
	(pc) =	sbr.rel @p0 .LBB2_6-.Ltmp2, $4  }
0xa9: {  	[sflag:s21] =	ssyncadd.s32 $0xFFFFF000  }
0xaa: {  	[spmem:s3] =	stream.indirect.scatter.add.f32 [tilespmem:s20], [sflag:$0x2], $0x20, s19, s19, $0xb8;
	[tilespmem:$0x19800] =	vst v63  }
0xab: {  	_ =	swait.ge [sflag:s18], $0x1000  }
0xac: {  	s24 =	smov.u32 s28;
	[sflag:s18] =	ssyncset.done $0x0  }
0xad: {  	s24 =	sadd.s32 s23, s16;
	[sflag:s18] =	ssyncadd.s32 $0xFFFFF000  }
0xae: {  	[tilespmem:s19], [sflag:$0x2] =	stream.linear.gather [hbm4b:s24+s4], $0x80, $0x38;
	[tilespmem:$0x19800] =	vst v63  }
0xaf: {  	_ =	swait.ge [sflag:s18], $0x80  }
0xb0: {  	[sflag:s18] =	ssyncset.done $0x0  }
0xb1: {  	s29 =	sadd.s32 s23, s15;
	[sflag:s18] =	ssyncadd.s32 $0xFFFFFF80  }
0xb2: {  	[tilespmem:s4], [sflag:$0x2] =	stream.linear.gather [hbm4b:s29+s4], $0x80, $0x38;
	[tilespmem:$0x19800] =	vst v63  }
0xb3: {  	_ =	swait.ge [sflag:s18], $0x80  }
0xb4: {  	[sflag:s18] =	ssyncset.done $0x0  }
0xb5: {  	[sflag:s18] =	ssyncadd.s32 $0xFFFFFF80  }
0xb6: {  	[tilespmem:s20], [sflag:$0x1] =	stream.indirect.gather [hbm4b:s7+s19], $0x20, s4, s19, $0xb8;
	[tilespmem:$0x19800] =	vst v63  }
0xb7: {  	_ =	swait.ge [sflag:s21], $0x1000  }
0xb8: {  	[sflag:s21] =	ssyncset.done $0x0  }
0xb9: {  	[sflag:s21] =	ssyncadd.s32 $0xFFFFF000  }
0xba: {  	[spmem:s3] =	stream.indirect.scatter.add.f32 [tilespmem:s20], [sflag:$0x2], $0x20, s19, s19, $0xb8;
	[tilespmem:$0x19800] =	vst v63  }
0xbb: {  	_ =	swait.ge [sflag:s18], $0x1000  }
0xbc: {  	[sflag:s18] =	ssyncset.done $0x0  }
0xbd: {  	[sflag:s18] =	ssyncadd.s32 $0xFFFFF000  }
0xbe: {  	[bflag:$0x0] =	sbarrier.arrive $0xFFFF  }
0xbf: {  	[hbm:s12], [sflag:s9] =	dma.local [spmem:s17], $0x30E0  }
0xc0: {  	_ =	swait.ge [sflag:s18], $0x30E0  }
0xc1: {  	[sflag:s18] =	ssyncset.done $0x0  }
0xc2: {  	[sflag:s18] =	ssyncadd.s32 $0xFFFFCF20  }
0xc3: {  	[bflag:$0x0] =	sbarrier.arrive $0xFFFF  }
0xc4: {  	[spmem:s17], [sflag:s9] =	dma.local [hbm:s2], $0x30E0  }
0xc5: {  	_ =	swait.ge [sflag:s18], $0x30E0  }
0xc6: {  	[sflag:s18] =	ssyncset.done $0x0  }
0xc7: {  	[sflag:s18] =	ssyncadd.s32 $0xFFFFCF20  }
0xc8: {  	s30 =	sadd.s32 $0x0, s16;
	[bflag:$0x0] =	sbarrier.arrive $0xFFFF  }
0xc9: {  	[tilespmem:s19], [sflag:$0x2] =	stream.linear.gather [hbm4b:s30+s4], $0x80, $0x38;
	[tilespmem:$0x19800] =	vst v63  }
0xca: {  	_ =	swait.ge [sflag:s18], $0x80  }
0xcb: {  	[sflag:s18] =	ssyncset.done $0x0  }
0xcc: {  	s31 =	sadd.s32 $0x0, s15;
	[sflag:s18] =	ssyncadd.s32 $0xFFFFFF80  }
0xcd: {  	[tilespmem:s4], [sflag:$0x2] =	stream.linear.gather [hbm4b:s31+s4], $0x80, $0x38;
	[tilespmem:$0x19800] =	vst v63  }
0xce: {  	_ =	swait.ge [sflag:s18], $0x80  }
0xcf: {  	[sflag:s18] =	ssyncset.done $0x0  }
0xd0: {  	[sflag:s18] =	ssyncadd.s32 $0xFFFFFF80  }
0xd1: {  	[tilespmem:s20], [sflag:$0x1] =	stream.indirect.gather [hbm4b:s8+s19], $0x20, s4, s19, $0xb8;
	[tilespmem:$0x19800] =	vst v63  }
0xd2: {  	_ =	swait.ge [sflag:s21], $0x1000  }
0xd3: {  	[sflag:s21] =	ssyncset.done $0x0  }
0xd4: {  	[sflag:s21] =	ssyncadd.s32 $0xFFFFF000  }
0xd5: {  	[spmem:s3] =	stream.indirect.scatter.add.f32 [tilespmem:s20], [sflag:$0x2], $0x20, s19, s19, $0xb8;
	[tilespmem:$0x19800] =	vst v63  }
0xd6: {  	_ =	swait.ge [sflag:s18], $0x1000  }
0xd7: {  	s23 =	simm.s32 $0x10;
	s24 =	simm.s32 $0x20;
	[sflag:s18] =	ssyncset.done $0x0  }
.LBB2_8:
0xd8: {  	s25 =	sadd.s32 s23, s16  }
0xd9: {  	[sflag:s18] =	ssyncadd.s32 $0xFFFFF000;
	s26 =	smov.u32 s24;
	s28 =	sadd.s32 $0x10, s24  }
0xda: {  	[tilespmem:s19], [sflag:$0x2] =	stream.linear.gather [hbm4b:s25+s4], $0x80, $0x38;
	[tilespmem:$0x19800] =	vst v63  }
0xdb: {  	p0 =	sne.s32 s24, $0xC30;
	_ =	swait.ge [sflag:s18], $0x80  }
0xdc: {  	[sflag:s18] =	ssyncset.done $0x0  }
0xdd: {  	s24 =	sadd.s32 s23, s15;
	s23 =	smov.u32 s26;
	[sflag:s18] =	ssyncadd.s32 $0xFFFFFF80  }
0xde: {  	[tilespmem:s4], [sflag:$0x2] =	stream.linear.gather [hbm4b:s24+s4], $0x80, $0x38;
	[tilespmem:$0x19800] =	vst v63  }
0xdf: {  	_ =	swait.ge [sflag:s18], $0x80  }
0xe0: {  	[sflag:s18] =	ssyncset.done $0x0  }
0xe1: {  	[sflag:s18] =	ssyncadd.s32 $0xFFFFFF80  }
0xe2: {  	[tilespmem:s20], [sflag:$0x1] =	stream.indirect.gather [hbm4b:s8+s19], $0x20, s4, s19, $0xb8;
	[tilespmem:$0x19800] =	vst v63  }
0xe3: {  	_ =	swait.ge [sflag:s21], $0x1000  }
.Ltmp3:
0xe4: {  	[sflag:s21] =	ssyncset.done $0x0;
	(pc) =	sbr.rel @p0 .LBB2_8-.Ltmp3, $4  }
0xe5: {  	[sflag:s21] =	ssyncadd.s32 $0xFFFFF000  }
0xe6: {  	[spmem:s3] =	stream.indirect.scatter.add.f32 [tilespmem:s20], [sflag:$0x2], $0x20, s19, s19, $0xb8;
	[tilespmem:$0x19800] =	vst v63  }
0xe7: {  	_ =	swait.ge [sflag:s18], $0x1000  }
0xe8: {  	s24 =	smov.u32 s28;
	[sflag:s18] =	ssyncset.done $0x0  }
0xe9: {  	s24 =	sadd.s32 s23, s16;
	[sflag:s18] =	ssyncadd.s32 $0xFFFFF000  }
0xea: {  	[tilespmem:s19], [sflag:$0x2] =	stream.linear.gather [hbm4b:s24+s4], $0x80, $0x38;
	[tilespmem:$0x19800] =	vst v63  }
0xeb: {  	_ =	swait.ge [sflag:s18], $0x80  }
0xec: {  	[sflag:s18] =	ssyncset.done $0x0  }
0xed: {  	s31 =	sadd.s32 s23, s15;
	[sflag:s18] =	ssyncadd.s32 $0xFFFFFF80  }
0xee: {  	[tilespmem:s4], [sflag:$0x2] =	stream.linear.gather [hbm4b:s31+s4], $0x80, $0x38;
	[tilespmem:$0x19800] =	vst v63  }
0xef: {  	_ =	swait.ge [sflag:s18], $0x80  }
0xf0: {  	[sflag:s18] =	ssyncset.done $0x0  }
0xf1: {  	[sflag:s18] =	ssyncadd.s32 $0xFFFFFF80  }
0xf2: {  	[tilespmem:s20], [sflag:$0x1] =	stream.indirect.gather [hbm4b:s8+s19], $0x20, s4, s19, $0xb8;
	[tilespmem:$0x19800] =	vst v63  }
0xf3: {  	_ =	swait.ge [sflag:s21], $0x1000  }
0xf4: {  	[sflag:s21] =	ssyncset.done $0x0  }
0xf5: {  	[sflag:s21] =	ssyncadd.s32 $0xFFFFF000  }
0xf6: {  	[spmem:s3] =	stream.indirect.scatter.add.f32 [tilespmem:s20], [sflag:$0x2], $0x20, s19, s19, $0xb8;
	[tilespmem:$0x19800] =	vst v63  }
0xf7: {  	_ =	swait.ge [sflag:s18], $0x1000  }
0xf8: {  	[sflag:s18] =	ssyncset.done $0x0  }
0xf9: {  	s22 =	sadd.s32 $0x1, s22;
	[sflag:s18] =	ssyncadd.s32 $0xFFFFF000  }
0xfa: {  	p0 =	sne.s32 s22, s14;
	[bflag:$0x0] =	sbarrier.arrive $0xFFFF  }
0xfb: {  	[hbm:s13], [sflag:s9] =	dma.local [spmem:s17], $0x30E0  }
.Ltmp4:
0xfc: {  	_ =	swait.ge [sflag:s18], $0x30E0;
	(pc) =	sbr.rel @p0 .LBB2_1-.Ltmp4, $3  }
0xfd: {  	[sflag:s18] =	ssyncset.done $0x0  }
0xfe: {  	[sflag:s18] =	ssyncadd.s32 $0xFFFFCF20  }
0xff: {  	[bflag:$0x0] =	sbarrier.arrive $0xFFFF;
	_ =	sdelay $0x1  }
0x100: {  	_ =	sfence.sel $0x180000  }
0x101: {  	[bflag:$0x0] =	sbarrier.arrive $0xFFFF  }
0x102: {  	p0 =	sne.s32 s0, $0x0;
	_ =	strace $0x90000050  }
0x103: {  	s0 =	sadd.s32 @!p0 $0x100000, s1;
	[bflag:$0x2] =	sbarrier.arrive $0xFFFF  }
0x104: {  	[sflag:s0] =	ssyncadd.tile.s32 @!p0 $0x1;
	_ =	shalt  }
.Lfunc_end2:
_tile_overlayer_lowered:
.L_overlay_start_2:
0x105: {  	(tag) =	ssettag $0x2  }
0x106: {  	s0 =	rddreg [dreg:$0x0];
	s2 =	stileid.u32  }
0x107: {  	s1 =	rddreg [dreg:$0x1];
	p0 =	sne.s32 s2, $0x0  }
0x108: {  	s3 =	rddreg [dreg:$0x2];
	[bflag:$0x3] =	sbarrier.arrive $0xFFFF;
	s2 =	simm.s32 @!p0 $0x1C02  }
0x109: {  	[timem:s3], [sflag:s2] =	dma.local @!p0 [hbm:s0], s1  }
0x10a: {  	s0 =	simm.s32 @!p0 $0x2  }
0x10b: {  	_ =	swait.ge @!p0 [sflag:s0], s1  }
0x10c: {  	s1 =	ssub.s32 @!p0 $0x0, s1;
	[sflag:s0] =	ssyncset.done @!p0 $0x0  }
0x10d: {  	[sflag:s0] =	ssyncadd.s32 @!p0 s1  }
0x10e: {  	[bflag:$0x3] =	sbarrier.arrive $0xFFFF  }
0x10f: {  	_ =	shalt  }

</sc_bundles>
